<compile_context>
chip_gen: v7x
topology: tpu7x:2x2x1
jax: 0.10.2.dev20260603
libtpu: 0.0.44.dev20260713+nightly
codegen_flags: <defaults>
</compile_context>

<pallas_src>
import functools

import jax
import jax.numpy as jnp
from jax import lax
from jax.experimental import pallas as pl
from jax.experimental.pallas import tpu as pltpu
from jax.experimental.pallas import tpu_sc as plsc

N = 10000
NPAD = 10240
E = 320000
H = 16

NW = 32
CH = 125
NCH = 80
ROWS_PER_TILE = NPAD // 16

_mesh = plsc.VectorSubcoreMesh(core_axis_name="c", subcore_axis_name="s")
_sc_params = pltpu.CompilerParams(use_tc_tiling_on_sc=False)



@functools.partial(
    pl.kernel,
    out_type=jax.ShapeDtypeStruct((2, NPAD, H), jnp.float32),
    mesh=_mesh,
    compiler_params=_sc_params,
    scratch_types=[
        pltpu.VMEM((NCH, CH), jnp.int32),
        pltpu.VMEM((128,), jnp.float32),
        pltpu.VMEM((ROWS_PER_TILE,), jnp.float32),
        pltpu.VMEM((ROWS_PER_TILE, H), jnp.float32),
        pltpu.VMEM_SHARED((NPAD,), jnp.float32),
        pltpu.SemaphoreType.DMA,
    ],
)
def _sc_deg(ei_hbm, deg_out, idx_d, ones_v, zbuf, dv16, deg_sh, sem):
    c = lax.axis_index("c")
    s = lax.axis_index("s")
    wid = c * 16 + s
    pltpu.sync_copy(ei_hbm.at[1, wid], idx_d)
    for k in range(8):
        ones_v[pl.ds(16 * k, 16)] = jnp.full((16,), 1.0, jnp.float32)
    for k in range(ROWS_PER_TILE // 16):
        zbuf[pl.ds(16 * k, 16)] = jnp.zeros((16,), jnp.float32)
    sl = pl.ds(s * ROWS_PER_TILE, ROWS_PER_TILE)
    pltpu.sync_copy(zbuf, deg_sh.at[sl])
    plsc.subcore_barrier()

    ones = ones_v.at[pl.ds(0, CH)]
    DEPTH = 8

    def start(j, carry):
        pltpu.async_copy(ones, deg_sh.at[idx_d.at[j]], sem, add=True)
        return carry

    def wait_one():
        pltpu.make_async_copy(ones, deg_sh.at[idx_d.at[0]], sem).wait()

    lax.fori_loop(0, DEPTH, start, 0)

    def roll(j, carry):
        wait_one()
        return start(j, carry)

    lax.fori_loop(DEPTH, NCH, roll, 0)

    def drain(j, carry):
        wait_one()
        return carry

    lax.fori_loop(0, DEPTH, drain, 0)
    plsc.subcore_barrier()
    pltpu.sync_copy(deg_sh.at[sl], zbuf)

    def bc(g, carry):
        dvec = zbuf[pl.ds(16 * g, 16)]
        for j in range(16):
            dv16[16 * g + j, :] = jnp.broadcast_to(dvec[j], (H,))
        return carry

    lax.fori_loop(0, ROWS_PER_TILE // 16, bc, 0)
    pltpu.sync_copy(dv16, deg_out.at[c, sl])


@functools.partial(
    pl.kernel,
    out_type=jax.ShapeDtypeStruct((2, NPAD, H), jnp.float32),
    mesh=_mesh,
    compiler_params=_sc_params,
    scratch_types=[
        pltpu.VMEM((NCH, CH), jnp.int32),
        pltpu.VMEM((NCH, CH), jnp.int32),
        pltpu.VMEM((CH, H), jnp.float32),
        pltpu.VMEM((CH, H), jnp.float32),
        pltpu.VMEM((CH, H), jnp.float32),
        pltpu.VMEM((CH, H), jnp.float32),
        pltpu.VMEM((ROWS_PER_TILE, H), jnp.float32),
        pltpu.VMEM_SHARED((NPAD, H), jnp.float32),
        pltpu.SemaphoreType.DMA,
        pltpu.SemaphoreType.DMA,
        pltpu.SemaphoreType.DMA,
        pltpu.SemaphoreType.DMA,
        pltpu.SemaphoreType.DMA,
        pltpu.SemaphoreType.DMA,
        pltpu.SemaphoreType.DMA,
        pltpu.SemaphoreType.DMA,
    ],
)
def _sc_agg(tab_hbm, ei_hbm, out_hbm,
            idx_s, idx_d, b0, b1, b2, b3, zacc, acc_sh,
            g0, g1, g2, g3, s0, s1, s2, s3):
    c = lax.axis_index("c")
    s = lax.axis_index("s")
    wid = c * 16 + s
    sl = pl.ds(s * ROWS_PER_TILE, ROWS_PER_TILE)
    cp_s = pltpu.async_copy(ei_hbm.at[0, wid], idx_s, g0)
    cp_d = pltpu.async_copy(ei_hbm.at[1, wid], idx_d, g1)

    def zero(i, carry):
        zacc[i, :] = jnp.zeros((H,), jnp.float32)
        return carry

    lax.fori_loop(0, ROWS_PER_TILE, zero, 0)
    pltpu.sync_copy(zacc, acc_sh.at[sl])
    cp_s.wait()
    cp_d.wait()
    plsc.subcore_barrier()

    bufs = (b0, b1, b2, b3)
    gsems = (g0, g1, g2, g3)
    ssems = (s0, s1, s2, s3)

    def g_start(j, k):
        pltpu.async_copy(tab_hbm.at[idx_s.at[j]], bufs[k], gsems[k])

    def g_wait(k):
        pltpu.make_async_copy(tab_hbm.at[idx_s.at[0]], bufs[k], gsems[k]).wait()

    def s_start(j, k):
        pltpu.async_copy(bufs[k], acc_sh.at[idx_d.at[j]], ssems[k], add=True)

    def s_wait(k):
        pltpu.make_async_copy(bufs[k], acc_sh.at[idx_d.at[0]], ssems[k]).wait()

    g_start(0, 0)
    g_start(1, 1)
    g_wait(0); s_start(0, 0); g_start(2, 2)
    g_wait(1); s_start(1, 1); g_start(3, 3)

    def body(i, carry):
        j = 4 * i + 2
        for cc in range(4):
            k = (2 + cc) % 4
            g_wait(k)
            s_start(j + cc, k)
            s_wait(cc)
            g_start(j + cc + 2, cc)
        return carry

    lax.fori_loop(0, (NCH - 4) // 4, body, 0)
    g_wait(2); s_start(NCH - 2, 2)
    g_wait(3); s_start(NCH - 1, 3)
    s_wait(0); s_wait(1); s_wait(2); s_wait(3)
    plsc.subcore_barrier()
    pltpu.sync_copy(acc_sh.at[sl], out_hbm.at[c, sl])



NR = NPAD // 8
NRV = N // 8

def _tc1a_body(x3_ref, w1_ref, h1_ref):
    for b in range(8):
        h1_ref[0:NRV, 16 * b:16 * (b + 1)] = jnp.dot(
            x3_ref[:, b, :], w1_ref[...], preferred_element_type=jnp.float32)
    h1_ref[NRV:NR, :] = jnp.zeros((NR - NRV, 128), jnp.float32)


def _tc1b_body(h1_ref, degp_ref, h1s_ref, dis_ref):
    dis = lax.rsqrt(degp_ref[0] + degp_ref[1] + 1.0)
    dis_ref[...] = dis
    h1s_ref[...] = h1_ref[...] * dis


def _tc2_body(pp_ref, h1s_ref, dis_ref, b1_ref, w2b_ref, h2s_ref):
    acc = pp_ref[0] + pp_ref[1] + h1s_ref[...]
    r = jnp.maximum(acc * dis_ref[...] + b1_ref[...], 0.0)
    h2 = jnp.dot(r, w2b_ref[...], preferred_element_type=jnp.float32)
    h2s_ref[0:NRV, :] = (h2 * dis_ref[...])[0:NRV]
    h2s_ref[NRV:NR, :] = jnp.zeros((NR - NRV, 128), jnp.float32)


def _tc3_body(qp_ref, h2s_ref, dis_ref, b2_ref, out_ref):
    acc = qp_ref[0, 0:NRV, :] + qp_ref[1, 0:NRV, :] + h2s_ref[0:NRV, :]
    out_ref[...] = acc * dis_ref[0:NRV, :] + b2_ref[...]


_tc1a = pl.pallas_call(
    _tc1a_body,
    out_shape=jax.ShapeDtypeStruct((NR, 128), jnp.float32),
)
_tc1b = pl.pallas_call(
    _tc1b_body,
    out_shape=[jax.ShapeDtypeStruct((NR, 128), jnp.float32),
               jax.ShapeDtypeStruct((NR, 128), jnp.float32)],
)
_tc2 = pl.pallas_call(
    _tc2_body,
    out_shape=jax.ShapeDtypeStruct((NR, 128), jnp.float32),
)
_tc3 = pl.pallas_call(
    _tc3_body,
    out_shape=jax.ShapeDtypeStruct((NRV, 128), jnp.float32),
)



def kernel(x, edge_index, W1, b1, W2, b2):
    f32 = jnp.float32
    ei = edge_index.astype(jnp.int32).reshape(2, NW, NCH, CH)
    w2b = jnp.kron(jnp.eye(8, dtype=f32), W2.astype(f32))
    b1w = jnp.tile(b1.astype(f32), 8).reshape(1, 128)
    b2w = jnp.tile(b2.astype(f32), 8).reshape(1, 128)
    x3 = x.astype(f32).reshape(NRV, 8, 128)

    degp = _sc_deg(ei)
    h1 = _tc1a(x3, W1.astype(f32))
    h1s, dis = _tc1b(h1, degp.reshape(2, NR, 128))
    pp = _sc_agg(h1s.reshape(NPAD, H), ei)
    h2s = _tc2(pp.reshape(2, NR, 128), h1s, dis, b1w, w2b)
    qp = _sc_agg(h2s.reshape(NPAD, H), ei)
    return _tc3(qp.reshape(2, NR, 128), h2s, dis, b2w).reshape(N, H)

# --- scband reference (transcript-rebuilt; emitter-appended) ---
"""Pipeline reference for scband-gcnnet-7421703488155 (READ-ONLY COPY).

The authoritative reference and input builder live on the scoring server;
editing this copy changes nothing except your own understanding.
"""

import jax, jax.numpy as jnp
import numpy as np

N_NODES = 10000
N_EDGES = 320000
D_FEAT = 128
H_DIM = 16
N_CLASSES = 16


def setup_inputs(seed: int = 0) -> dict:
    key = jax.random.key(seed)
    k1, k2, k3, k4, k5, k6 = jax.random.split(key, 6)
    x = jax.random.normal(k1, (N_NODES, D_FEAT), dtype=jnp.float32)
    edge_index = jax.random.randint(k2, (2, N_EDGES), 0, N_NODES, dtype=jnp.int64)
    W1 = jax.random.normal(k3, (D_FEAT, H_DIM), dtype=jnp.float32) * (1.0 / np.sqrt(D_FEAT))
    b1 = jnp.zeros((H_DIM,), dtype=jnp.float32)
    W2 = jax.random.normal(k4, (H_DIM, N_CLASSES), dtype=jnp.float32) * (1.0 / np.sqrt(H_DIM))
    b2 = jnp.zeros((N_CLASSES,), dtype=jnp.float32)
    return {"x": x, "edge_index": edge_index, "W1": W1, "b1": b1, "W2": W2, "b2": b2}


def gcn_conv(x, edge_index, W, b, num_nodes):
    # Linear transform first (PyG GCNConv order)
    h = x @ W
    src = edge_index[0]
    dst = edge_index[1]
    # Add self-loops
    loop = jnp.arange(num_nodes, dtype=src.dtype)
    src = jnp.concatenate([src, loop])
    dst = jnp.concatenate([dst, loop])
    # Symmetric normalization D^{-1/2} A_hat D^{-1/2}
    deg = jnp.zeros((num_nodes,), dtype=h.dtype).at[dst].add(1.0)
    deg_inv_sqrt = jnp.where(deg > 0, deg ** -0.5, 0.0)
    norm = deg_inv_sqrt[src] * deg_inv_sqrt[dst]
    # Gather messages from source nodes, scale, scatter-add to destination
    msg = h[src] * norm[:, None]
    out = jnp.zeros((num_nodes, h.shape[1]), dtype=h.dtype).at[dst].add(msg)
    return out + b


def reference(x, edge_index, W1, b1, W2, b2):
    num_nodes = x.shape[0]
    h = gcn_conv(x, edge_index, W1, b1, num_nodes)
    h = jax.nn.relu(h)
    # dropout omitted (deterministic eval-mode reference)
    out = gcn_conv(h, edge_index, W2, b2, num_nodes)
    return out

if __name__ == "__main__":
    import jax
    _d = setup_inputs()
    print(jax.jit(kernel)(*tuple(_d.values())))

</pallas_src>

<mosaic_0001>
#map = affine_map<(d0, d1) -> (0, 0)>
#map1 = affine_map<(d0, d1) -> (0, 0, 0, 0)>
#map2 = affine_map<(d0, d1) -> (0, 0, 0)>
module attributes {stable_mosaic.version = 14 : i64} {
  func.func @_sc_agg(%arg0: i32, %arg1: i32, %arg2: memref<10240x16xf32, #tpu.memory_space<hbm>>, %arg3: memref<2x32x80x125xi32, #tpu.memory_space<hbm>>, %arg4: memref<2x10240x16xf32, #tpu.memory_space<hbm>>, %arg5: memref<80x125xi32, #tpu.memory_space<vmem>>, %arg6: memref<80x125xi32, #tpu.memory_space<vmem>>, %arg7: memref<125x16xf32, #tpu.memory_space<vmem>>, %arg8: memref<125x16xf32, #tpu.memory_space<vmem>>, %arg9: memref<125x16xf32, #tpu.memory_space<vmem>>, %arg10: memref<125x16xf32, #tpu.memory_space<vmem>>, %arg11: memref<640x16xf32, #tpu.memory_space<vmem>>, %arg12: memref<10240x16xf32, #tpu.memory_space<vmem_shared>>, %arg13: memref<!tpu.dma_semaphore, #tpu.memory_space<semaphore_mem>>, %arg14: memref<!tpu.dma_semaphore, #tpu.memory_space<semaphore_mem>>, %arg15: memref<!tpu.dma_semaphore, #tpu.memory_space<semaphore_mem>>, %arg16: memref<!tpu.dma_semaphore, #tpu.memory_space<semaphore_mem>>, %arg17: memref<!tpu.dma_semaphore, #tpu.memory_space<semaphore_mem>>, %arg18: memref<!tpu.dma_semaphore, #tpu.memory_space<semaphore_mem>>, %arg19: memref<!tpu.dma_semaphore, #tpu.memory_space<semaphore_mem>>, %arg20: memref<!tpu.dma_semaphore, #tpu.memory_space<semaphore_mem>>) attributes {dimension_semantics = [#tpu.dimension_semantics<core_parallel>, #tpu.dimension_semantics<subcore_parallel>], iteration_bounds = array<i64: 2, 16>, scalar_prefetch = 0 : i64, scratch_operands = 16 : i64, tpu.core_type = #tpu.core_type<sc_vector_subcore>, window_params = [{transform_indices = #map}, {transform_indices = #map1}, {transform_indices = #map2}]} {
    %mul3A = arith.constant 16 : i32
    %mul3A_0 = arith.muli %arg0, %mul3A : i32
    %add3A = arith.addi %mul3A_0, %arg1 : i32
    %mul3A_1 = arith.constant 640 : i32
    %mul3A_2 = arith.muli %arg1, %mul3A_1 : i32
    %dma_start3A = arith.constant 0 : i32
    %dma_start3A_3 = arith.constant 0 : i32
    %dma_start3A_4 = arith.constant 0 : i32
    %dma_start3A_5 = tpu.memref_slice %arg3[%dma_start3A, %add3A, %dma_start3A_3, %dma_start3A_4] : memref<2x32x80x125xi32, #tpu.memory_space<hbm>> -> memref<1x1x80x125xi32, #tpu.memory_space<hbm>>
    %dma_start3A_6 = tpu.memref_squeeze %dma_start3A_5 : memref<1x1x80x125xi32, #tpu.memory_space<hbm>> -> memref<80x125xi32, #tpu.memory_space<hbm>>
    %dma_start3A_7 = arith.constant 0 : i32
    %dma_start3A_8 = arith.constant 0 : i32
    %dma_start3A_9 = tpu.memref_slice %arg3[%dma_start3A, %add3A, %dma_start3A_7, %dma_start3A_8] : memref<2x32x80x125xi32, #tpu.memory_space<hbm>> -> memref<1x1x80x125xi32, #tpu.memory_space<hbm>>
    %dma_start3A_10 = tpu.memref_squeeze %dma_start3A_9 : memref<1x1x80x125xi32, #tpu.memory_space<hbm>> -> memref<80x125xi32, #tpu.memory_space<hbm>>
    tpu.enqueue_dma source(%dma_start3A_10 : memref<80x125xi32, #tpu.memory_space<hbm>>) target(%arg5 : memref<80x125xi32, #tpu.memory_space<vmem>>) target_semaphore(%arg13 : memref<!tpu.dma_semaphore, #tpu.memory_space<semaphore_mem>>)
    %dma_start3A_11 = arith.constant 1 : i32
    %dma_start3A_12 = arith.constant 0 : i32
    %dma_start3A_13 = arith.constant 0 : i32
    %dma_start3A_14 = tpu.memref_slice %arg3[%dma_start3A_11, %add3A, %dma_start3A_12, %dma_start3A_13] : memref<2x32x80x125xi32, #tpu.memory_space<hbm>> -> memref<1x1x80x125xi32, #tpu.memory_space<hbm>>
    %dma_start3A_15 = tpu.memref_squeeze %dma_start3A_14 : memref<1x1x80x125xi32, #tpu.memory_space<hbm>> -> memref<80x125xi32, #tpu.memory_space<hbm>>
    %dma_start3A_16 = arith.constant 0 : i32
    %dma_start3A_17 = arith.constant 0 : i32
    %dma_start3A_18 = tpu.memref_slice %arg3[%dma_start3A_11, %add3A, %dma_start3A_16, %dma_start3A_17] : memref<2x32x80x125xi32, #tpu.memory_space<hbm>> -> memref<1x1x80x125xi32, #tpu.memory_space<hbm>>
    %dma_start3A_19 = tpu.memref_squeeze %dma_start3A_18 : memref<1x1x80x125xi32, #tpu.memory_space<hbm>> -> memref<80x125xi32, #tpu.memory_space<hbm>>
    tpu.enqueue_dma source(%dma_start3A_19 : memref<80x125xi32, #tpu.memory_space<hbm>>) target(%arg6 : memref<80x125xi32, #tpu.memory_space<vmem>>) target_semaphore(%arg14 : memref<!tpu.dma_semaphore, #tpu.memory_space<semaphore_mem>>)
    %scan3A = arith.constant 0 : i32
    %scan3A_20 = arith.constant 0 : i32
    %scan3A_21 = arith.constant 640 : i32
    %scan3A_22 = arith.addi %scan3A_20, %scan3A_21 : i32
    %scan3A_23 = arith.constant 1 : i32
    scf.for %scan3A_161 = %scan3A_20 to %scan3A_22 step %scan3A_23  : i32 {
      %broadcast_in_dim3A = arith.constant 0.000000e+00 : f32
      %broadcast_in_dim3A_162 = vector.broadcast %broadcast_in_dim3A : f32 to vector<16xf32>
      %swap3A = arith.index_cast %scan3A_161 : i32 to index
      %swap3A_163 = arith.constant 0 : index
      %swap3A_164 = tpu.vector_load %arg11[%swap3A, %swap3A_163] {strides = array<i32>} : memref<640x16xf32, #tpu.memory_space<vmem>>, vector<1x16xf32>,
      %swap3A_165 = vector.shape_cast %swap3A_164 : vector<1x16xf32> to vector<16xf32>
      %swap3A_166 = vector.shape_cast %broadcast_in_dim3A_162 : vector<16xf32> to vector<1x16xf32>
      tpu.vector_store %arg11[%swap3A, %swap3A_163], %swap3A_166 {strides = array<i32>} : memref<640x16xf32, #tpu.memory_space<vmem>>, vector<1x16xf32>,
    }
    %scan3A_24 = arith.constant 640 : i32
    "tpu.region"() ({
      %run_scoped3A = tpu.sem_alloc : memref<!tpu.dma_semaphore, #tpu.memory_space<semaphore_mem>>
      %dma_start3A_161 = arith.constant 0 : i32
      %dma_start3A_162 = tpu.memref_slice %arg12[%mul3A_2, %dma_start3A_161] : memref<10240x16xf32, #tpu.memory_space<vmem_shared>> -> memref<640x16xf32, #tpu.memory_space<vmem_shared>>
      %dma_start3A_163 = arith.constant 0 : i32
      %dma_start3A_164 = tpu.memref_slice %arg12[%mul3A_2, %dma_start3A_163] : memref<10240x16xf32, #tpu.memory_space<vmem_shared>> -> memref<640x16xf32, #tpu.memory_space<vmem_shared>>
      tpu.enqueue_dma source(%arg11 : memref<640x16xf32, #tpu.memory_space<vmem>>) target(%dma_start3A_164 : memref<640x16xf32, #tpu.memory_space<vmem_shared>>) target_semaphore(%run_scoped3A : memref<!tpu.dma_semaphore, #tpu.memory_space<semaphore_mem>>)
      %dma_wait3A_165 = arith.constant 0 : i32
      %dma_wait3A_166 = tpu.memref_slice %arg12[%mul3A_2, %dma_wait3A_165] : memref<10240x16xf32, #tpu.memory_space<vmem_shared>> -> memref<640x16xf32, #tpu.memory_space<vmem_shared>>
      %dma_wait3A_167 = arith.constant 0 : i32
      %dma_wait3A_168 = tpu.memref_slice %arg12[%mul3A_2, %dma_wait3A_167] : memref<10240x16xf32, #tpu.memory_space<vmem_shared>> -> memref<640x16xf32, #tpu.memory_space<vmem_shared>>
      tpu.wait_dma2 semaphore(%run_scoped3A : memref<!tpu.dma_semaphore, #tpu.memory_space<semaphore_mem>>) src(%arg11 : memref<640x16xf32, #tpu.memory_space<vmem>>) dst(%dma_wait3A_168 : memref<640x16xf32, #tpu.memory_space<vmem_shared>>)
      tpu.yield
    }) : () -> ()
    %dma_wait3A = arith.constant 0 : i32
    %dma_wait3A_25 = arith.constant 0 : i32
    %dma_wait3A_26 = arith.constant 0 : i32
    %dma_wait3A_27 = tpu.memref_slice %arg3[%dma_wait3A, %add3A, %dma_wait3A_25, %dma_wait3A_26] : memref<2x32x80x125xi32, #tpu.memory_space<hbm>> -> memref<1x1x80x125xi32, #tpu.memory_space<hbm>>
    %dma_wait3A_28 = tpu.memref_squeeze %dma_wait3A_27 : memref<1x1x80x125xi32, #tpu.memory_space<hbm>> -> memref<80x125xi32, #tpu.memory_space<hbm>>
    %dma_wait3A_29 = arith.constant 0 : i32
    %dma_wait3A_30 = arith.constant 0 : i32
    %dma_wait3A_31 = tpu.memref_slice %arg3[%dma_wait3A, %add3A, %dma_wait3A_29, %dma_wait3A_30] : memref<2x32x80x125xi32, #tpu.memory_space<hbm>> -> memref<1x1x80x125xi32, #tpu.memory_space<hbm>>
    %dma_wait3A_32 = tpu.memref_squeeze %dma_wait3A_31 : memref<1x1x80x125xi32, #tpu.memory_space<hbm>> -> memref<80x125xi32, #tpu.memory_space<hbm>>
    tpu.wait_dma2 semaphore(%arg13 : memref<!tpu.dma_semaphore, #tpu.memory_space<semaphore_mem>>) src(%dma_wait3A_32 : memref<80x125xi32, #tpu.memory_space<hbm>>) dst(%arg5 : memref<80x125xi32, #tpu.memory_space<vmem>>)
    %dma_wait3A_33 = arith.constant 1 : i32
    %dma_wait3A_34 = arith.constant 0 : i32
    %dma_wait3A_35 = arith.constant 0 : i32
    %dma_wait3A_36 = tpu.memref_slice %arg3[%dma_wait3A_33, %add3A, %dma_wait3A_34, %dma_wait3A_35] : memref<2x32x80x125xi32, #tpu.memory_space<hbm>> -> memref<1x1x80x125xi32, #tpu.memory_space<hbm>>
    %dma_wait3A_37 = tpu.memref_squeeze %dma_wait3A_36 : memref<1x1x80x125xi32, #tpu.memory_space<hbm>> -> memref<80x125xi32, #tpu.memory_space<hbm>>
    %dma_wait3A_38 = arith.constant 0 : i32
    %dma_wait3A_39 = arith.constant 0 : i32
    %dma_wait3A_40 = tpu.memref_slice %arg3[%dma_wait3A_33, %add3A, %dma_wait3A_38, %dma_wait3A_39] : memref<2x32x80x125xi32, #tpu.memory_space<hbm>> -> memref<1x1x80x125xi32, #tpu.memory_space<hbm>>
    %dma_wait3A_41 = tpu.memref_squeeze %dma_wait3A_40 : memref<1x1x80x125xi32, #tpu.memory_space<hbm>> -> memref<80x125xi32, #tpu.memory_space<hbm>>
    tpu.wait_dma2 semaphore(%arg14 : memref<!tpu.dma_semaphore, #tpu.memory_space<semaphore_mem>>) src(%dma_wait3A_41 : memref<80x125xi32, #tpu.memory_space<hbm>>) dst(%arg6 : memref<80x125xi32, #tpu.memory_space<vmem>>)
    %barrier3A = arith.constant 0 : index
    tpu.barrier barrier_id(%barrier3A)
    %dma_start3A_42 = arith.constant 0 : i32
    %dma_start3A_43 = arith.constant 0 : i32
    %dma_start3A_44 = tpu.memref_slice %arg5[%dma_start3A_42, %dma_start3A_43] : memref<80x125xi32, #tpu.memory_space<vmem>> -> memref<1x125xi32, #tpu.memory_space<vmem>>
    %dma_start3A_45 = tpu.memref_squeeze %dma_start3A_44 : memref<1x125xi32, #tpu.memory_space<vmem>> -> memref<125xi32, #tpu.memory_space<vmem>>
    %dma_start3A_46 = arith.constant 0 : i32
    %dma_start3A_47 = arith.constant 0 : i32
    %dma_start3A_48 = tpu.memref_slice %arg2[%dma_start3A_46, %dma_start3A_47] : memref<10240x16xf32, #tpu.memory_space<hbm>> -> memref<10240x16xf32, #tpu.memory_space<hbm>>
    tpu.enqueue_indirect_dma source(%dma_start3A_48 : memref<10240x16xf32, #tpu.memory_space<hbm>>) target(%arg7 : memref<125x16xf32, #tpu.memory_space<vmem>>) offsets(%dma_start3A_45 : memref<125xi32, #tpu.memory_space<vmem>>) semaphore(%arg13 : memref<!tpu.dma_semaphore, #tpu.memory_space<semaphore_mem>>)
    %dma_start3A_49 = arith.constant 1 : i32
    %dma_start3A_50 = arith.constant 0 : i32
    %dma_start3A_51 = tpu.memref_slice %arg5[%dma_start3A_49, %dma_start3A_50] : memref<80x125xi32, #tpu.memory_space<vmem>> -> memref<1x125xi32, #tpu.memory_space<vmem>>
    %dma_start3A_52 = tpu.memref_squeeze %dma_start3A_51 : memref<1x125xi32, #tpu.memory_space<vmem>> -> memref<125xi32, #tpu.memory_space<vmem>>
    %dma_start3A_53 = arith.constant 0 : i32
    %dma_start3A_54 = arith.constant 0 : i32
    %dma_start3A_55 = tpu.memref_slice %arg2[%dma_start3A_53, %dma_start3A_54] : memref<10240x16xf32, #tpu.memory_space<hbm>> -> memref<10240x16xf32, #tpu.memory_space<hbm>>
    tpu.enqueue_indirect_dma source(%dma_start3A_55 : memref<10240x16xf32, #tpu.memory_space<hbm>>) target(%arg8 : memref<125x16xf32, #tpu.memory_space<vmem>>) offsets(%dma_start3A_52 : memref<125xi32, #tpu.memory_space<vmem>>) semaphore(%arg14 : memref<!tpu.dma_semaphore, #tpu.memory_space<semaphore_mem>>)
    %dma_wait3A_56 = arith.constant 0 : i32
    %dma_wait3A_57 = arith.constant 0 : i32
    %dma_wait3A_58 = tpu.memref_slice %arg5[%dma_wait3A_56, %dma_wait3A_57] : memref<80x125xi32, #tpu.memory_space<vmem>> -> memref<1x125xi32, #tpu.memory_space<vmem>>
    %dma_wait3A_59 = tpu.memref_squeeze %dma_wait3A_58 : memref<1x125xi32, #tpu.memory_space<vmem>> -> memref<125xi32, #tpu.memory_space<vmem>>
    %dma_wait3A_60 = arith.constant 0 : i32
    %dma_wait3A_61 = arith.constant 0 : i32
    %dma_wait3A_62 = tpu.memref_slice %arg2[%dma_wait3A_60, %dma_wait3A_61] : memref<10240x16xf32, #tpu.memory_space<hbm>> -> memref<10240x16xf32, #tpu.memory_space<hbm>>
    tpu.wait_indirect_dma semaphore(%arg13 : memref<!tpu.dma_semaphore, #tpu.memory_space<semaphore_mem>>) src(%dma_wait3A_62 : memref<10240x16xf32, #tpu.memory_space<hbm>>) dst(%arg7 : memref<125x16xf32, #tpu.memory_space<vmem>>)
    %dma_start3A_63 = arith.constant 0 : i32
    %dma_start3A_64 = arith.constant 0 : i32
    %dma_start3A_65 = tpu.memref_slice %arg6[%dma_start3A_63, %dma_start3A_64] : memref<80x125xi32, #tpu.memory_space<vmem>> -> memref<1x125xi32, #tpu.memory_space<vmem>>
    %dma_start3A_66 = tpu.memref_squeeze %dma_start3A_65 : memref<1x125xi32, #tpu.memory_space<vmem>> -> memref<125xi32, #tpu.memory_space<vmem>>
    %dma_start3A_67 = arith.constant 0 : i32
    %dma_start3A_68 = arith.constant 0 : i32
    %dma_start3A_69 = tpu.memref_slice %arg12[%dma_start3A_67, %dma_start3A_68] : memref<10240x16xf32, #tpu.memory_space<vmem_shared>> -> memref<10240x16xf32, #tpu.memory_space<vmem_shared>>
    tpu.enqueue_indirect_dma source(%arg7 : memref<125x16xf32, #tpu.memory_space<vmem>>) target(%dma_start3A_69 : memref<10240x16xf32, #tpu.memory_space<vmem_shared>>) offsets(%dma_start3A_66 : memref<125xi32, #tpu.memory_space<vmem>>) semaphore(%arg17 : memref<!tpu.dma_semaphore, #tpu.memory_space<semaphore_mem>>) {add = true}
    %dma_start3A_70 = arith.constant 2 : i32
    %dma_start3A_71 = arith.constant 0 : i32
    %dma_start3A_72 = tpu.memref_slice %arg5[%dma_start3A_70, %dma_start3A_71] : memref<80x125xi32, #tpu.memory_space<vmem>> -> memref<1x125xi32, #tpu.memory_space<vmem>>
    %dma_start3A_73 = tpu.memref_squeeze %dma_start3A_72 : memref<1x125xi32, #tpu.memory_space<vmem>> -> memref<125xi32, #tpu.memory_space<vmem>>
    %dma_start3A_74 = arith.constant 0 : i32
    %dma_start3A_75 = arith.constant 0 : i32
    %dma_start3A_76 = tpu.memref_slice %arg2[%dma_start3A_74, %dma_start3A_75] : memref<10240x16xf32, #tpu.memory_space<hbm>> -> memref<10240x16xf32, #tpu.memory_space<hbm>>
    tpu.enqueue_indirect_dma source(%dma_start3A_76 : memref<10240x16xf32, #tpu.memory_space<hbm>>) target(%arg9 : memref<125x16xf32, #tpu.memory_space<vmem>>) offsets(%dma_start3A_73 : memref<125xi32, #tpu.memory_space<vmem>>) semaphore(%arg15 : memref<!tpu.dma_semaphore, #tpu.memory_space<semaphore_mem>>)
    %dma_wait3A_77 = arith.constant 0 : i32
    %dma_wait3A_78 = arith.constant 0 : i32
    %dma_wait3A_79 = tpu.memref_slice %arg5[%dma_wait3A_77, %dma_wait3A_78] : memref<80x125xi32, #tpu.memory_space<vmem>> -> memref<1x125xi32, #tpu.memory_space<vmem>>
    %dma_wait3A_80 = tpu.memref_squeeze %dma_wait3A_79 : memref<1x125xi32, #tpu.memory_space<vmem>> -> memref<125xi32, #tpu.memory_space<vmem>>
    %dma_wait3A_81 = arith.constant 0 : i32
    %dma_wait3A_82 = arith.constant 0 : i32
    %dma_wait3A_83 = tpu.memref_slice %arg2[%dma_wait3A_81, %dma_wait3A_82] : memref<10240x16xf32, #tpu.memory_space<hbm>> -> memref<10240x16xf32, #tpu.memory_space<hbm>>
    tpu.wait_indirect_dma semaphore(%arg14 : memref<!tpu.dma_semaphore, #tpu.memory_space<semaphore_mem>>) src(%dma_wait3A_83 : memref<10240x16xf32, #tpu.memory_space<hbm>>) dst(%arg8 : memref<125x16xf32, #tpu.memory_space<vmem>>)
    %dma_start3A_84 = arith.constant 1 : i32
    %dma_start3A_85 = arith.constant 0 : i32
    %dma_start3A_86 = tpu.memref_slice %arg6[%dma_start3A_84, %dma_start3A_85] : memref<80x125xi32, #tpu.memory_space<vmem>> -> memref<1x125xi32, #tpu.memory_space<vmem>>
    %dma_start3A_87 = tpu.memref_squeeze %dma_start3A_86 : memref<1x125xi32, #tpu.memory_space<vmem>> -> memref<125xi32, #tpu.memory_space<vmem>>
    %dma_start3A_88 = arith.constant 0 : i32
    %dma_start3A_89 = arith.constant 0 : i32
    %dma_start3A_90 = tpu.memref_slice %arg12[%dma_start3A_88, %dma_start3A_89] : memref<10240x16xf32, #tpu.memory_space<vmem_shared>> -> memref<10240x16xf32, #tpu.memory_space<vmem_shared>>
    tpu.enqueue_indirect_dma source(%arg8 : memref<125x16xf32, #tpu.memory_space<vmem>>) target(%dma_start3A_90 : memref<10240x16xf32, #tpu.memory_space<vmem_shared>>) offsets(%dma_start3A_87 : memref<125xi32, #tpu.memory_space<vmem>>) semaphore(%arg18 : memref<!tpu.dma_semaphore, #tpu.memory_space<semaphore_mem>>) {add = true}
    %dma_start3A_91 = arith.constant 3 : i32
    %dma_start3A_92 = arith.constant 0 : i32
    %dma_start3A_93 = tpu.memref_slice %arg5[%dma_start3A_91, %dma_start3A_92] : memref<80x125xi32, #tpu.memory_space<vmem>> -> memref<1x125xi32, #tpu.memory_space<vmem>>
    %dma_start3A_94 = tpu.memref_squeeze %dma_start3A_93 : memref<1x125xi32, #tpu.memory_space<vmem>> -> memref<125xi32, #tpu.memory_space<vmem>>
    %dma_start3A_95 = arith.constant 0 : i32
    %dma_start3A_96 = arith.constant 0 : i32
    %dma_start3A_97 = tpu.memref_slice %arg2[%dma_start3A_95, %dma_start3A_96] : memref<10240x16xf32, #tpu.memory_space<hbm>> -> memref<10240x16xf32, #tpu.memory_space<hbm>>
    tpu.enqueue_indirect_dma source(%dma_start3A_97 : memref<10240x16xf32, #tpu.memory_space<hbm>>) target(%arg10 : memref<125x16xf32, #tpu.memory_space<vmem>>) offsets(%dma_start3A_94 : memref<125xi32, #tpu.memory_space<vmem>>) semaphore(%arg16 : memref<!tpu.dma_semaphore, #tpu.memory_space<semaphore_mem>>)
    %scan3A_98 = arith.constant 0 : i32
    %scan3A_99 = arith.constant 0 : i32
    %scan3A_100 = arith.constant 19 : i32
    %scan3A_101 = arith.addi %scan3A_99, %scan3A_100 : i32
    %scan3A_102 = arith.constant 1 : i32
    scf.for %scan3A_161 = %scan3A_99 to %scan3A_101 step %scan3A_102  : i32 {
      %mul3A_162 = arith.constant 4 : i32
      %mul3A_163 = arith.muli %mul3A_162, %scan3A_161 : i32
      %add3A_164 = arith.constant 2 : i32
      %add3A_165 = arith.addi %mul3A_163, %add3A_164 : i32
      %dma_wait3A_166 = arith.constant 0 : i32
      %dma_wait3A_167 = arith.constant 0 : i32
      %dma_wait3A_168 = tpu.memref_slice %arg5[%dma_wait3A_166, %dma_wait3A_167] : memref<80x125xi32, #tpu.memory_space<vmem>> -> memref<1x125xi32, #tpu.memory_space<vmem>>
      %dma_wait3A_169 = tpu.memref_squeeze %dma_wait3A_168 : memref<1x125xi32, #tpu.memory_space<vmem>> -> memref<125xi32, #tpu.memory_space<vmem>>
      %dma_wait3A_170 = arith.constant 0 : i32
      %dma_wait3A_171 = arith.constant 0 : i32
      %dma_wait3A_172 = tpu.memref_slice %arg2[%dma_wait3A_170, %dma_wait3A_171] : memref<10240x16xf32, #tpu.memory_space<hbm>> -> memref<10240x16xf32, #tpu.memory_space<hbm>>
      tpu.wait_indirect_dma semaphore(%arg15 : memref<!tpu.dma_semaphore, #tpu.memory_space<semaphore_mem>>) src(%dma_wait3A_172 : memref<10240x16xf32, #tpu.memory_space<hbm>>) dst(%arg9 : memref<125x16xf32, #tpu.memory_space<vmem>>)
      %add3A_173 = arith.constant 0 : i32
      %add3A_174 = arith.addi %add3A_165, %add3A_173 : i32
      %dma_start3A_175 = arith.constant 0 : i32
      %dma_start3A_176 = tpu.memref_slice %arg6[%add3A_174, %dma_start3A_175] : memref<80x125xi32, #tpu.memory_space<vmem>> -> memref<1x125xi32, #tpu.memory_space<vmem>>
      %dma_start3A_177 = tpu.memref_squeeze %dma_start3A_176 : memref<1x125xi32, #tpu.memory_space<vmem>> -> memref<125xi32, #tpu.memory_space<vmem>>
      %dma_start3A_178 = arith.constant 0 : i32
      %dma_start3A_179 = arith.constant 0 : i32
      %dma_start3A_180 = tpu.memref_slice %arg12[%dma_start3A_178, %dma_start3A_179] : memref<10240x16xf32, #tpu.memory_space<vmem_shared>> -> memref<10240x16xf32, #tpu.memory_space<vmem_shared>>
      tpu.enqueue_indirect_dma source(%arg9 : memref<125x16xf32, #tpu.memory_space<vmem>>) target(%dma_start3A_180 : memref<10240x16xf32, #tpu.memory_space<vmem_shared>>) offsets(%dma_start3A_177 : memref<125xi32, #tpu.memory_space<vmem>>) semaphore(%arg19 : memref<!tpu.dma_semaphore, #tpu.memory_space<semaphore_mem>>) {add = true}
      %dma_wait3A_181 = arith.constant 0 : i32
      %dma_wait3A_182 = arith.constant 0 : i32
      %dma_wait3A_183 = tpu.memref_slice %arg6[%dma_wait3A_181, %dma_wait3A_182] : memref<80x125xi32, #tpu.memory_space<vmem>> -> memref<1x125xi32, #tpu.memory_space<vmem>>
      %dma_wait3A_184 = tpu.memref_squeeze %dma_wait3A_183 : memref<1x125xi32, #tpu.memory_space<vmem>> -> memref<125xi32, #tpu.memory_space<vmem>>
      %dma_wait3A_185 = arith.constant 0 : i32
      %dma_wait3A_186 = arith.constant 0 : i32
      %dma_wait3A_187 = tpu.memref_slice %arg12[%dma_wait3A_185, %dma_wait3A_186] : memref<10240x16xf32, #tpu.memory_space<vmem_shared>> -> memref<10240x16xf32, #tpu.memory_space<vmem_shared>>
      tpu.wait_indirect_dma semaphore(%arg17 : memref<!tpu.dma_semaphore, #tpu.memory_space<semaphore_mem>>) src(%arg7 : memref<125x16xf32, #tpu.memory_space<vmem>>) dst(%dma_wait3A_187 : memref<10240x16xf32, #tpu.memory_space<vmem_shared>>)
      %add3A_188 = arith.constant 0 : i32
      %add3A_189 = arith.addi %add3A_165, %add3A_188 : i32
      %add3A_190 = arith.constant 2 : i32
      %add3A_191 = arith.addi %add3A_189, %add3A_190 : i32
      %dma_start3A_192 = arith.constant 0 : i32
      %dma_start3A_193 = tpu.memref_slice %arg5[%add3A_191, %dma_start3A_192] : memref<80x125xi32, #tpu.memory_space<vmem>> -> memref<1x125xi32, #tpu.memory_space<vmem>>
      %dma_start3A_194 = tpu.memref_squeeze %dma_start3A_193 : memref<1x125xi32, #tpu.memory_space<vmem>> -> memref<125xi32, #tpu.memory_space<vmem>>
      %dma_start3A_195 = arith.constant 0 : i32
      %dma_start3A_196 = arith.constant 0 : i32
      %dma_start3A_197 = tpu.memref_slice %arg2[%dma_start3A_195, %dma_start3A_196] : memref<10240x16xf32, #tpu.memory_space<hbm>> -> memref<10240x16xf32, #tpu.memory_space<hbm>>
      tpu.enqueue_indirect_dma source(%dma_start3A_197 : memref<10240x16xf32, #tpu.memory_space<hbm>>) target(%arg7 : memref<125x16xf32, #tpu.memory_space<vmem>>) offsets(%dma_start3A_194 : memref<125xi32, #tpu.memory_space<vmem>>) semaphore(%arg13 : memref<!tpu.dma_semaphore, #tpu.memory_space<semaphore_mem>>)
      %dma_wait3A_198 = arith.constant 0 : i32
      %dma_wait3A_199 = arith.constant 0 : i32
      %dma_wait3A_200 = tpu.memref_slice %arg5[%dma_wait3A_198, %dma_wait3A_199] : memref<80x125xi32, #tpu.memory_space<vmem>> -> memref<1x125xi32, #tpu.memory_space<vmem>>
      %dma_wait3A_201 = tpu.memref_squeeze %dma_wait3A_200 : memref<1x125xi32, #tpu.memory_space<vmem>> -> memref<125xi32, #tpu.memory_space<vmem>>
      %dma_wait3A_202 = arith.constant 0 : i32
      %dma_wait3A_203 = arith.constant 0 : i32
      %dma_wait3A_204 = tpu.memref_slice %arg2[%dma_wait3A_202, %dma_wait3A_203] : memref<10240x16xf32, #tpu.memory_space<hbm>> -> memref<10240x16xf32, #tpu.memory_space<hbm>>
      tpu.wait_indirect_dma semaphore(%arg16 : memref<!tpu.dma_semaphore, #tpu.memory_space<semaphore_mem>>) src(%dma_wait3A_204 : memref<10240x16xf32, #tpu.memory_space<hbm>>) dst(%arg10 : memref<125x16xf32, #tpu.memory_space<vmem>>)
      %add3A_205 = arith.constant 1 : i32
      %add3A_206 = arith.addi %add3A_165, %add3A_205 : i32
      %dma_start3A_207 = arith.constant 0 : i32
      %dma_start3A_208 = tpu.memref_slice %arg6[%add3A_206, %dma_start3A_207] : memref<80x125xi32, #tpu.memory_space<vmem>> -> memref<1x125xi32, #tpu.memory_space<vmem>>
      %dma_start3A_209 = tpu.memref_squeeze %dma_start3A_208 : memref<1x125xi32, #tpu.memory_space<vmem>> -> memref<125xi32, #tpu.memory_space<vmem>>
      %dma_start3A_210 = arith.constant 0 : i32
      %dma_start3A_211 = arith.constant 0 : i32
      %dma_start3A_212 = tpu.memref_slice %arg12[%dma_start3A_210, %dma_start3A_211] : memref<10240x16xf32, #tpu.memory_space<vmem_shared>> -> memref<10240x16xf32, #tpu.memory_space<vmem_shared>>
      tpu.enqueue_indirect_dma source(%arg10 : memref<125x16xf32, #tpu.memory_space<vmem>>) target(%dma_start3A_212 : memref<10240x16xf32, #tpu.memory_space<vmem_shared>>) offsets(%dma_start3A_209 : memref<125xi32, #tpu.memory_space<vmem>>) semaphore(%arg20 : memref<!tpu.dma_semaphore, #tpu.memory_space<semaphore_mem>>) {add = true}
      %dma_wait3A_213 = arith.constant 0 : i32
      %dma_wait3A_214 = arith.constant 0 : i32
      %dma_wait3A_215 = tpu.memref_slice %arg6[%dma_wait3A_213, %dma_wait3A_214] : memref<80x125xi32, #tpu.memory_space<vmem>> -> memref<1x125xi32, #tpu.memory_space<vmem>>
      %dma_wait3A_216 = tpu.memref_squeeze %dma_wait3A_215 : memref<1x125xi32, #tpu.memory_space<vmem>> -> memref<125xi32, #tpu.memory_space<vmem>>
      %dma_wait3A_217 = arith.constant 0 : i32
      %dma_wait3A_218 = arith.constant 0 : i32
      %dma_wait3A_219 = tpu.memref_slice %arg12[%dma_wait3A_217, %dma_wait3A_218] : memref<10240x16xf32, #tpu.memory_space<vmem_shared>> -> memref<10240x16xf32, #tpu.memory_space<vmem_shared>>
      tpu.wait_indirect_dma semaphore(%arg18 : memref<!tpu.dma_semaphore, #tpu.memory_space<semaphore_mem>>) src(%arg8 : memref<125x16xf32, #tpu.memory_space<vmem>>) dst(%dma_wait3A_219 : memref<10240x16xf32, #tpu.memory_space<vmem_shared>>)
      %add3A_220 = arith.constant 1 : i32
      %add3A_221 = arith.addi %add3A_165, %add3A_220 : i32
      %add3A_222 = arith.constant 2 : i32
      %add3A_223 = arith.addi %add3A_221, %add3A_222 : i32
      %dma_start3A_224 = arith.constant 0 : i32
      %dma_start3A_225 = tpu.memref_slice %arg5[%add3A_223, %dma_start3A_224] : memref<80x125xi32, #tpu.memory_space<vmem>> -> memref<1x125xi32, #tpu.memory_space<vmem>>
      %dma_start3A_226 = tpu.memref_squeeze %dma_start3A_225 : memref<1x125xi32, #tpu.memory_space<vmem>> -> memref<125xi32, #tpu.memory_space<vmem>>
      %dma_start3A_227 = arith.constant 0 : i32
      %dma_start3A_228 = arith.constant 0 : i32
      %dma_start3A_229 = tpu.memref_slice %arg2[%dma_start3A_227, %dma_start3A_228] : memref<10240x16xf32, #tpu.memory_space<hbm>> -> memref<10240x16xf32, #tpu.memory_space<hbm>>
      tpu.enqueue_indirect_dma source(%dma_start3A_229 : memref<10240x16xf32, #tpu.memory_space<hbm>>) target(%arg8 : memref<125x16xf32, #tpu.memory_space<vmem>>) offsets(%dma_start3A_226 : memref<125xi32, #tpu.memory_space<vmem>>) semaphore(%arg14 : memref<!tpu.dma_semaphore, #tpu.memory_space<semaphore_mem>>)
      %dma_wait3A_230 = arith.constant 0 : i32
      %dma_wait3A_231 = arith.constant 0 : i32
      %dma_wait3A_232 = tpu.memref_slice %arg5[%dma_wait3A_230, %dma_wait3A_231] : memref<80x125xi32, #tpu.memory_space<vmem>> -> memref<1x125xi32, #tpu.memory_space<vmem>>
      %dma_wait3A_233 = tpu.memref_squeeze %dma_wait3A_232 : memref<1x125xi32, #tpu.memory_space<vmem>> -> memref<125xi32, #tpu.memory_space<vmem>>
      %dma_wait3A_234 = arith.constant 0 : i32
      %dma_wait3A_235 = arith.constant 0 : i32
      %dma_wait3A_236 = tpu.memref_slice %arg2[%dma_wait3A_234, %dma_wait3A_235] : memref<10240x16xf32, #tpu.memory_space<hbm>> -> memref<10240x16xf32, #tpu.memory_space<hbm>>
      tpu.wait_indirect_dma semaphore(%arg13 : memref<!tpu.dma_semaphore, #tpu.memory_space<semaphore_mem>>) src(%dma_wait3A_236 : memref<10240x16xf32, #tpu.memory_space<hbm>>) dst(%arg7 : memref<125x16xf32, #tpu.memory_space<vmem>>)
      %add3A_237 = arith.constant 2 : i32
      %add3A_238 = arith.addi %add3A_165, %add3A_237 : i32
      %dma_start3A_239 = arith.constant 0 : i32
      %dma_start3A_240 = tpu.memref_slice %arg6[%add3A_238, %dma_start3A_239] : memref<80x125xi32, #tpu.memory_space<vmem>> -> memref<1x125xi32, #tpu.memory_space<vmem>>
      %dma_start3A_241 = tpu.memref_squeeze %dma_start3A_240 : memref<1x125xi32, #tpu.memory_space<vmem>> -> memref<125xi32, #tpu.memory_space<vmem>>
      %dma_start3A_242 = arith.constant 0 : i32
      %dma_start3A_243 = arith.constant 0 : i32
      %dma_start3A_244 = tpu.memref_slice %arg12[%dma_start3A_242, %dma_start3A_243] : memref<10240x16xf32, #tpu.memory_space<vmem_shared>> -> memref<10240x16xf32, #tpu.memory_space<vmem_shared>>
      tpu.enqueue_indirect_dma source(%arg7 : memref<125x16xf32, #tpu.memory_space<vmem>>) target(%dma_start3A_244 : memref<10240x16xf32, #tpu.memory_space<vmem_shared>>) offsets(%dma_start3A_241 : memref<125xi32, #tpu.memory_space<vmem>>) semaphore(%arg17 : memref<!tpu.dma_semaphore, #tpu.memory_space<semaphore_mem>>) {add = true}
      %dma_wait3A_245 = arith.constant 0 : i32
      %dma_wait3A_246 = arith.constant 0 : i32
      %dma_wait3A_247 = tpu.memref_slice %arg6[%dma_wait3A_245, %dma_wait3A_246] : memref<80x125xi32, #tpu.memory_space<vmem>> -> memref<1x125xi32, #tpu.memory_space<vmem>>
      %dma_wait3A_248 = tpu.memref_squeeze %dma_wait3A_247 : memref<1x125xi32, #tpu.memory_space<vmem>> -> memref<125xi32, #tpu.memory_space<vmem>>
      %dma_wait3A_249 = arith.constant 0 : i32
      %dma_wait3A_250 = arith.constant 0 : i32
      %dma_wait3A_251 = tpu.memref_slice %arg12[%dma_wait3A_249, %dma_wait3A_250] : memref<10240x16xf32, #tpu.memory_space<vmem_shared>> -> memref<10240x16xf32, #tpu.memory_space<vmem_shared>>
      tpu.wait_indirect_dma semaphore(%arg19 : memref<!tpu.dma_semaphore, #tpu.memory_space<semaphore_mem>>) src(%arg9 : memref<125x16xf32, #tpu.memory_space<vmem>>) dst(%dma_wait3A_251 : memref<10240x16xf32, #tpu.memory_space<vmem_shared>>)
      %add3A_252 = arith.constant 2 : i32
      %add3A_253 = arith.addi %add3A_165, %add3A_252 : i32
      %add3A_254 = arith.constant 2 : i32
      %add3A_255 = arith.addi %add3A_253, %add3A_254 : i32
      %dma_start3A_256 = arith.constant 0 : i32
      %dma_start3A_257 = tpu.memref_slice %arg5[%add3A_255, %dma_start3A_256] : memref<80x125xi32, #tpu.memory_space<vmem>> -> memref<1x125xi32, #tpu.memory_space<vmem>>
      %dma_start3A_258 = tpu.memref_squeeze %dma_start3A_257 : memref<1x125xi32, #tpu.memory_space<vmem>> -> memref<125xi32, #tpu.memory_space<vmem>>
      %dma_start3A_259 = arith.constant 0 : i32
      %dma_start3A_260 = arith.constant 0 : i32
      %dma_start3A_261 = tpu.memref_slice %arg2[%dma_start3A_259, %dma_start3A_260] : memref<10240x16xf32, #tpu.memory_space<hbm>> -> memref<10240x16xf32, #tpu.memory_space<hbm>>
      tpu.enqueue_indirect_dma source(%dma_start3A_261 : memref<10240x16xf32, #tpu.memory_space<hbm>>) target(%arg9 : memref<125x16xf32, #tpu.memory_space<vmem>>) offsets(%dma_start3A_258 : memref<125xi32, #tpu.memory_space<vmem>>) semaphore(%arg15 : memref<!tpu.dma_semaphore, #tpu.memory_space<semaphore_mem>>)
      %dma_wait3A_262 = arith.constant 0 : i32
      %dma_wait3A_263 = arith.constant 0 : i32
      %dma_wait3A_264 = tpu.memref_slice %arg5[%dma_wait3A_262, %dma_wait3A_263] : memref<80x125xi32, #tpu.memory_space<vmem>> -> memref<1x125xi32, #tpu.memory_space<vmem>>
      %dma_wait3A_265 = tpu.memref_squeeze %dma_wait3A_264 : memref<1x125xi32, #tpu.memory_space<vmem>> -> memref<125xi32, #tpu.memory_space<vmem>>
      %dma_wait3A_266 = arith.constant 0 : i32
      %dma_wait3A_267 = arith.constant 0 : i32
      %dma_wait3A_268 = tpu.memref_slice %arg2[%dma_wait3A_266, %dma_wait3A_267] : memref<10240x16xf32, #tpu.memory_space<hbm>> -> memref<10240x16xf32, #tpu.memory_space<hbm>>
      tpu.wait_indirect_dma semaphore(%arg14 : memref<!tpu.dma_semaphore, #tpu.memory_space<semaphore_mem>>) src(%dma_wait3A_268 : memref<10240x16xf32, #tpu.memory_space<hbm>>) dst(%arg8 : memref<125x16xf32, #tpu.memory_space<vmem>>)
      %add3A_269 = arith.constant 3 : i32
      %add3A_270 = arith.addi %add3A_165, %add3A_269 : i32
      %dma_start3A_271 = arith.constant 0 : i32
      %dma_start3A_272 = tpu.memref_slice %arg6[%add3A_270, %dma_start3A_271] : memref<80x125xi32, #tpu.memory_space<vmem>> -> memref<1x125xi32, #tpu.memory_space<vmem>>
      %dma_start3A_273 = tpu.memref_squeeze %dma_start3A_272 : memref<1x125xi32, #tpu.memory_space<vmem>> -> memref<125xi32, #tpu.memory_space<vmem>>
      %dma_start3A_274 = arith.constant 0 : i32
      %dma_start3A_275 = arith.constant 0 : i32
      %dma_start3A_276 = tpu.memref_slice %arg12[%dma_start3A_274, %dma_start3A_275] : memref<10240x16xf32, #tpu.memory_space<vmem_shared>> -> memref<10240x16xf32, #tpu.memory_space<vmem_shared>>
      tpu.enqueue_indirect_dma source(%arg8 : memref<125x16xf32, #tpu.memory_space<vmem>>) target(%dma_start3A_276 : memref<10240x16xf32, #tpu.memory_space<vmem_shared>>) offsets(%dma_start3A_273 : memref<125xi32, #tpu.memory_space<vmem>>) semaphore(%arg18 : memref<!tpu.dma_semaphore, #tpu.memory_space<semaphore_mem>>) {add = true}
      %dma_wait3A_277 = arith.constant 0 : i32
      %dma_wait3A_278 = arith.constant 0 : i32
      %dma_wait3A_279 = tpu.memref_slice %arg6[%dma_wait3A_277, %dma_wait3A_278] : memref<80x125xi32, #tpu.memory_space<vmem>> -> memref<1x125xi32, #tpu.memory_space<vmem>>
      %dma_wait3A_280 = tpu.memref_squeeze %dma_wait3A_279 : memref<1x125xi32, #tpu.memory_space<vmem>> -> memref<125xi32, #tpu.memory_space<vmem>>
      %dma_wait3A_281 = arith.constant 0 : i32
      %dma_wait3A_282 = arith.constant 0 : i32
      %dma_wait3A_283 = tpu.memref_slice %arg12[%dma_wait3A_281, %dma_wait3A_282] : memref<10240x16xf32, #tpu.memory_space<vmem_shared>> -> memref<10240x16xf32, #tpu.memory_space<vmem_shared>>
      tpu.wait_indirect_dma semaphore(%arg20 : memref<!tpu.dma_semaphore, #tpu.memory_space<semaphore_mem>>) src(%arg10 : memref<125x16xf32, #tpu.memory_space<vmem>>) dst(%dma_wait3A_283 : memref<10240x16xf32, #tpu.memory_space<vmem_shared>>)
      %add3A_284 = arith.constant 3 : i32
      %add3A_285 = arith.addi %add3A_165, %add3A_284 : i32
      %add3A_286 = arith.constant 2 : i32
      %add3A_287 = arith.addi %add3A_285, %add3A_286 : i32
      %dma_start3A_288 = arith.constant 0 : i32
      %dma_start3A_289 = tpu.memref_slice %arg5[%add3A_287, %dma_start3A_288] : memref<80x125xi32, #tpu.memory_space<vmem>> -> memref<1x125xi32, #tpu.memory_space<vmem>>
      %dma_start3A_290 = tpu.memref_squeeze %dma_start3A_289 : memref<1x125xi32, #tpu.memory_space<vmem>> -> memref<125xi32, #tpu.memory_space<vmem>>
      %dma_start3A_291 = arith.constant 0 : i32
      %dma_start3A_292 = arith.constant 0 : i32
      %dma_start3A_293 = tpu.memref_slice %arg2[%dma_start3A_291, %dma_start3A_292] : memref<10240x16xf32, #tpu.memory_space<hbm>> -> memref<10240x16xf32, #tpu.memory_space<hbm>>
      tpu.enqueue_indirect_dma source(%dma_start3A_293 : memref<10240x16xf32, #tpu.memory_space<hbm>>) target(%arg10 : memref<125x16xf32, #tpu.memory_space<vmem>>) offsets(%dma_start3A_290 : memref<125xi32, #tpu.memory_space<vmem>>) semaphore(%arg16 : memref<!tpu.dma_semaphore, #tpu.memory_space<semaphore_mem>>)
    }
    %scan3A_103 = arith.constant 19 : i32
    %dma_wait3A_104 = arith.constant 0 : i32
    %dma_wait3A_105 = arith.constant 0 : i32
    %dma_wait3A_106 = tpu.memref_slice %arg5[%dma_wait3A_104, %dma_wait3A_105] : memref<80x125xi32, #tpu.memory_space<vmem>> -> memref<1x125xi32, #tpu.memory_space<vmem>>
    %dma_wait3A_107 = tpu.memref_squeeze %dma_wait3A_106 : memref<1x125xi32, #tpu.memory_space<vmem>> -> memref<125xi32, #tpu.memory_space<vmem>>
    %dma_wait3A_108 = arith.constant 0 : i32
    %dma_wait3A_109 = arith.constant 0 : i32
    %dma_wait3A_110 = tpu.memref_slice %arg2[%dma_wait3A_108, %dma_wait3A_109] : memref<10240x16xf32, #tpu.memory_space<hbm>> -> memref<10240x16xf32, #tpu.memory_space<hbm>>
    tpu.wait_indirect_dma semaphore(%arg15 : memref<!tpu.dma_semaphore, #tpu.memory_space<semaphore_mem>>) src(%dma_wait3A_110 : memref<10240x16xf32, #tpu.memory_space<hbm>>) dst(%arg9 : memref<125x16xf32, #tpu.memory_space<vmem>>)
    %dma_start3A_111 = arith.constant 78 : i32
    %dma_start3A_112 = arith.constant 0 : i32
    %dma_start3A_113 = tpu.memref_slice %arg6[%dma_start3A_111, %dma_start3A_112] : memref<80x125xi32, #tpu.memory_space<vmem>> -> memref<1x125xi32, #tpu.memory_space<vmem>>
    %dma_start3A_114 = tpu.memref_squeeze %dma_start3A_113 : memref<1x125xi32, #tpu.memory_space<vmem>> -> memref<125xi32, #tpu.memory_space<vmem>>
    %dma_start3A_115 = arith.constant 0 : i32
    %dma_start3A_116 = arith.constant 0 : i32
    %dma_start3A_117 = tpu.memref_slice %arg12[%dma_start3A_115, %dma_start3A_116] : memref<10240x16xf32, #tpu.memory_space<vmem_shared>> -> memref<10240x16xf32, #tpu.memory_space<vmem_shared>>
    tpu.enqueue_indirect_dma source(%arg9 : memref<125x16xf32, #tpu.memory_space<vmem>>) target(%dma_start3A_117 : memref<10240x16xf32, #tpu.memory_space<vmem_shared>>) offsets(%dma_start3A_114 : memref<125xi32, #tpu.memory_space<vmem>>) semaphore(%arg19 : memref<!tpu.dma_semaphore, #tpu.memory_space<semaphore_mem>>) {add = true}
    %dma_wait3A_118 = arith.constant 0 : i32
    %dma_wait3A_119 = arith.constant 0 : i32
    %dma_wait3A_120 = tpu.memref_slice %arg5[%dma_wait3A_118, %dma_wait3A_119] : memref<80x125xi32, #tpu.memory_space<vmem>> -> memref<1x125xi32, #tpu.memory_space<vmem>>
    %dma_wait3A_121 = tpu.memref_squeeze %dma_wait3A_120 : memref<1x125xi32, #tpu.memory_space<vmem>> -> memref<125xi32, #tpu.memory_space<vmem>>
    %dma_wait3A_122 = arith.constant 0 : i32
    %dma_wait3A_123 = arith.constant 0 : i32
    %dma_wait3A_124 = tpu.memref_slice %arg2[%dma_wait3A_122, %dma_wait3A_123] : memref<10240x16xf32, #tpu.memory_space<hbm>> -> memref<10240x16xf32, #tpu.memory_space<hbm>>
    tpu.wait_indirect_dma semaphore(%arg16 : memref<!tpu.dma_semaphore, #tpu.memory_space<semaphore_mem>>) src(%dma_wait3A_124 : memref<10240x16xf32, #tpu.memory_space<hbm>>) dst(%arg10 : memref<125x16xf32, #tpu.memory_space<vmem>>)
    %dma_start3A_125 = arith.constant 79 : i32
    %dma_start3A_126 = arith.constant 0 : i32
    %dma_start3A_127 = tpu.memref_slice %arg6[%dma_start3A_125, %dma_start3A_126] : memref<80x125xi32, #tpu.memory_space<vmem>> -> memref<1x125xi32, #tpu.memory_space<vmem>>
    %dma_start3A_128 = tpu.memref_squeeze %dma_start3A_127 : memref<1x125xi32, #tpu.memory_space<vmem>> -> memref<125xi32, #tpu.memory_space<vmem>>
    %dma_start3A_129 = arith.constant 0 : i32
    %dma_start3A_130 = arith.constant 0 : i32
    %dma_start3A_131 = tpu.memref_slice %arg12[%dma_start3A_129, %dma_start3A_130] : memref<10240x16xf32, #tpu.memory_space<vmem_shared>> -> memref<10240x16xf32, #tpu.memory_space<vmem_shared>>
    tpu.enqueue_indirect_dma source(%arg10 : memref<125x16xf32, #tpu.memory_space<vmem>>) target(%dma_start3A_131 : memref<10240x16xf32, #tpu.memory_space<vmem_shared>>) offsets(%dma_start3A_128 : memref<125xi32, #tpu.memory_space<vmem>>) semaphore(%arg20 : memref<!tpu.dma_semaphore, #tpu.memory_space<semaphore_mem>>) {add = true}
    %dma_wait3A_132 = arith.constant 0 : i32
    %dma_wait3A_133 = arith.constant 0 : i32
    %dma_wait3A_134 = tpu.memref_slice %arg6[%dma_wait3A_132, %dma_wait3A_133] : memref<80x125xi32, #tpu.memory_space<vmem>> -> memref<1x125xi32, #tpu.memory_space<vmem>>
    %dma_wait3A_135 = tpu.memref_squeeze %dma_wait3A_134 : memref<1x125xi32, #tpu.memory_space<vmem>> -> memref<125xi32, #tpu.memory_space<vmem>>
    %dma_wait3A_136 = arith.constant 0 : i32
    %dma_wait3A_137 = arith.constant 0 : i32
    %dma_wait3A_138 = tpu.memref_slice %arg12[%dma_wait3A_136, %dma_wait3A_137] : memref<10240x16xf32, #tpu.memory_space<vmem_shared>> -> memref<10240x16xf32, #tpu.memory_space<vmem_shared>>
    tpu.wait_indirect_dma semaphore(%arg17 : memref<!tpu.dma_semaphore, #tpu.memory_space<semaphore_mem>>) src(%arg7 : memref<125x16xf32, #tpu.memory_space<vmem>>) dst(%dma_wait3A_138 : memref<10240x16xf32, #tpu.memory_space<vmem_shared>>)
    %dma_wait3A_139 = arith.constant 0 : i32
    %dma_wait3A_140 = arith.constant 0 : i32
    %dma_wait3A_141 = tpu.memref_slice %arg6[%dma_wait3A_139, %dma_wait3A_140] : memref<80x125xi32, #tpu.memory_space<vmem>> -> memref<1x125xi32, #tpu.memory_space<vmem>>
    %dma_wait3A_142 = tpu.memref_squeeze %dma_wait3A_141 : memref<1x125xi32, #tpu.memory_space<vmem>> -> memref<125xi32, #tpu.memory_space<vmem>>
    %dma_wait3A_143 = arith.constant 0 : i32
    %dma_wait3A_144 = arith.constant 0 : i32
    %dma_wait3A_145 = tpu.memref_slice %arg12[%dma_wait3A_143, %dma_wait3A_144] : memref<10240x16xf32, #tpu.memory_space<vmem_shared>> -> memref<10240x16xf32, #tpu.memory_space<vmem_shared>>
    tpu.wait_indirect_dma semaphore(%arg18 : memref<!tpu.dma_semaphore, #tpu.memory_space<semaphore_mem>>) src(%arg8 : memref<125x16xf32, #tpu.memory_space<vmem>>) dst(%dma_wait3A_145 : memref<10240x16xf32, #tpu.memory_space<vmem_shared>>)
    %dma_wait3A_146 = arith.constant 0 : i32
    %dma_wait3A_147 = arith.constant 0 : i32
    %dma_wait3A_148 = tpu.memref_slice %arg6[%dma_wait3A_146, %dma_wait3A_147] : memref<80x125xi32, #tpu.memory_space<vmem>> -> memref<1x125xi32, #tpu.memory_space<vmem>>
    %dma_wait3A_149 = tpu.memref_squeeze %dma_wait3A_148 : memref<1x125xi32, #tpu.memory_space<vmem>> -> memref<125xi32, #tpu.memory_space<vmem>>
    %dma_wait3A_150 = arith.constant 0 : i32
    %dma_wait3A_151 = arith.constant 0 : i32
    %dma_wait3A_152 = tpu.memref_slice %arg12[%dma_wait3A_150, %dma_wait3A_151] : memref<10240x16xf32, #tpu.memory_space<vmem_shared>> -> memref<10240x16xf32, #tpu.memory_space<vmem_shared>>
    tpu.wait_indirect_dma semaphore(%arg19 : memref<!tpu.dma_semaphore, #tpu.memory_space<semaphore_mem>>) src(%arg9 : memref<125x16xf32, #tpu.memory_space<vmem>>) dst(%dma_wait3A_152 : memref<10240x16xf32, #tpu.memory_space<vmem_shared>>)
    %dma_wait3A_153 = arith.constant 0 : i32
    %dma_wait3A_154 = arith.constant 0 : i32
    %dma_wait3A_155 = tpu.memref_slice %arg6[%dma_wait3A_153, %dma_wait3A_154] : memref<80x125xi32, #tpu.memory_space<vmem>> -> memref<1x125xi32, #tpu.memory_space<vmem>>
    %dma_wait3A_156 = tpu.memref_squeeze %dma_wait3A_155 : memref<1x125xi32, #tpu.memory_space<vmem>> -> memref<125xi32, #tpu.memory_space<vmem>>
    %dma_wait3A_157 = arith.constant 0 : i32
    %dma_wait3A_158 = arith.constant 0 : i32
    %dma_wait3A_159 = tpu.memref_slice %arg12[%dma_wait3A_157, %dma_wait3A_158] : memref<10240x16xf32, #tpu.memory_space<vmem_shared>> -> memref<10240x16xf32, #tpu.memory_space<vmem_shared>>
    tpu.wait_indirect_dma semaphore(%arg20 : memref<!tpu.dma_semaphore, #tpu.memory_space<semaphore_mem>>) src(%arg10 : memref<125x16xf32, #tpu.memory_space<vmem>>) dst(%dma_wait3A_159 : memref<10240x16xf32, #tpu.memory_space<vmem_shared>>)
    %barrier3A_160 = arith.constant 0 : index
    tpu.barrier barrier_id(%barrier3A_160)
    "tpu.region"() ({
      %run_scoped3A = tpu.sem_alloc : memref<!tpu.dma_semaphore, #tpu.memory_space<semaphore_mem>>
      %dma_start3A_161 = arith.constant 0 : i32
      %dma_start3A_162 = tpu.memref_slice %arg4[%arg0, %mul3A_2, %dma_start3A_161] : memref<2x10240x16xf32, #tpu.memory_space<hbm>> -> memref<1x640x16xf32, #tpu.memory_space<hbm>>
      %dma_start3A_163 = tpu.memref_squeeze %dma_start3A_162 : memref<1x640x16xf32, #tpu.memory_space<hbm>> -> memref<640x16xf32, #tpu.memory_space<hbm>>
      %dma_start3A_164 = arith.constant 0 : i32
      %dma_start3A_165 = tpu.memref_slice %arg12[%mul3A_2, %dma_start3A_164] : memref<10240x16xf32, #tpu.memory_space<vmem_shared>> -> memref<640x16xf32, #tpu.memory_space<vmem_shared>>
      tpu.enqueue_dma source(%dma_start3A_165 : memref<640x16xf32, #tpu.memory_space<vmem_shared>>) target(%dma_start3A_163 : memref<640x16xf32, #tpu.memory_space<hbm>>) target_semaphore(%run_scoped3A : memref<!tpu.dma_semaphore, #tpu.memory_space<semaphore_mem>>)
      %dma_wait3A_166 = arith.constant 0 : i32
      %dma_wait3A_167 = tpu.memref_slice %arg4[%arg0, %mul3A_2, %dma_wait3A_166] : memref<2x10240x16xf32, #tpu.memory_space<hbm>> -> memref<1x640x16xf32, #tpu.memory_space<hbm>>
      %dma_wait3A_168 = tpu.memref_squeeze %dma_wait3A_167 : memref<1x640x16xf32, #tpu.memory_space<hbm>> -> memref<640x16xf32, #tpu.memory_space<hbm>>
      %dma_wait3A_169 = arith.constant 0 : i32
      %dma_wait3A_170 = tpu.memref_slice %arg12[%mul3A_2, %dma_wait3A_169] : memref<10240x16xf32, #tpu.memory_space<vmem_shared>> -> memref<640x16xf32, #tpu.memory_space<vmem_shared>>
      tpu.wait_dma2 semaphore(%run_scoped3A : memref<!tpu.dma_semaphore, #tpu.memory_space<semaphore_mem>>) src(%dma_wait3A_170 : memref<640x16xf32, #tpu.memory_space<vmem_shared>>) dst(%dma_wait3A_168 : memref<640x16xf32, #tpu.memory_space<hbm>>)
      tpu.yield
    }) : () -> ()
    return
  }
}

#map = affine_map<(d0, d1) -> (0, 0, 0, 0)>
#map1 = affine_map<(d0, d1) -> (0, 0, 0)>
module attributes {stable_mosaic.version = 14 : i64} {
  func.func @_sc_deg(%arg0: i32, %arg1: i32, %arg2: memref<2x32x80x125xi32, #tpu.memory_space<hbm>>, %arg3: memref<2x10240x16xf32, #tpu.memory_space<hbm>>, %arg4: memref<80x125xi32, #tpu.memory_space<vmem>>, %arg5: memref<128xf32, #tpu.memory_space<vmem>>, %arg6: memref<640xf32, #tpu.memory_space<vmem>>, %arg7: memref<640x16xf32, #tpu.memory_space<vmem>>, %arg8: memref<10240xf32, #tpu.memory_space<vmem_shared>>, %arg9: memref<!tpu.dma_semaphore, #tpu.memory_space<semaphore_mem>>) attributes {dimension_semantics = [#tpu.dimension_semantics<core_parallel>, #tpu.dimension_semantics<subcore_parallel>], iteration_bounds = array<i64: 2, 16>, scalar_prefetch = 0 : i64, scratch_operands = 6 : i64, tpu.core_type = #tpu.core_type<sc_vector_subcore>, window_params = [{transform_indices = #map}, {transform_indices = #map1}]} {
    %mul3A = arith.constant 16 : i32
    %mul3A_0 = arith.muli %arg0, %mul3A : i32
    %add3A = arith.addi %mul3A_0, %arg1 : i32
    %run_scoped3A = arith.constant 1 : i32
    "tpu.region"() ({
      %run_scoped3A_313 = tpu.sem_alloc : memref<!tpu.dma_semaphore, #tpu.memory_space<semaphore_mem>>
      %dma_start3A = arith.constant 0 : i32
      %dma_start3A_314 = arith.constant 0 : i32
      %dma_start3A_315 = tpu.memref_slice %arg2[%run_scoped3A, %add3A, %dma_start3A, %dma_start3A_314] : memref<2x32x80x125xi32, #tpu.memory_space<hbm>> -> memref<1x1x80x125xi32, #tpu.memory_space<hbm>>
      %dma_start3A_316 = tpu.memref_squeeze %dma_start3A_315 : memref<1x1x80x125xi32, #tpu.memory_space<hbm>> -> memref<80x125xi32, #tpu.memory_space<hbm>>
      %dma_start3A_317 = arith.constant 0 : i32
      %dma_start3A_318 = arith.constant 0 : i32
      %dma_start3A_319 = tpu.memref_slice %arg2[%run_scoped3A, %add3A, %dma_start3A_317, %dma_start3A_318] : memref<2x32x80x125xi32, #tpu.memory_space<hbm>> -> memref<1x1x80x125xi32, #tpu.memory_space<hbm>>
      %dma_start3A_320 = tpu.memref_squeeze %dma_start3A_319 : memref<1x1x80x125xi32, #tpu.memory_space<hbm>> -> memref<80x125xi32, #tpu.memory_space<hbm>>
      tpu.enqueue_dma source(%dma_start3A_320 : memref<80x125xi32, #tpu.memory_space<hbm>>) target(%arg4 : memref<80x125xi32, #tpu.memory_space<vmem>>) target_semaphore(%run_scoped3A_313 : memref<!tpu.dma_semaphore, #tpu.memory_space<semaphore_mem>>)
      %dma_wait3A = arith.constant 0 : i32
      %dma_wait3A_321 = arith.constant 0 : i32
      %dma_wait3A_322 = tpu.memref_slice %arg2[%run_scoped3A, %add3A, %dma_wait3A, %dma_wait3A_321] : memref<2x32x80x125xi32, #tpu.memory_space<hbm>> -> memref<1x1x80x125xi32, #tpu.memory_space<hbm>>
      %dma_wait3A_323 = tpu.memref_squeeze %dma_wait3A_322 : memref<1x1x80x125xi32, #tpu.memory_space<hbm>> -> memref<80x125xi32, #tpu.memory_space<hbm>>
      %dma_wait3A_324 = arith.constant 0 : i32
      %dma_wait3A_325 = arith.constant 0 : i32
      %dma_wait3A_326 = tpu.memref_slice %arg2[%run_scoped3A, %add3A, %dma_wait3A_324, %dma_wait3A_325] : memref<2x32x80x125xi32, #tpu.memory_space<hbm>> -> memref<1x1x80x125xi32, #tpu.memory_space<hbm>>
      %dma_wait3A_327 = tpu.memref_squeeze %dma_wait3A_326 : memref<1x1x80x125xi32, #tpu.memory_space<hbm>> -> memref<80x125xi32, #tpu.memory_space<hbm>>
      tpu.wait_dma2 semaphore(%run_scoped3A_313 : memref<!tpu.dma_semaphore, #tpu.memory_space<semaphore_mem>>) src(%dma_wait3A_327 : memref<80x125xi32, #tpu.memory_space<hbm>>) dst(%arg4 : memref<80x125xi32, #tpu.memory_space<vmem>>)
      tpu.yield
    }) : () -> ()
    %broadcast_in_dim3A = arith.constant 1.000000e+00 : f32
    %broadcast_in_dim3A_1 = vector.broadcast %broadcast_in_dim3A : f32 to vector<16xf32>
    %swap3A = arith.constant 0 : index
    %swap3A_2 = tpu.vector_load %arg5[%swap3A] {strides = array<i32>} : memref<128xf32, #tpu.memory_space<vmem>>, vector<16xf32>,
    %swap3A_3 = vector.shape_cast %swap3A_2 : vector<16xf32> to vector<16xf32>
    %swap3A_4 = vector.shape_cast %broadcast_in_dim3A_1 : vector<16xf32> to vector<16xf32>
    tpu.vector_store %arg5[%swap3A], %swap3A_4 {strides = array<i32>} : memref<128xf32, #tpu.memory_space<vmem>>, vector<16xf32>,
    %broadcast_in_dim3A_5 = arith.constant 1.000000e+00 : f32
    %broadcast_in_dim3A_6 = vector.broadcast %broadcast_in_dim3A_5 : f32 to vector<16xf32>
    %swap3A_7 = arith.constant 16 : index
    %swap3A_8 = tpu.vector_load %arg5[%swap3A_7] {strides = array<i32>} : memref<128xf32, #tpu.memory_space<vmem>>, vector<16xf32>,
    %swap3A_9 = vector.shape_cast %swap3A_8 : vector<16xf32> to vector<16xf32>
    %swap3A_10 = vector.shape_cast %broadcast_in_dim3A_6 : vector<16xf32> to vector<16xf32>
    tpu.vector_store %arg5[%swap3A_7], %swap3A_10 {strides = array<i32>} : memref<128xf32, #tpu.memory_space<vmem>>, vector<16xf32>,
    %broadcast_in_dim3A_11 = arith.constant 1.000000e+00 : f32
    %broadcast_in_dim3A_12 = vector.broadcast %broadcast_in_dim3A_11 : f32 to vector<16xf32>
    %swap3A_13 = arith.constant 32 : index
    %swap3A_14 = tpu.vector_load %arg5[%swap3A_13] {strides = array<i32>} : memref<128xf32, #tpu.memory_space<vmem>>, vector<16xf32>,
    %swap3A_15 = vector.shape_cast %swap3A_14 : vector<16xf32> to vector<16xf32>
    %swap3A_16 = vector.shape_cast %broadcast_in_dim3A_12 : vector<16xf32> to vector<16xf32>
    tpu.vector_store %arg5[%swap3A_13], %swap3A_16 {strides = array<i32>} : memref<128xf32, #tpu.memory_space<vmem>>, vector<16xf32>,
    %broadcast_in_dim3A_17 = arith.constant 1.000000e+00 : f32
    %broadcast_in_dim3A_18 = vector.broadcast %broadcast_in_dim3A_17 : f32 to vector<16xf32>
    %swap3A_19 = arith.constant 48 : index
    %swap3A_20 = tpu.vector_load %arg5[%swap3A_19] {strides = array<i32>} : memref<128xf32, #tpu.memory_space<vmem>>, vector<16xf32>,
    %swap3A_21 = vector.shape_cast %swap3A_20 : vector<16xf32> to vector<16xf32>
    %swap3A_22 = vector.shape_cast %broadcast_in_dim3A_18 : vector<16xf32> to vector<16xf32>
    tpu.vector_store %arg5[%swap3A_19], %swap3A_22 {strides = array<i32>} : memref<128xf32, #tpu.memory_space<vmem>>, vector<16xf32>,
    %broadcast_in_dim3A_23 = arith.constant 1.000000e+00 : f32
    %broadcast_in_dim3A_24 = vector.broadcast %broadcast_in_dim3A_23 : f32 to vector<16xf32>
    %swap3A_25 = arith.constant 64 : index
    %swap3A_26 = tpu.vector_load %arg5[%swap3A_25] {strides = array<i32>} : memref<128xf32, #tpu.memory_space<vmem>>, vector<16xf32>,
    %swap3A_27 = vector.shape_cast %swap3A_26 : vector<16xf32> to vector<16xf32>
    %swap3A_28 = vector.shape_cast %broadcast_in_dim3A_24 : vector<16xf32> to vector<16xf32>
    tpu.vector_store %arg5[%swap3A_25], %swap3A_28 {strides = array<i32>} : memref<128xf32, #tpu.memory_space<vmem>>, vector<16xf32>,
    %broadcast_in_dim3A_29 = arith.constant 1.000000e+00 : f32
    %broadcast_in_dim3A_30 = vector.broadcast %broadcast_in_dim3A_29 : f32 to vector<16xf32>
    %swap3A_31 = arith.constant 80 : index
    %swap3A_32 = tpu.vector_load %arg5[%swap3A_31] {strides = array<i32>} : memref<128xf32, #tpu.memory_space<vmem>>, vector<16xf32>,
    %swap3A_33 = vector.shape_cast %swap3A_32 : vector<16xf32> to vector<16xf32>
    %swap3A_34 = vector.shape_cast %broadcast_in_dim3A_30 : vector<16xf32> to vector<16xf32>
    tpu.vector_store %arg5[%swap3A_31], %swap3A_34 {strides = array<i32>} : memref<128xf32, #tpu.memory_space<vmem>>, vector<16xf32>,
    %broadcast_in_dim3A_35 = arith.constant 1.000000e+00 : f32
    %broadcast_in_dim3A_36 = vector.broadcast %broadcast_in_dim3A_35 : f32 to vector<16xf32>
    %swap3A_37 = arith.constant 96 : index
    %swap3A_38 = tpu.vector_load %arg5[%swap3A_37] {strides = array<i32>} : memref<128xf32, #tpu.memory_space<vmem>>, vector<16xf32>,
    %swap3A_39 = vector.shape_cast %swap3A_38 : vector<16xf32> to vector<16xf32>
    %swap3A_40 = vector.shape_cast %broadcast_in_dim3A_36 : vector<16xf32> to vector<16xf32>
    tpu.vector_store %arg5[%swap3A_37], %swap3A_40 {strides = array<i32>} : memref<128xf32, #tpu.memory_space<vmem>>, vector<16xf32>,
    %broadcast_in_dim3A_41 = arith.constant 1.000000e+00 : f32
    %broadcast_in_dim3A_42 = vector.broadcast %broadcast_in_dim3A_41 : f32 to vector<16xf32>
    %swap3A_43 = arith.constant 112 : index
    %swap3A_44 = tpu.vector_load %arg5[%swap3A_43] {strides = array<i32>} : memref<128xf32, #tpu.memory_space<vmem>>, vector<16xf32>,
    %swap3A_45 = vector.shape_cast %swap3A_44 : vector<16xf32> to vector<16xf32>
    %swap3A_46 = vector.shape_cast %broadcast_in_dim3A_42 : vector<16xf32> to vector<16xf32>
    tpu.vector_store %arg5[%swap3A_43], %swap3A_46 {strides = array<i32>} : memref<128xf32, #tpu.memory_space<vmem>>, vector<16xf32>,
    %broadcast_in_dim3A_47 = arith.constant 0.000000e+00 : f32
    %broadcast_in_dim3A_48 = vector.broadcast %broadcast_in_dim3A_47 : f32 to vector<16xf32>
    %swap3A_49 = arith.constant 0 : index
    %swap3A_50 = tpu.vector_load %arg6[%swap3A_49] {strides = array<i32>} : memref<640xf32, #tpu.memory_space<vmem>>, vector<16xf32>,
    %swap3A_51 = vector.shape_cast %swap3A_50 : vector<16xf32> to vector<16xf32>
    %swap3A_52 = vector.shape_cast %broadcast_in_dim3A_48 : vector<16xf32> to vector<16xf32>
    tpu.vector_store %arg6[%swap3A_49], %swap3A_52 {strides = array<i32>} : memref<640xf32, #tpu.memory_space<vmem>>, vector<16xf32>,
    %broadcast_in_dim3A_53 = arith.constant 0.000000e+00 : f32
    %broadcast_in_dim3A_54 = vector.broadcast %broadcast_in_dim3A_53 : f32 to vector<16xf32>
    %swap3A_55 = arith.constant 16 : index
    %swap3A_56 = tpu.vector_load %arg6[%swap3A_55] {strides = array<i32>} : memref<640xf32, #tpu.memory_space<vmem>>, vector<16xf32>,
    %swap3A_57 = vector.shape_cast %swap3A_56 : vector<16xf32> to vector<16xf32>
    %swap3A_58 = vector.shape_cast %broadcast_in_dim3A_54 : vector<16xf32> to vector<16xf32>
    tpu.vector_store %arg6[%swap3A_55], %swap3A_58 {strides = array<i32>} : memref<640xf32, #tpu.memory_space<vmem>>, vector<16xf32>,
    %broadcast_in_dim3A_59 = arith.constant 0.000000e+00 : f32
    %broadcast_in_dim3A_60 = vector.broadcast %broadcast_in_dim3A_59 : f32 to vector<16xf32>
    %swap3A_61 = arith.constant 32 : index
    %swap3A_62 = tpu.vector_load %arg6[%swap3A_61] {strides = array<i32>} : memref<640xf32, #tpu.memory_space<vmem>>, vector<16xf32>,
    %swap3A_63 = vector.shape_cast %swap3A_62 : vector<16xf32> to vector<16xf32>
    %swap3A_64 = vector.shape_cast %broadcast_in_dim3A_60 : vector<16xf32> to vector<16xf32>
    tpu.vector_store %arg6[%swap3A_61], %swap3A_64 {strides = array<i32>} : memref<640xf32, #tpu.memory_space<vmem>>, vector<16xf32>,
    %broadcast_in_dim3A_65 = arith.constant 0.000000e+00 : f32
    %broadcast_in_dim3A_66 = vector.broadcast %broadcast_in_dim3A_65 : f32 to vector<16xf32>
    %swap3A_67 = arith.constant 48 : index
    %swap3A_68 = tpu.vector_load %arg6[%swap3A_67] {strides = array<i32>} : memref<640xf32, #tpu.memory_space<vmem>>, vector<16xf32>,
    %swap3A_69 = vector.shape_cast %swap3A_68 : vector<16xf32> to vector<16xf32>
    %swap3A_70 = vector.shape_cast %broadcast_in_dim3A_66 : vector<16xf32> to vector<16xf32>
    tpu.vector_store %arg6[%swap3A_67], %swap3A_70 {strides = array<i32>} : memref<640xf32, #tpu.memory_space<vmem>>, vector<16xf32>,
    %broadcast_in_dim3A_71 = arith.constant 0.000000e+00 : f32
    %broadcast_in_dim3A_72 = vector.broadcast %broadcast_in_dim3A_71 : f32 to vector<16xf32>
    %swap3A_73 = arith.constant 64 : index
    %swap3A_74 = tpu.vector_load %arg6[%swap3A_73] {strides = array<i32>} : memref<640xf32, #tpu.memory_space<vmem>>, vector<16xf32>,
    %swap3A_75 = vector.shape_cast %swap3A_74 : vector<16xf32> to vector<16xf32>
    %swap3A_76 = vector.shape_cast %broadcast_in_dim3A_72 : vector<16xf32> to vector<16xf32>
    tpu.vector_store %arg6[%swap3A_73], %swap3A_76 {strides = array<i32>} : memref<640xf32, #tpu.memory_space<vmem>>, vector<16xf32>,
    %broadcast_in_dim3A_77 = arith.constant 0.000000e+00 : f32
    %broadcast_in_dim3A_78 = vector.broadcast %broadcast_in_dim3A_77 : f32 to vector<16xf32>
    %swap3A_79 = arith.constant 80 : index
    %swap3A_80 = tpu.vector_load %arg6[%swap3A_79] {strides = array<i32>} : memref<640xf32, #tpu.memory_space<vmem>>, vector<16xf32>,
    %swap3A_81 = vector.shape_cast %swap3A_80 : vector<16xf32> to vector<16xf32>
    %swap3A_82 = vector.shape_cast %broadcast_in_dim3A_78 : vector<16xf32> to vector<16xf32>
    tpu.vector_store %arg6[%swap3A_79], %swap3A_82 {strides = array<i32>} : memref<640xf32, #tpu.memory_space<vmem>>, vector<16xf32>,
    %broadcast_in_dim3A_83 = arith.constant 0.000000e+00 : f32
    %broadcast_in_dim3A_84 = vector.broadcast %broadcast_in_dim3A_83 : f32 to vector<16xf32>
    %swap3A_85 = arith.constant 96 : index
    %swap3A_86 = tpu.vector_load %arg6[%swap3A_85] {strides = array<i32>} : memref<640xf32, #tpu.memory_space<vmem>>, vector<16xf32>,
    %swap3A_87 = vector.shape_cast %swap3A_86 : vector<16xf32> to vector<16xf32>
    %swap3A_88 = vector.shape_cast %broadcast_in_dim3A_84 : vector<16xf32> to vector<16xf32>
    tpu.vector_store %arg6[%swap3A_85], %swap3A_88 {strides = array<i32>} : memref<640xf32, #tpu.memory_space<vmem>>, vector<16xf32>,
    %broadcast_in_dim3A_89 = arith.constant 0.000000e+00 : f32
    %broadcast_in_dim3A_90 = vector.broadcast %broadcast_in_dim3A_89 : f32 to vector<16xf32>
    %swap3A_91 = arith.constant 112 : index
    %swap3A_92 = tpu.vector_load %arg6[%swap3A_91] {strides = array<i32>} : memref<640xf32, #tpu.memory_space<vmem>>, vector<16xf32>,
    %swap3A_93 = vector.shape_cast %swap3A_92 : vector<16xf32> to vector<16xf32>
    %swap3A_94 = vector.shape_cast %broadcast_in_dim3A_90 : vector<16xf32> to vector<16xf32>
    tpu.vector_store %arg6[%swap3A_91], %swap3A_94 {strides = array<i32>} : memref<640xf32, #tpu.memory_space<vmem>>, vector<16xf32>,
    %broadcast_in_dim3A_95 = arith.constant 0.000000e+00 : f32
    %broadcast_in_dim3A_96 = vector.broadcast %broadcast_in_dim3A_95 : f32 to vector<16xf32>
    %swap3A_97 = arith.constant 128 : index
    %swap3A_98 = tpu.vector_load %arg6[%swap3A_97] {strides = array<i32>} : memref<640xf32, #tpu.memory_space<vmem>>, vector<16xf32>,
    %swap3A_99 = vector.shape_cast %swap3A_98 : vector<16xf32> to vector<16xf32>
    %swap3A_100 = vector.shape_cast %broadcast_in_dim3A_96 : vector<16xf32> to vector<16xf32>
    tpu.vector_store %arg6[%swap3A_97], %swap3A_100 {strides = array<i32>} : memref<640xf32, #tpu.memory_space<vmem>>, vector<16xf32>,
    %broadcast_in_dim3A_101 = arith.constant 0.000000e+00 : f32
    %broadcast_in_dim3A_102 = vector.broadcast %broadcast_in_dim3A_101 : f32 to vector<16xf32>
    %swap3A_103 = arith.constant 144 : index
    %swap3A_104 = tpu.vector_load %arg6[%swap3A_103] {strides = array<i32>} : memref<640xf32, #tpu.memory_space<vmem>>, vector<16xf32>,
    %swap3A_105 = vector.shape_cast %swap3A_104 : vector<16xf32> to vector<16xf32>
    %swap3A_106 = vector.shape_cast %broadcast_in_dim3A_102 : vector<16xf32> to vector<16xf32>
    tpu.vector_store %arg6[%swap3A_103], %swap3A_106 {strides = array<i32>} : memref<640xf32, #tpu.memory_space<vmem>>, vector<16xf32>,
    %broadcast_in_dim3A_107 = arith.constant 0.000000e+00 : f32
    %broadcast_in_dim3A_108 = vector.broadcast %broadcast_in_dim3A_107 : f32 to vector<16xf32>
    %swap3A_109 = arith.constant 160 : index
    %swap3A_110 = tpu.vector_load %arg6[%swap3A_109] {strides = array<i32>} : memref<640xf32, #tpu.memory_space<vmem>>, vector<16xf32>,
    %swap3A_111 = vector.shape_cast %swap3A_110 : vector<16xf32> to vector<16xf32>
    %swap3A_112 = vector.shape_cast %broadcast_in_dim3A_108 : vector<16xf32> to vector<16xf32>
    tpu.vector_store %arg6[%swap3A_109], %swap3A_112 {strides = array<i32>} : memref<640xf32, #tpu.memory_space<vmem>>, vector<16xf32>,
    %broadcast_in_dim3A_113 = arith.constant 0.000000e+00 : f32
    %broadcast_in_dim3A_114 = vector.broadcast %broadcast_in_dim3A_113 : f32 to vector<16xf32>
    %swap3A_115 = arith.constant 176 : index
    %swap3A_116 = tpu.vector_load %arg6[%swap3A_115] {strides = array<i32>} : memref<640xf32, #tpu.memory_space<vmem>>, vector<16xf32>,
    %swap3A_117 = vector.shape_cast %swap3A_116 : vector<16xf32> to vector<16xf32>
    %swap3A_118 = vector.shape_cast %broadcast_in_dim3A_114 : vector<16xf32> to vector<16xf32>
    tpu.vector_store %arg6[%swap3A_115], %swap3A_118 {strides = array<i32>} : memref<640xf32, #tpu.memory_space<vmem>>, vector<16xf32>,
    %broadcast_in_dim3A_119 = arith.constant 0.000000e+00 : f32
    %broadcast_in_dim3A_120 = vector.broadcast %broadcast_in_dim3A_119 : f32 to vector<16xf32>
    %swap3A_121 = arith.constant 192 : index
    %swap3A_122 = tpu.vector_load %arg6[%swap3A_121] {strides = array<i32>} : memref<640xf32, #tpu.memory_space<vmem>>, vector<16xf32>,
    %swap3A_123 = vector.shape_cast %swap3A_122 : vector<16xf32> to vector<16xf32>
    %swap3A_124 = vector.shape_cast %broadcast_in_dim3A_120 : vector<16xf32> to vector<16xf32>
    tpu.vector_store %arg6[%swap3A_121], %swap3A_124 {strides = array<i32>} : memref<640xf32, #tpu.memory_space<vmem>>, vector<16xf32>,
    %broadcast_in_dim3A_125 = arith.constant 0.000000e+00 : f32
    %broadcast_in_dim3A_126 = vector.broadcast %broadcast_in_dim3A_125 : f32 to vector<16xf32>
    %swap3A_127 = arith.constant 208 : index
    %swap3A_128 = tpu.vector_load %arg6[%swap3A_127] {strides = array<i32>} : memref<640xf32, #tpu.memory_space<vmem>>, vector<16xf32>,
    %swap3A_129 = vector.shape_cast %swap3A_128 : vector<16xf32> to vector<16xf32>
    %swap3A_130 = vector.shape_cast %broadcast_in_dim3A_126 : vector<16xf32> to vector<16xf32>
    tpu.vector_store %arg6[%swap3A_127], %swap3A_130 {strides = array<i32>} : memref<640xf32, #tpu.memory_space<vmem>>, vector<16xf32>,
    %broadcast_in_dim3A_131 = arith.constant 0.000000e+00 : f32
    %broadcast_in_dim3A_132 = vector.broadcast %broadcast_in_dim3A_131 : f32 to vector<16xf32>
    %swap3A_133 = arith.constant 224 : index
    %swap3A_134 = tpu.vector_load %arg6[%swap3A_133] {strides = array<i32>} : memref<640xf32, #tpu.memory_space<vmem>>, vector<16xf32>,
    %swap3A_135 = vector.shape_cast %swap3A_134 : vector<16xf32> to vector<16xf32>
    %swap3A_136 = vector.shape_cast %broadcast_in_dim3A_132 : vector<16xf32> to vector<16xf32>
    tpu.vector_store %arg6[%swap3A_133], %swap3A_136 {strides = array<i32>} : memref<640xf32, #tpu.memory_space<vmem>>, vector<16xf32>,
    %broadcast_in_dim3A_137 = arith.constant 0.000000e+00 : f32
    %broadcast_in_dim3A_138 = vector.broadcast %broadcast_in_dim3A_137 : f32 to vector<16xf32>
    %swap3A_139 = arith.constant 240 : index
    %swap3A_140 = tpu.vector_load %arg6[%swap3A_139] {strides = array<i32>} : memref<640xf32, #tpu.memory_space<vmem>>, vector<16xf32>,
    %swap3A_141 = vector.shape_cast %swap3A_140 : vector<16xf32> to vector<16xf32>
    %swap3A_142 = vector.shape_cast %broadcast_in_dim3A_138 : vector<16xf32> to vector<16xf32>
    tpu.vector_store %arg6[%swap3A_139], %swap3A_142 {strides = array<i32>} : memref<640xf32, #tpu.memory_space<vmem>>, vector<16xf32>,
    %broadcast_in_dim3A_143 = arith.constant 0.000000e+00 : f32
    %broadcast_in_dim3A_144 = vector.broadcast %broadcast_in_dim3A_143 : f32 to vector<16xf32>
    %swap3A_145 = arith.constant 256 : index
    %swap3A_146 = tpu.vector_load %arg6[%swap3A_145] {strides = array<i32>} : memref<640xf32, #tpu.memory_space<vmem>>, vector<16xf32>,
    %swap3A_147 = vector.shape_cast %swap3A_146 : vector<16xf32> to vector<16xf32>
    %swap3A_148 = vector.shape_cast %broadcast_in_dim3A_144 : vector<16xf32> to vector<16xf32>
    tpu.vector_store %arg6[%swap3A_145], %swap3A_148 {strides = array<i32>} : memref<640xf32, #tpu.memory_space<vmem>>, vector<16xf32>,
    %broadcast_in_dim3A_149 = arith.constant 0.000000e+00 : f32
    %broadcast_in_dim3A_150 = vector.broadcast %broadcast_in_dim3A_149 : f32 to vector<16xf32>
    %swap3A_151 = arith.constant 272 : index
    %swap3A_152 = tpu.vector_load %arg6[%swap3A_151] {strides = array<i32>} : memref<640xf32, #tpu.memory_space<vmem>>, vector<16xf32>,
    %swap3A_153 = vector.shape_cast %swap3A_152 : vector<16xf32> to vector<16xf32>
    %swap3A_154 = vector.shape_cast %broadcast_in_dim3A_150 : vector<16xf32> to vector<16xf32>
    tpu.vector_store %arg6[%swap3A_151], %swap3A_154 {strides = array<i32>} : memref<640xf32, #tpu.memory_space<vmem>>, vector<16xf32>,
    %broadcast_in_dim3A_155 = arith.constant 0.000000e+00 : f32
    %broadcast_in_dim3A_156 = vector.broadcast %broadcast_in_dim3A_155 : f32 to vector<16xf32>
    %swap3A_157 = arith.constant 288 : index
    %swap3A_158 = tpu.vector_load %arg6[%swap3A_157] {strides = array<i32>} : memref<640xf32, #tpu.memory_space<vmem>>, vector<16xf32>,
    %swap3A_159 = vector.shape_cast %swap3A_158 : vector<16xf32> to vector<16xf32>
    %swap3A_160 = vector.shape_cast %broadcast_in_dim3A_156 : vector<16xf32> to vector<16xf32>
    tpu.vector_store %arg6[%swap3A_157], %swap3A_160 {strides = array<i32>} : memref<640xf32, #tpu.memory_space<vmem>>, vector<16xf32>,
    %broadcast_in_dim3A_161 = arith.constant 0.000000e+00 : f32
    %broadcast_in_dim3A_162 = vector.broadcast %broadcast_in_dim3A_161 : f32 to vector<16xf32>
    %swap3A_163 = arith.constant 304 : index
    %swap3A_164 = tpu.vector_load %arg6[%swap3A_163] {strides = array<i32>} : memref<640xf32, #tpu.memory_space<vmem>>, vector<16xf32>,
    %swap3A_165 = vector.shape_cast %swap3A_164 : vector<16xf32> to vector<16xf32>
    %swap3A_166 = vector.shape_cast %broadcast_in_dim3A_162 : vector<16xf32> to vector<16xf32>
    tpu.vector_store %arg6[%swap3A_163], %swap3A_166 {strides = array<i32>} : memref<640xf32, #tpu.memory_space<vmem>>, vector<16xf32>,
    %broadcast_in_dim3A_167 = arith.constant 0.000000e+00 : f32
    %broadcast_in_dim3A_168 = vector.broadcast %broadcast_in_dim3A_167 : f32 to vector<16xf32>
    %swap3A_169 = arith.constant 320 : index
    %swap3A_170 = tpu.vector_load %arg6[%swap3A_169] {strides = array<i32>} : memref<640xf32, #tpu.memory_space<vmem>>, vector<16xf32>,
    %swap3A_171 = vector.shape_cast %swap3A_170 : vector<16xf32> to vector<16xf32>
    %swap3A_172 = vector.shape_cast %broadcast_in_dim3A_168 : vector<16xf32> to vector<16xf32>
    tpu.vector_store %arg6[%swap3A_169], %swap3A_172 {strides = array<i32>} : memref<640xf32, #tpu.memory_space<vmem>>, vector<16xf32>,
    %broadcast_in_dim3A_173 = arith.constant 0.000000e+00 : f32
    %broadcast_in_dim3A_174 = vector.broadcast %broadcast_in_dim3A_173 : f32 to vector<16xf32>
    %swap3A_175 = arith.constant 336 : index
    %swap3A_176 = tpu.vector_load %arg6[%swap3A_175] {strides = array<i32>} : memref<640xf32, #tpu.memory_space<vmem>>, vector<16xf32>,
    %swap3A_177 = vector.shape_cast %swap3A_176 : vector<16xf32> to vector<16xf32>
    %swap3A_178 = vector.shape_cast %broadcast_in_dim3A_174 : vector<16xf32> to vector<16xf32>
    tpu.vector_store %arg6[%swap3A_175], %swap3A_178 {strides = array<i32>} : memref<640xf32, #tpu.memory_space<vmem>>, vector<16xf32>,
    %broadcast_in_dim3A_179 = arith.constant 0.000000e+00 : f32
    %broadcast_in_dim3A_180 = vector.broadcast %broadcast_in_dim3A_179 : f32 to vector<16xf32>
    %swap3A_181 = arith.constant 352 : index
    %swap3A_182 = tpu.vector_load %arg6[%swap3A_181] {strides = array<i32>} : memref<640xf32, #tpu.memory_space<vmem>>, vector<16xf32>,
    %swap3A_183 = vector.shape_cast %swap3A_182 : vector<16xf32> to vector<16xf32>
    %swap3A_184 = vector.shape_cast %broadcast_in_dim3A_180 : vector<16xf32> to vector<16xf32>
    tpu.vector_store %arg6[%swap3A_181], %swap3A_184 {strides = array<i32>} : memref<640xf32, #tpu.memory_space<vmem>>, vector<16xf32>,
    %broadcast_in_dim3A_185 = arith.constant 0.000000e+00 : f32
    %broadcast_in_dim3A_186 = vector.broadcast %broadcast_in_dim3A_185 : f32 to vector<16xf32>
    %swap3A_187 = arith.constant 368 : index
    %swap3A_188 = tpu.vector_load %arg6[%swap3A_187] {strides = array<i32>} : memref<640xf32, #tpu.memory_space<vmem>>, vector<16xf32>,
    %swap3A_189 = vector.shape_cast %swap3A_188 : vector<16xf32> to vector<16xf32>
    %swap3A_190 = vector.shape_cast %broadcast_in_dim3A_186 : vector<16xf32> to vector<16xf32>
    tpu.vector_store %arg6[%swap3A_187], %swap3A_190 {strides = array<i32>} : memref<640xf32, #tpu.memory_space<vmem>>, vector<16xf32>,
    %broadcast_in_dim3A_191 = arith.constant 0.000000e+00 : f32
    %broadcast_in_dim3A_192 = vector.broadcast %broadcast_in_dim3A_191 : f32 to vector<16xf32>
    %swap3A_193 = arith.constant 384 : index
    %swap3A_194 = tpu.vector_load %arg6[%swap3A_193] {strides = array<i32>} : memref<640xf32, #tpu.memory_space<vmem>>, vector<16xf32>,
    %swap3A_195 = vector.shape_cast %swap3A_194 : vector<16xf32> to vector<16xf32>
    %swap3A_196 = vector.shape_cast %broadcast_in_dim3A_192 : vector<16xf32> to vector<16xf32>
    tpu.vector_store %arg6[%swap3A_193], %swap3A_196 {strides = array<i32>} : memref<640xf32, #tpu.memory_space<vmem>>, vector<16xf32>,
    %broadcast_in_dim3A_197 = arith.constant 0.000000e+00 : f32
    %broadcast_in_dim3A_198 = vector.broadcast %broadcast_in_dim3A_197 : f32 to vector<16xf32>
    %swap3A_199 = arith.constant 400 : index
    %swap3A_200 = tpu.vector_load %arg6[%swap3A_199] {strides = array<i32>} : memref<640xf32, #tpu.memory_space<vmem>>, vector<16xf32>,
    %swap3A_201 = vector.shape_cast %swap3A_200 : vector<16xf32> to vector<16xf32>
    %swap3A_202 = vector.shape_cast %broadcast_in_dim3A_198 : vector<16xf32> to vector<16xf32>
    tpu.vector_store %arg6[%swap3A_199], %swap3A_202 {strides = array<i32>} : memref<640xf32, #tpu.memory_space<vmem>>, vector<16xf32>,
    %broadcast_in_dim3A_203 = arith.constant 0.000000e+00 : f32
    %broadcast_in_dim3A_204 = vector.broadcast %broadcast_in_dim3A_203 : f32 to vector<16xf32>
    %swap3A_205 = arith.constant 416 : index
    %swap3A_206 = tpu.vector_load %arg6[%swap3A_205] {strides = array<i32>} : memref<640xf32, #tpu.memory_space<vmem>>, vector<16xf32>,
    %swap3A_207 = vector.shape_cast %swap3A_206 : vector<16xf32> to vector<16xf32>
    %swap3A_208 = vector.shape_cast %broadcast_in_dim3A_204 : vector<16xf32> to vector<16xf32>
    tpu.vector_store %arg6[%swap3A_205], %swap3A_208 {strides = array<i32>} : memref<640xf32, #tpu.memory_space<vmem>>, vector<16xf32>,
    %broadcast_in_dim3A_209 = arith.constant 0.000000e+00 : f32
    %broadcast_in_dim3A_210 = vector.broadcast %broadcast_in_dim3A_209 : f32 to vector<16xf32>
    %swap3A_211 = arith.constant 432 : index
    %swap3A_212 = tpu.vector_load %arg6[%swap3A_211] {strides = array<i32>} : memref<640xf32, #tpu.memory_space<vmem>>, vector<16xf32>,
    %swap3A_213 = vector.shape_cast %swap3A_212 : vector<16xf32> to vector<16xf32>
    %swap3A_214 = vector.shape_cast %broadcast_in_dim3A_210 : vector<16xf32> to vector<16xf32>
    tpu.vector_store %arg6[%swap3A_211], %swap3A_214 {strides = array<i32>} : memref<640xf32, #tpu.memory_space<vmem>>, vector<16xf32>,
    %broadcast_in_dim3A_215 = arith.constant 0.000000e+00 : f32
    %broadcast_in_dim3A_216 = vector.broadcast %broadcast_in_dim3A_215 : f32 to vector<16xf32>
    %swap3A_217 = arith.constant 448 : index
    %swap3A_218 = tpu.vector_load %arg6[%swap3A_217] {strides = array<i32>} : memref<640xf32, #tpu.memory_space<vmem>>, vector<16xf32>,
    %swap3A_219 = vector.shape_cast %swap3A_218 : vector<16xf32> to vector<16xf32>
    %swap3A_220 = vector.shape_cast %broadcast_in_dim3A_216 : vector<16xf32> to vector<16xf32>
    tpu.vector_store %arg6[%swap3A_217], %swap3A_220 {strides = array<i32>} : memref<640xf32, #tpu.memory_space<vmem>>, vector<16xf32>,
    %broadcast_in_dim3A_221 = arith.constant 0.000000e+00 : f32
    %broadcast_in_dim3A_222 = vector.broadcast %broadcast_in_dim3A_221 : f32 to vector<16xf32>
    %swap3A_223 = arith.constant 464 : index
    %swap3A_224 = tpu.vector_load %arg6[%swap3A_223] {strides = array<i32>} : memref<640xf32, #tpu.memory_space<vmem>>, vector<16xf32>,
    %swap3A_225 = vector.shape_cast %swap3A_224 : vector<16xf32> to vector<16xf32>
    %swap3A_226 = vector.shape_cast %broadcast_in_dim3A_222 : vector<16xf32> to vector<16xf32>
    tpu.vector_store %arg6[%swap3A_223], %swap3A_226 {strides = array<i32>} : memref<640xf32, #tpu.memory_space<vmem>>, vector<16xf32>,
    %broadcast_in_dim3A_227 = arith.constant 0.000000e+00 : f32
    %broadcast_in_dim3A_228 = vector.broadcast %broadcast_in_dim3A_227 : f32 to vector<16xf32>
    %swap3A_229 = arith.constant 480 : index
    %swap3A_230 = tpu.vector_load %arg6[%swap3A_229] {strides = array<i32>} : memref<640xf32, #tpu.memory_space<vmem>>, vector<16xf32>,
    %swap3A_231 = vector.shape_cast %swap3A_230 : vector<16xf32> to vector<16xf32>
    %swap3A_232 = vector.shape_cast %broadcast_in_dim3A_228 : vector<16xf32> to vector<16xf32>
    tpu.vector_store %arg6[%swap3A_229], %swap3A_232 {strides = array<i32>} : memref<640xf32, #tpu.memory_space<vmem>>, vector<16xf32>,
    %broadcast_in_dim3A_233 = arith.constant 0.000000e+00 : f32
    %broadcast_in_dim3A_234 = vector.broadcast %broadcast_in_dim3A_233 : f32 to vector<16xf32>
    %swap3A_235 = arith.constant 496 : index
    %swap3A_236 = tpu.vector_load %arg6[%swap3A_235] {strides = array<i32>} : memref<640xf32, #tpu.memory_space<vmem>>, vector<16xf32>,
    %swap3A_237 = vector.shape_cast %swap3A_236 : vector<16xf32> to vector<16xf32>
    %swap3A_238 = vector.shape_cast %broadcast_in_dim3A_234 : vector<16xf32> to vector<16xf32>
    tpu.vector_store %arg6[%swap3A_235], %swap3A_238 {strides = array<i32>} : memref<640xf32, #tpu.memory_space<vmem>>, vector<16xf32>,
    %broadcast_in_dim3A_239 = arith.constant 0.000000e+00 : f32
    %broadcast_in_dim3A_240 = vector.broadcast %broadcast_in_dim3A_239 : f32 to vector<16xf32>
    %swap3A_241 = arith.constant 512 : index
    %swap3A_242 = tpu.vector_load %arg6[%swap3A_241] {strides = array<i32>} : memref<640xf32, #tpu.memory_space<vmem>>, vector<16xf32>,
    %swap3A_243 = vector.shape_cast %swap3A_242 : vector<16xf32> to vector<16xf32>
    %swap3A_244 = vector.shape_cast %broadcast_in_dim3A_240 : vector<16xf32> to vector<16xf32>
    tpu.vector_store %arg6[%swap3A_241], %swap3A_244 {strides = array<i32>} : memref<640xf32, #tpu.memory_space<vmem>>, vector<16xf32>,
    %broadcast_in_dim3A_245 = arith.constant 0.000000e+00 : f32
    %broadcast_in_dim3A_246 = vector.broadcast %broadcast_in_dim3A_245 : f32 to vector<16xf32>
    %swap3A_247 = arith.constant 528 : index
    %swap3A_248 = tpu.vector_load %arg6[%swap3A_247] {strides = array<i32>} : memref<640xf32, #tpu.memory_space<vmem>>, vector<16xf32>,
    %swap3A_249 = vector.shape_cast %swap3A_248 : vector<16xf32> to vector<16xf32>
    %swap3A_250 = vector.shape_cast %broadcast_in_dim3A_246 : vector<16xf32> to vector<16xf32>
    tpu.vector_store %arg6[%swap3A_247], %swap3A_250 {strides = array<i32>} : memref<640xf32, #tpu.memory_space<vmem>>, vector<16xf32>,
    %broadcast_in_dim3A_251 = arith.constant 0.000000e+00 : f32
    %broadcast_in_dim3A_252 = vector.broadcast %broadcast_in_dim3A_251 : f32 to vector<16xf32>
    %swap3A_253 = arith.constant 544 : index
    %swap3A_254 = tpu.vector_load %arg6[%swap3A_253] {strides = array<i32>} : memref<640xf32, #tpu.memory_space<vmem>>, vector<16xf32>,
    %swap3A_255 = vector.shape_cast %swap3A_254 : vector<16xf32> to vector<16xf32>
    %swap3A_256 = vector.shape_cast %broadcast_in_dim3A_252 : vector<16xf32> to vector<16xf32>
    tpu.vector_store %arg6[%swap3A_253], %swap3A_256 {strides = array<i32>} : memref<640xf32, #tpu.memory_space<vmem>>, vector<16xf32>,
    %broadcast_in_dim3A_257 = arith.constant 0.000000e+00 : f32
    %broadcast_in_dim3A_258 = vector.broadcast %broadcast_in_dim3A_257 : f32 to vector<16xf32>
    %swap3A_259 = arith.constant 560 : index
    %swap3A_260 = tpu.vector_load %arg6[%swap3A_259] {strides = array<i32>} : memref<640xf32, #tpu.memory_space<vmem>>, vector<16xf32>,
    %swap3A_261 = vector.shape_cast %swap3A_260 : vector<16xf32> to vector<16xf32>
    %swap3A_262 = vector.shape_cast %broadcast_in_dim3A_258 : vector<16xf32> to vector<16xf32>
    tpu.vector_store %arg6[%swap3A_259], %swap3A_262 {strides = array<i32>} : memref<640xf32, #tpu.memory_space<vmem>>, vector<16xf32>,
    %broadcast_in_dim3A_263 = arith.constant 0.000000e+00 : f32
    %broadcast_in_dim3A_264 = vector.broadcast %broadcast_in_dim3A_263 : f32 to vector<16xf32>
    %swap3A_265 = arith.constant 576 : index
    %swap3A_266 = tpu.vector_load %arg6[%swap3A_265] {strides = array<i32>} : memref<640xf32, #tpu.memory_space<vmem>>, vector<16xf32>,
    %swap3A_267 = vector.shape_cast %swap3A_266 : vector<16xf32> to vector<16xf32>
    %swap3A_268 = vector.shape_cast %broadcast_in_dim3A_264 : vector<16xf32> to vector<16xf32>
    tpu.vector_store %arg6[%swap3A_265], %swap3A_268 {strides = array<i32>} : memref<640xf32, #tpu.memory_space<vmem>>, vector<16xf32>,
    %broadcast_in_dim3A_269 = arith.constant 0.000000e+00 : f32
    %broadcast_in_dim3A_270 = vector.broadcast %broadcast_in_dim3A_269 : f32 to vector<16xf32>
    %swap3A_271 = arith.constant 592 : index
    %swap3A_272 = tpu.vector_load %arg6[%swap3A_271] {strides = array<i32>} : memref<640xf32, #tpu.memory_space<vmem>>, vector<16xf32>,
    %swap3A_273 = vector.shape_cast %swap3A_272 : vector<16xf32> to vector<16xf32>
    %swap3A_274 = vector.shape_cast %broadcast_in_dim3A_270 : vector<16xf32> to vector<16xf32>
    tpu.vector_store %arg6[%swap3A_271], %swap3A_274 {strides = array<i32>} : memref<640xf32, #tpu.memory_space<vmem>>, vector<16xf32>,
    %broadcast_in_dim3A_275 = arith.constant 0.000000e+00 : f32
    %broadcast_in_dim3A_276 = vector.broadcast %broadcast_in_dim3A_275 : f32 to vector<16xf32>
    %swap3A_277 = arith.constant 608 : index
    %swap3A_278 = tpu.vector_load %arg6[%swap3A_277] {strides = array<i32>} : memref<640xf32, #tpu.memory_space<vmem>>, vector<16xf32>,
    %swap3A_279 = vector.shape_cast %swap3A_278 : vector<16xf32> to vector<16xf32>
    %swap3A_280 = vector.shape_cast %broadcast_in_dim3A_276 : vector<16xf32> to vector<16xf32>
    tpu.vector_store %arg6[%swap3A_277], %swap3A_280 {strides = array<i32>} : memref<640xf32, #tpu.memory_space<vmem>>, vector<16xf32>,
    %broadcast_in_dim3A_281 = arith.constant 0.000000e+00 : f32
    %broadcast_in_dim3A_282 = vector.broadcast %broadcast_in_dim3A_281 : f32 to vector<16xf32>
    %swap3A_283 = arith.constant 624 : index
    %swap3A_284 = tpu.vector_load %arg6[%swap3A_283] {strides = array<i32>} : memref<640xf32, #tpu.memory_space<vmem>>, vector<16xf32>,
    %swap3A_285 = vector.shape_cast %swap3A_284 : vector<16xf32> to vector<16xf32>
    %swap3A_286 = vector.shape_cast %broadcast_in_dim3A_282 : vector<16xf32> to vector<16xf32>
    tpu.vector_store %arg6[%swap3A_283], %swap3A_286 {strides = array<i32>} : memref<640xf32, #tpu.memory_space<vmem>>, vector<16xf32>,
    %mul3A_287 = arith.constant 640 : i32
    %mul3A_288 = arith.muli %arg1, %mul3A_287 : i32
    "tpu.region"() ({
      %run_scoped3A_313 = tpu.sem_alloc : memref<!tpu.dma_semaphore, #tpu.memory_space<semaphore_mem>>
      %dma_start3A = tpu.memref_slice %arg8[%mul3A_288] : memref<10240xf32, #tpu.memory_space<vmem_shared>> -> memref<640xf32, #tpu.memory_space<vmem_shared>>
      %dma_start3A_314 = tpu.memref_slice %arg8[%mul3A_288] : memref<10240xf32, #tpu.memory_space<vmem_shared>> -> memref<640xf32, #tpu.memory_space<vmem_shared>>
      tpu.enqueue_dma source(%arg6 : memref<640xf32, #tpu.memory_space<vmem>>) target(%dma_start3A_314 : memref<640xf32, #tpu.memory_space<vmem_shared>>) target_semaphore(%run_scoped3A_313 : memref<!tpu.dma_semaphore, #tpu.memory_space<semaphore_mem>>)
      %dma_wait3A = tpu.memref_slice %arg8[%mul3A_288] : memref<10240xf32, #tpu.memory_space<vmem_shared>> -> memref<640xf32, #tpu.memory_space<vmem_shared>>
      %dma_wait3A_315 = tpu.memref_slice %arg8[%mul3A_288] : memref<10240xf32, #tpu.memory_space<vmem_shared>> -> memref<640xf32, #tpu.memory_space<vmem_shared>>
      tpu.wait_dma2 semaphore(%run_scoped3A_313 : memref<!tpu.dma_semaphore, #tpu.memory_space<semaphore_mem>>) src(%arg6 : memref<640xf32, #tpu.memory_space<vmem>>) dst(%dma_wait3A_315 : memref<640xf32, #tpu.memory_space<vmem_shared>>)
      tpu.yield
    }) : () -> ()
    %barrier3A = arith.constant 0 : index
    tpu.barrier barrier_id(%barrier3A)
    %scan3A = arith.constant 0 : i32
    %scan3A_289 = arith.constant 0 : i32
    %scan3A_290 = arith.constant 8 : i32
    %scan3A_291 = arith.addi %scan3A_289, %scan3A_290 : i32
    %scan3A_292 = arith.constant 1 : i32
    scf.for %scan3A_313 = %scan3A_289 to %scan3A_291 step %scan3A_292  : i32 {
      %dma_start3A = arith.constant 0 : i32
      %dma_start3A_314 = tpu.memref_slice %arg5[%dma_start3A] : memref<128xf32, #tpu.memory_space<vmem>> -> memref<125xf32, #tpu.memory_space<vmem>>
      %dma_start3A_315 = arith.constant 0 : i32
      %dma_start3A_316 = tpu.memref_slice %arg4[%scan3A_313, %dma_start3A_315] : memref<80x125xi32, #tpu.memory_space<vmem>> -> memref<1x125xi32, #tpu.memory_space<vmem>>
      %dma_start3A_317 = tpu.memref_squeeze %dma_start3A_316 : memref<1x125xi32, #tpu.memory_space<vmem>> -> memref<125xi32, #tpu.memory_space<vmem>>
      %dma_start3A_318 = arith.constant 0 : i32
      %dma_start3A_319 = tpu.memref_slice %arg8[%dma_start3A_318] : memref<10240xf32, #tpu.memory_space<vmem_shared>> -> memref<10240xf32, #tpu.memory_space<vmem_shared>>
      tpu.enqueue_indirect_dma source(%dma_start3A_314 : memref<125xf32, #tpu.memory_space<vmem>>) target(%dma_start3A_319 : memref<10240xf32, #tpu.memory_space<vmem_shared>>) offsets(%dma_start3A_317 : memref<125xi32, #tpu.memory_space<vmem>>) semaphore(%arg9 : memref<!tpu.dma_semaphore, #tpu.memory_space<semaphore_mem>>) {add = true}
    }
    %scan3A_293 = arith.constant 8 : i32
    %scan3A_294 = arith.constant 0 : i32
    %scan3A_295 = arith.constant 8 : i32
    %scan3A_296 = arith.constant 72 : i32
    %scan3A_297 = arith.addi %scan3A_295, %scan3A_296 : i32
    %scan3A_298 = arith.constant 1 : i32
    scf.for %scan3A_313 = %scan3A_295 to %scan3A_297 step %scan3A_298  : i32 {
      %dma_wait3A = arith.constant 0 : i32
      %dma_wait3A_314 = arith.constant 0 : i32
      %dma_wait3A_315 = tpu.memref_slice %arg5[%dma_wait3A_314] : memref<128xf32, #tpu.memory_space<vmem>> -> memref<125xf32, #tpu.memory_space<vmem>>
      %dma_wait3A_316 = arith.constant 0 : i32
      %dma_wait3A_317 = tpu.memref_slice %arg4[%dma_wait3A, %dma_wait3A_316] : memref<80x125xi32, #tpu.memory_space<vmem>> -> memref<1x125xi32, #tpu.memory_space<vmem>>
      %dma_wait3A_318 = tpu.memref_squeeze %dma_wait3A_317 : memref<1x125xi32, #tpu.memory_space<vmem>> -> memref<125xi32, #tpu.memory_space<vmem>>
      %dma_wait3A_319 = arith.constant 0 : i32
      %dma_wait3A_320 = tpu.memref_slice %arg8[%dma_wait3A_319] : memref<10240xf32, #tpu.memory_space<vmem_shared>> -> memref<10240xf32, #tpu.memory_space<vmem_shared>>
      tpu.wait_indirect_dma semaphore(%arg9 : memref<!tpu.dma_semaphore, #tpu.memory_space<semaphore_mem>>) src(%dma_wait3A_315 : memref<125xf32, #tpu.memory_space<vmem>>) dst(%dma_wait3A_320 : memref<10240xf32, #tpu.memory_space<vmem_shared>>)
      %dma_start3A = arith.constant 0 : i32
      %dma_start3A_321 = tpu.memref_slice %arg5[%dma_start3A] : memref<128xf32, #tpu.memory_space<vmem>> -> memref<125xf32, #tpu.memory_space<vmem>>
      %dma_start3A_322 = arith.constant 0 : i32
      %dma_start3A_323 = tpu.memref_slice %arg4[%scan3A_313, %dma_start3A_322] : memref<80x125xi32, #tpu.memory_space<vmem>> -> memref<1x125xi32, #tpu.memory_space<vmem>>
      %dma_start3A_324 = tpu.memref_squeeze %dma_start3A_323 : memref<1x125xi32, #tpu.memory_space<vmem>> -> memref<125xi32, #tpu.memory_space<vmem>>
      %dma_start3A_325 = arith.constant 0 : i32
      %dma_start3A_326 = tpu.memref_slice %arg8[%dma_start3A_325] : memref<10240xf32, #tpu.memory_space<vmem_shared>> -> memref<10240xf32, #tpu.memory_space<vmem_shared>>
      tpu.enqueue_indirect_dma source(%dma_start3A_321 : memref<125xf32, #tpu.memory_space<vmem>>) target(%dma_start3A_326 : memref<10240xf32, #tpu.memory_space<vmem_shared>>) offsets(%dma_start3A_324 : memref<125xi32, #tpu.memory_space<vmem>>) semaphore(%arg9 : memref<!tpu.dma_semaphore, #tpu.memory_space<semaphore_mem>>) {add = true}
    }
    %scan3A_299 = arith.constant 72 : i32
    %scan3A_300 = arith.constant 0 : i32
    %scan3A_301 = arith.constant 0 : i32
    %scan3A_302 = arith.constant 8 : i32
    %scan3A_303 = arith.addi %scan3A_301, %scan3A_302 : i32
    %scan3A_304 = arith.constant 1 : i32
    scf.for %scan3A_313 = %scan3A_301 to %scan3A_303 step %scan3A_304  : i32 {
      %dma_wait3A = arith.constant 0 : i32
      %dma_wait3A_314 = arith.constant 0 : i32
      %dma_wait3A_315 = tpu.memref_slice %arg5[%dma_wait3A_314] : memref<128xf32, #tpu.memory_space<vmem>> -> memref<125xf32, #tpu.memory_space<vmem>>
      %dma_wait3A_316 = arith.constant 0 : i32
      %dma_wait3A_317 = tpu.memref_slice %arg4[%dma_wait3A, %dma_wait3A_316] : memref<80x125xi32, #tpu.memory_space<vmem>> -> memref<1x125xi32, #tpu.memory_space<vmem>>
      %dma_wait3A_318 = tpu.memref_squeeze %dma_wait3A_317 : memref<1x125xi32, #tpu.memory_space<vmem>> -> memref<125xi32, #tpu.memory_space<vmem>>
      %dma_wait3A_319 = arith.constant 0 : i32
      %dma_wait3A_320 = tpu.memref_slice %arg8[%dma_wait3A_319] : memref<10240xf32, #tpu.memory_space<vmem_shared>> -> memref<10240xf32, #tpu.memory_space<vmem_shared>>
      tpu.wait_indirect_dma semaphore(%arg9 : memref<!tpu.dma_semaphore, #tpu.memory_space<semaphore_mem>>) src(%dma_wait3A_315 : memref<125xf32, #tpu.memory_space<vmem>>) dst(%dma_wait3A_320 : memref<10240xf32, #tpu.memory_space<vmem_shared>>)
    }
    %scan3A_305 = arith.constant 8 : i32
    %barrier3A_306 = arith.constant 0 : index
    tpu.barrier barrier_id(%barrier3A_306)
    "tpu.region"() ({
      %run_scoped3A_313 = tpu.sem_alloc : memref<!tpu.dma_semaphore, #tpu.memory_space<semaphore_mem>>
      %dma_start3A = tpu.memref_slice %arg8[%mul3A_288] : memref<10240xf32, #tpu.memory_space<vmem_shared>> -> memref<640xf32, #tpu.memory_space<vmem_shared>>
      %dma_start3A_314 = tpu.memref_slice %arg8[%mul3A_288] : memref<10240xf32, #tpu.memory_space<vmem_shared>> -> memref<640xf32, #tpu.memory_space<vmem_shared>>
      tpu.enqueue_dma source(%dma_start3A_314 : memref<640xf32, #tpu.memory_space<vmem_shared>>) target(%arg6 : memref<640xf32, #tpu.memory_space<vmem>>) target_semaphore(%run_scoped3A_313 : memref<!tpu.dma_semaphore, #tpu.memory_space<semaphore_mem>>)
      %dma_wait3A = tpu.memref_slice %arg8[%mul3A_288] : memref<10240xf32, #tpu.memory_space<vmem_shared>> -> memref<640xf32, #tpu.memory_space<vmem_shared>>
      %dma_wait3A_315 = tpu.memref_slice %arg8[%mul3A_288] : memref<10240xf32, #tpu.memory_space<vmem_shared>> -> memref<640xf32, #tpu.memory_space<vmem_shared>>
      tpu.wait_dma2 semaphore(%run_scoped3A_313 : memref<!tpu.dma_semaphore, #tpu.memory_space<semaphore_mem>>) src(%dma_wait3A_315 : memref<640xf32, #tpu.memory_space<vmem_shared>>) dst(%arg6 : memref<640xf32, #tpu.memory_space<vmem>>)
      tpu.yield
    }) : () -> ()
    %scan3A_307 = arith.constant 0 : i32
    %scan3A_308 = arith.constant 0 : i32
    %scan3A_309 = arith.constant 40 : i32
    %scan3A_310 = arith.addi %scan3A_308, %scan3A_309 : i32
    %scan3A_311 = arith.constant 1 : i32
    scf.for %scan3A_313 = %scan3A_308 to %scan3A_310 step %scan3A_311  : i32 {
      %mul3A_314 = arith.constant 16 : i32
      %mul3A_315 = arith.muli %mul3A_314, %scan3A_313 : i32
      %get3A = arith.index_cast %mul3A_315 : i32 to index
      %get3A_316 = tpu.vector_load %arg6[%get3A] {strides = array<i32>} : memref<640xf32, #tpu.memory_space<vmem>>, vector<16xf32>,
      %get3A_317 = vector.shape_cast %get3A_316 : vector<16xf32> to vector<16xf32>
      %slice3A = vector.extract_strided_slice %get3A_317 {offsets = [0], sizes = [1], strides = [1]} : vector<16xf32> to vector<1xf32>
      %squeeze3A = vector.extract %slice3A[0] : f32 from vector<1xf32>
      %broadcast_in_dim3A_318 = vector.broadcast %squeeze3A : f32 to vector<16xf32>
      %mul3A_319 = arith.constant 16 : i32
      %mul3A_320 = arith.muli %mul3A_319, %scan3A_313 : i32
      %add3A_321 = arith.constant 0 : i32
      %add3A_322 = arith.addi %mul3A_320, %add3A_321 : i32
      %swap3A_323 = arith.index_cast %add3A_322 : i32 to index
      %swap3A_324 = arith.constant 0 : index
      %swap3A_325 = tpu.vector_load %arg7[%swap3A_323, %swap3A_324] {strides = array<i32>} : memref<640x16xf32, #tpu.memory_space<vmem>>, vector<1x16xf32>,
      %swap3A_326 = vector.shape_cast %swap3A_325 : vector<1x16xf32> to vector<16xf32>
      %swap3A_327 = vector.shape_cast %broadcast_in_dim3A_318 : vector<16xf32> to vector<1x16xf32>
      tpu.vector_store %arg7[%swap3A_323, %swap3A_324], %swap3A_327 {strides = array<i32>} : memref<640x16xf32, #tpu.memory_space<vmem>>, vector<1x16xf32>,
      %slice3A_328 = vector.extract_strided_slice %get3A_317 {offsets = [1], sizes = [1], strides = [1]} : vector<16xf32> to vector<1xf32>
      %squeeze3A_329 = vector.extract %slice3A_328[0] : f32 from vector<1xf32>
      %broadcast_in_dim3A_330 = vector.broadcast %squeeze3A_329 : f32 to vector<16xf32>
      %mul3A_331 = arith.constant 16 : i32
      %mul3A_332 = arith.muli %mul3A_331, %scan3A_313 : i32
      %add3A_333 = arith.constant 1 : i32
      %add3A_334 = arith.addi %mul3A_332, %add3A_333 : i32
      %swap3A_335 = arith.index_cast %add3A_334 : i32 to index
      %swap3A_336 = arith.constant 0 : index
      %swap3A_337 = tpu.vector_load %arg7[%swap3A_335, %swap3A_336] {strides = array<i32>} : memref<640x16xf32, #tpu.memory_space<vmem>>, vector<1x16xf32>,
      %swap3A_338 = vector.shape_cast %swap3A_337 : vector<1x16xf32> to vector<16xf32>
      %swap3A_339 = vector.shape_cast %broadcast_in_dim3A_330 : vector<16xf32> to vector<1x16xf32>
      tpu.vector_store %arg7[%swap3A_335, %swap3A_336], %swap3A_339 {strides = array<i32>} : memref<640x16xf32, #tpu.memory_space<vmem>>, vector<1x16xf32>,
      %slice3A_340 = vector.extract_strided_slice %get3A_317 {offsets = [2], sizes = [1], strides = [1]} : vector<16xf32> to vector<1xf32>
      %squeeze3A_341 = vector.extract %slice3A_340[0] : f32 from vector<1xf32>
      %broadcast_in_dim3A_342 = vector.broadcast %squeeze3A_341 : f32 to vector<16xf32>
      %mul3A_343 = arith.constant 16 : i32
      %mul3A_344 = arith.muli %mul3A_343, %scan3A_313 : i32
      %add3A_345 = arith.constant 2 : i32
      %add3A_346 = arith.addi %mul3A_344, %add3A_345 : i32
      %swap3A_347 = arith.index_cast %add3A_346 : i32 to index
      %swap3A_348 = arith.constant 0 : index
      %swap3A_349 = tpu.vector_load %arg7[%swap3A_347, %swap3A_348] {strides = array<i32>} : memref<640x16xf32, #tpu.memory_space<vmem>>, vector<1x16xf32>,
      %swap3A_350 = vector.shape_cast %swap3A_349 : vector<1x16xf32> to vector<16xf32>
      %swap3A_351 = vector.shape_cast %broadcast_in_dim3A_342 : vector<16xf32> to vector<1x16xf32>
      tpu.vector_store %arg7[%swap3A_347, %swap3A_348], %swap3A_351 {strides = array<i32>} : memref<640x16xf32, #tpu.memory_space<vmem>>, vector<1x16xf32>,
      %slice3A_352 = vector.extract_strided_slice %get3A_317 {offsets = [3], sizes = [1], strides = [1]} : vector<16xf32> to vector<1xf32>
      %squeeze3A_353 = vector.extract %slice3A_352[0] : f32 from vector<1xf32>
      %broadcast_in_dim3A_354 = vector.broadcast %squeeze3A_353 : f32 to vector<16xf32>
      %mul3A_355 = arith.constant 16 : i32
      %mul3A_356 = arith.muli %mul3A_355, %scan3A_313 : i32
      %add3A_357 = arith.constant 3 : i32
      %add3A_358 = arith.addi %mul3A_356, %add3A_357 : i32
      %swap3A_359 = arith.index_cast %add3A_358 : i32 to index
      %swap3A_360 = arith.constant 0 : index
      %swap3A_361 = tpu.vector_load %arg7[%swap3A_359, %swap3A_360] {strides = array<i32>} : memref<640x16xf32, #tpu.memory_space<vmem>>, vector<1x16xf32>,
      %swap3A_362 = vector.shape_cast %swap3A_361 : vector<1x16xf32> to vector<16xf32>
      %swap3A_363 = vector.shape_cast %broadcast_in_dim3A_354 : vector<16xf32> to vector<1x16xf32>
      tpu.vector_store %arg7[%swap3A_359, %swap3A_360], %swap3A_363 {strides = array<i32>} : memref<640x16xf32, #tpu.memory_space<vmem>>, vector<1x16xf32>,
      %slice3A_364 = vector.extract_strided_slice %get3A_317 {offsets = [4], sizes = [1], strides = [1]} : vector<16xf32> to vector<1xf32>
      %squeeze3A_365 = vector.extract %slice3A_364[0] : f32 from vector<1xf32>
      %broadcast_in_dim3A_366 = vector.broadcast %squeeze3A_365 : f32 to vector<16xf32>
      %mul3A_367 = arith.constant 16 : i32
      %mul3A_368 = arith.muli %mul3A_367, %scan3A_313 : i32
      %add3A_369 = arith.constant 4 : i32
      %add3A_370 = arith.addi %mul3A_368, %add3A_369 : i32
      %swap3A_371 = arith.index_cast %add3A_370 : i32 to index
      %swap3A_372 = arith.constant 0 : index
      %swap3A_373 = tpu.vector_load %arg7[%swap3A_371, %swap3A_372] {strides = array<i32>} : memref<640x16xf32, #tpu.memory_space<vmem>>, vector<1x16xf32>,
      %swap3A_374 = vector.shape_cast %swap3A_373 : vector<1x16xf32> to vector<16xf32>
      %swap3A_375 = vector.shape_cast %broadcast_in_dim3A_366 : vector<16xf32> to vector<1x16xf32>
      tpu.vector_store %arg7[%swap3A_371, %swap3A_372], %swap3A_375 {strides = array<i32>} : memref<640x16xf32, #tpu.memory_space<vmem>>, vector<1x16xf32>,
      %slice3A_376 = vector.extract_strided_slice %get3A_317 {offsets = [5], sizes = [1], strides = [1]} : vector<16xf32> to vector<1xf32>
      %squeeze3A_377 = vector.extract %slice3A_376[0] : f32 from vector<1xf32>
      %broadcast_in_dim3A_378 = vector.broadcast %squeeze3A_377 : f32 to vector<16xf32>
      %mul3A_379 = arith.constant 16 : i32
      %mul3A_380 = arith.muli %mul3A_379, %scan3A_313 : i32
      %add3A_381 = arith.constant 5 : i32
      %add3A_382 = arith.addi %mul3A_380, %add3A_381 : i32
      %swap3A_383 = arith.index_cast %add3A_382 : i32 to index
      %swap3A_384 = arith.constant 0 : index
      %swap3A_385 = tpu.vector_load %arg7[%swap3A_383, %swap3A_384] {strides = array<i32>} : memref<640x16xf32, #tpu.memory_space<vmem>>, vector<1x16xf32>,
      %swap3A_386 = vector.shape_cast %swap3A_385 : vector<1x16xf32> to vector<16xf32>
      %swap3A_387 = vector.shape_cast %broadcast_in_dim3A_378 : vector<16xf32> to vector<1x16xf32>
      tpu.vector_store %arg7[%swap3A_383, %swap3A_384], %swap3A_387 {strides = array<i32>} : memref<640x16xf32, #tpu.memory_space<vmem>>, vector<1x16xf32>,
      %slice3A_388 = vector.extract_strided_slice %get3A_317 {offsets = [6], sizes = [1], strides = [1]} : vector<16xf32> to vector<1xf32>
      %squeeze3A_389 = vector.extract %slice3A_388[0] : f32 from vector<1xf32>
      %broadcast_in_dim3A_390 = vector.broadcast %squeeze3A_389 : f32 to vector<16xf32>
      %mul3A_391 = arith.constant 16 : i32
      %mul3A_392 = arith.muli %mul3A_391, %scan3A_313 : i32
      %add3A_393 = arith.constant 6 : i32
      %add3A_394 = arith.addi %mul3A_392, %add3A_393 : i32
      %swap3A_395 = arith.index_cast %add3A_394 : i32 to index
      %swap3A_396 = arith.constant 0 : index
      %swap3A_397 = tpu.vector_load %arg7[%swap3A_395, %swap3A_396] {strides = array<i32>} : memref<640x16xf32, #tpu.memory_space<vmem>>, vector<1x16xf32>,
      %swap3A_398 = vector.shape_cast %swap3A_397 : vector<1x16xf32> to vector<16xf32>
      %swap3A_399 = vector.shape_cast %broadcast_in_dim3A_390 : vector<16xf32> to vector<1x16xf32>
      tpu.vector_store %arg7[%swap3A_395, %swap3A_396], %swap3A_399 {strides = array<i32>} : memref<640x16xf32, #tpu.memory_space<vmem>>, vector<1x16xf32>,
      %slice3A_400 = vector.extract_strided_slice %get3A_317 {offsets = [7], sizes = [1], strides = [1]} : vector<16xf32> to vector<1xf32>
      %squeeze3A_401 = vector.extract %slice3A_400[0] : f32 from vector<1xf32>
      %broadcast_in_dim3A_402 = vector.broadcast %squeeze3A_401 : f32 to vector<16xf32>
      %mul3A_403 = arith.constant 16 : i32
      %mul3A_404 = arith.muli %mul3A_403, %scan3A_313 : i32
      %add3A_405 = arith.constant 7 : i32
      %add3A_406 = arith.addi %mul3A_404, %add3A_405 : i32
      %swap3A_407 = arith.index_cast %add3A_406 : i32 to index
      %swap3A_408 = arith.constant 0 : index
      %swap3A_409 = tpu.vector_load %arg7[%swap3A_407, %swap3A_408] {strides = array<i32>} : memref<640x16xf32, #tpu.memory_space<vmem>>, vector<1x16xf32>,
      %swap3A_410 = vector.shape_cast %swap3A_409 : vector<1x16xf32> to vector<16xf32>
      %swap3A_411 = vector.shape_cast %broadcast_in_dim3A_402 : vector<16xf32> to vector<1x16xf32>
      tpu.vector_store %arg7[%swap3A_407, %swap3A_408], %swap3A_411 {strides = array<i32>} : memref<640x16xf32, #tpu.memory_space<vmem>>, vector<1x16xf32>,
      %slice3A_412 = vector.extract_strided_slice %get3A_317 {offsets = [8], sizes = [1], strides = [1]} : vector<16xf32> to vector<1xf32>
      %squeeze3A_413 = vector.extract %slice3A_412[0] : f32 from vector<1xf32>
      %broadcast_in_dim3A_414 = vector.broadcast %squeeze3A_413 : f32 to vector<16xf32>
      %mul3A_415 = arith.constant 16 : i32
      %mul3A_416 = arith.muli %mul3A_415, %scan3A_313 : i32
      %add3A_417 = arith.constant 8 : i32
      %add3A_418 = arith.addi %mul3A_416, %add3A_417 : i32
      %swap3A_419 = arith.index_cast %add3A_418 : i32 to index
      %swap3A_420 = arith.constant 0 : index
      %swap3A_421 = tpu.vector_load %arg7[%swap3A_419, %swap3A_420] {strides = array<i32>} : memref<640x16xf32, #tpu.memory_space<vmem>>, vector<1x16xf32>,
      %swap3A_422 = vector.shape_cast %swap3A_421 : vector<1x16xf32> to vector<16xf32>
      %swap3A_423 = vector.shape_cast %broadcast_in_dim3A_414 : vector<16xf32> to vector<1x16xf32>
      tpu.vector_store %arg7[%swap3A_419, %swap3A_420], %swap3A_423 {strides = array<i32>} : memref<640x16xf32, #tpu.memory_space<vmem>>, vector<1x16xf32>,
      %slice3A_424 = vector.extract_strided_slice %get3A_317 {offsets = [9], sizes = [1], strides = [1]} : vector<16xf32> to vector<1xf32>
      %squeeze3A_425 = vector.extract %slice3A_424[0] : f32 from vector<1xf32>
      %broadcast_in_dim3A_426 = vector.broadcast %squeeze3A_425 : f32 to vector<16xf32>
      %mul3A_427 = arith.constant 16 : i32
      %mul3A_428 = arith.muli %mul3A_427, %scan3A_313 : i32
      %add3A_429 = arith.constant 9 : i32
      %add3A_430 = arith.addi %mul3A_428, %add3A_429 : i32
      %swap3A_431 = arith.index_cast %add3A_430 : i32 to index
      %swap3A_432 = arith.constant 0 : index
      %swap3A_433 = tpu.vector_load %arg7[%swap3A_431, %swap3A_432] {strides = array<i32>} : memref<640x16xf32, #tpu.memory_space<vmem>>, vector<1x16xf32>,
      %swap3A_434 = vector.shape_cast %swap3A_433 : vector<1x16xf32> to vector<16xf32>
      %swap3A_435 = vector.shape_cast %broadcast_in_dim3A_426 : vector<16xf32> to vector<1x16xf32>
      tpu.vector_store %arg7[%swap3A_431, %swap3A_432], %swap3A_435 {strides = array<i32>} : memref<640x16xf32, #tpu.memory_space<vmem>>, vector<1x16xf32>,
      %slice3A_436 = vector.extract_strided_slice %get3A_317 {offsets = [10], sizes = [1], strides = [1]} : vector<16xf32> to vector<1xf32>
      %squeeze3A_437 = vector.extract %slice3A_436[0] : f32 from vector<1xf32>
      %broadcast_in_dim3A_438 = vector.broadcast %squeeze3A_437 : f32 to vector<16xf32>
      %mul3A_439 = arith.constant 16 : i32
      %mul3A_440 = arith.muli %mul3A_439, %scan3A_313 : i32
      %add3A_441 = arith.constant 10 : i32
      %add3A_442 = arith.addi %mul3A_440, %add3A_441 : i32
      %swap3A_443 = arith.index_cast %add3A_442 : i32 to index
      %swap3A_444 = arith.constant 0 : index
      %swap3A_445 = tpu.vector_load %arg7[%swap3A_443, %swap3A_444] {strides = array<i32>} : memref<640x16xf32, #tpu.memory_space<vmem>>, vector<1x16xf32>,
      %swap3A_446 = vector.shape_cast %swap3A_445 : vector<1x16xf32> to vector<16xf32>
      %swap3A_447 = vector.shape_cast %broadcast_in_dim3A_438 : vector<16xf32> to vector<1x16xf32>
      tpu.vector_store %arg7[%swap3A_443, %swap3A_444], %swap3A_447 {strides = array<i32>} : memref<640x16xf32, #tpu.memory_space<vmem>>, vector<1x16xf32>,
      %slice3A_448 = vector.extract_strided_slice %get3A_317 {offsets = [11], sizes = [1], strides = [1]} : vector<16xf32> to vector<1xf32>
      %squeeze3A_449 = vector.extract %slice3A_448[0] : f32 from vector<1xf32>
      %broadcast_in_dim3A_450 = vector.broadcast %squeeze3A_449 : f32 to vector<16xf32>
      %mul3A_451 = arith.constant 16 : i32
      %mul3A_452 = arith.muli %mul3A_451, %scan3A_313 : i32
      %add3A_453 = arith.constant 11 : i32
      %add3A_454 = arith.addi %mul3A_452, %add3A_453 : i32
      %swap3A_455 = arith.index_cast %add3A_454 : i32 to index
      %swap3A_456 = arith.constant 0 : index
      %swap3A_457 = tpu.vector_load %arg7[%swap3A_455, %swap3A_456] {strides = array<i32>} : memref<640x16xf32, #tpu.memory_space<vmem>>, vector<1x16xf32>,
      %swap3A_458 = vector.shape_cast %swap3A_457 : vector<1x16xf32> to vector<16xf32>
      %swap3A_459 = vector.shape_cast %broadcast_in_dim3A_450 : vector<16xf32> to vector<1x16xf32>
      tpu.vector_store %arg7[%swap3A_455, %swap3A_456], %swap3A_459 {strides = array<i32>} : memref<640x16xf32, #tpu.memory_space<vmem>>, vector<1x16xf32>,
      %slice3A_460 = vector.extract_strided_slice %get3A_317 {offsets = [12], sizes = [1], strides = [1]} : vector<16xf32> to vector<1xf32>
      %squeeze3A_461 = vector.extract %slice3A_460[0] : f32 from vector<1xf32>
      %broadcast_in_dim3A_462 = vector.broadcast %squeeze3A_461 : f32 to vector<16xf32>
      %mul3A_463 = arith.constant 16 : i32
      %mul3A_464 = arith.muli %mul3A_463, %scan3A_313 : i32
      %add3A_465 = arith.constant 12 : i32
      %add3A_466 = arith.addi %mul3A_464, %add3A_465 : i32
      %swap3A_467 = arith.index_cast %add3A_466 : i32 to index
      %swap3A_468 = arith.constant 0 : index
      %swap3A_469 = tpu.vector_load %arg7[%swap3A_467, %swap3A_468] {strides = array<i32>} : memref<640x16xf32, #tpu.memory_space<vmem>>, vector<1x16xf32>,
      %swap3A_470 = vector.shape_cast %swap3A_469 : vector<1x16xf32> to vector<16xf32>
      %swap3A_471 = vector.shape_cast %broadcast_in_dim3A_462 : vector<16xf32> to vector<1x16xf32>
      tpu.vector_store %arg7[%swap3A_467, %swap3A_468], %swap3A_471 {strides = array<i32>} : memref<640x16xf32, #tpu.memory_space<vmem>>, vector<1x16xf32>,
      %slice3A_472 = vector.extract_strided_slice %get3A_317 {offsets = [13], sizes = [1], strides = [1]} : vector<16xf32> to vector<1xf32>
      %squeeze3A_473 = vector.extract %slice3A_472[0] : f32 from vector<1xf32>
      %broadcast_in_dim3A_474 = vector.broadcast %squeeze3A_473 : f32 to vector<16xf32>
      %mul3A_475 = arith.constant 16 : i32
      %mul3A_476 = arith.muli %mul3A_475, %scan3A_313 : i32
      %add3A_477 = arith.constant 13 : i32
      %add3A_478 = arith.addi %mul3A_476, %add3A_477 : i32
      %swap3A_479 = arith.index_cast %add3A_478 : i32 to index
      %swap3A_480 = arith.constant 0 : index
      %swap3A_481 = tpu.vector_load %arg7[%swap3A_479, %swap3A_480] {strides = array<i32>} : memref<640x16xf32, #tpu.memory_space<vmem>>, vector<1x16xf32>,
      %swap3A_482 = vector.shape_cast %swap3A_481 : vector<1x16xf32> to vector<16xf32>
      %swap3A_483 = vector.shape_cast %broadcast_in_dim3A_474 : vector<16xf32> to vector<1x16xf32>
      tpu.vector_store %arg7[%swap3A_479, %swap3A_480], %swap3A_483 {strides = array<i32>} : memref<640x16xf32, #tpu.memory_space<vmem>>, vector<1x16xf32>,
      %slice3A_484 = vector.extract_strided_slice %get3A_317 {offsets = [14], sizes = [1], strides = [1]} : vector<16xf32> to vector<1xf32>
      %squeeze3A_485 = vector.extract %slice3A_484[0] : f32 from vector<1xf32>
      %broadcast_in_dim3A_486 = vector.broadcast %squeeze3A_485 : f32 to vector<16xf32>
      %mul3A_487 = arith.constant 16 : i32
      %mul3A_488 = arith.muli %mul3A_487, %scan3A_313 : i32
      %add3A_489 = arith.constant 14 : i32
      %add3A_490 = arith.addi %mul3A_488, %add3A_489 : i32
      %swap3A_491 = arith.index_cast %add3A_490 : i32 to index
      %swap3A_492 = arith.constant 0 : index
      %swap3A_493 = tpu.vector_load %arg7[%swap3A_491, %swap3A_492] {strides = array<i32>} : memref<640x16xf32, #tpu.memory_space<vmem>>, vector<1x16xf32>,
      %swap3A_494 = vector.shape_cast %swap3A_493 : vector<1x16xf32> to vector<16xf32>
      %swap3A_495 = vector.shape_cast %broadcast_in_dim3A_486 : vector<16xf32> to vector<1x16xf32>
      tpu.vector_store %arg7[%swap3A_491, %swap3A_492], %swap3A_495 {strides = array<i32>} : memref<640x16xf32, #tpu.memory_space<vmem>>, vector<1x16xf32>,
      %slice3A_496 = vector.extract_strided_slice %get3A_317 {offsets = [15], sizes = [1], strides = [1]} : vector<16xf32> to vector<1xf32>
      %squeeze3A_497 = vector.extract %slice3A_496[0] : f32 from vector<1xf32>
      %broadcast_in_dim3A_498 = vector.broadcast %squeeze3A_497 : f32 to vector<16xf32>
      %mul3A_499 = arith.constant 16 : i32
      %mul3A_500 = arith.muli %mul3A_499, %scan3A_313 : i32
      %add3A_501 = arith.constant 15 : i32
      %add3A_502 = arith.addi %mul3A_500, %add3A_501 : i32
      %swap3A_503 = arith.index_cast %add3A_502 : i32 to index
      %swap3A_504 = arith.constant 0 : index
      %swap3A_505 = tpu.vector_load %arg7[%swap3A_503, %swap3A_504] {strides = array<i32>} : memref<640x16xf32, #tpu.memory_space<vmem>>, vector<1x16xf32>,
      %swap3A_506 = vector.shape_cast %swap3A_505 : vector<1x16xf32> to vector<16xf32>
      %swap3A_507 = vector.shape_cast %broadcast_in_dim3A_498 : vector<16xf32> to vector<1x16xf32>
      tpu.vector_store %arg7[%swap3A_503, %swap3A_504], %swap3A_507 {strides = array<i32>} : memref<640x16xf32, #tpu.memory_space<vmem>>, vector<1x16xf32>,
    }
    %scan3A_312 = arith.constant 40 : i32
    "tpu.region"() ({
      %run_scoped3A_313 = tpu.sem_alloc : memref<!tpu.dma_semaphore, #tpu.memory_space<semaphore_mem>>
      %dma_start3A = arith.constant 0 : i32
      %dma_start3A_314 = tpu.memref_slice %arg3[%arg0, %mul3A_288, %dma_start3A] : memref<2x10240x16xf32, #tpu.memory_space<hbm>> -> memref<1x640x16xf32, #tpu.memory_space<hbm>>
      %dma_start3A_315 = tpu.memref_squeeze %dma_start3A_314 : memref<1x640x16xf32, #tpu.memory_space<hbm>> -> memref<640x16xf32, #tpu.memory_space<hbm>>
      %dma_start3A_316 = arith.constant 0 : i32
      %dma_start3A_317 = tpu.memref_slice %arg3[%arg0, %mul3A_288, %dma_start3A_316] : memref<2x10240x16xf32, #tpu.memory_space<hbm>> -> memref<1x640x16xf32, #tpu.memory_space<hbm>>
      %dma_start3A_318 = tpu.memref_squeeze %dma_start3A_317 : memref<1x640x16xf32, #tpu.memory_space<hbm>> -> memref<640x16xf32, #tpu.memory_space<hbm>>
      tpu.enqueue_dma source(%arg7 : memref<640x16xf32, #tpu.memory_space<vmem>>) target(%dma_start3A_318 : memref<640x16xf32, #tpu.memory_space<hbm>>) target_semaphore(%run_scoped3A_313 : memref<!tpu.dma_semaphore, #tpu.memory_space<semaphore_mem>>)
      %dma_wait3A = arith.constant 0 : i32
      %dma_wait3A_319 = tpu.memref_slice %arg3[%arg0, %mul3A_288, %dma_wait3A] : memref<2x10240x16xf32, #tpu.memory_space<hbm>> -> memref<1x640x16xf32, #tpu.memory_space<hbm>>
      %dma_wait3A_320 = tpu.memref_squeeze %dma_wait3A_319 : memref<1x640x16xf32, #tpu.memory_space<hbm>> -> memref<640x16xf32, #tpu.memory_space<hbm>>
      %dma_wait3A_321 = arith.constant 0 : i32
      %dma_wait3A_322 = tpu.memref_slice %arg3[%arg0, %mul3A_288, %dma_wait3A_321] : memref<2x10240x16xf32, #tpu.memory_space<hbm>> -> memref<1x640x16xf32, #tpu.memory_space<hbm>>
      %dma_wait3A_323 = tpu.memref_squeeze %dma_wait3A_322 : memref<1x640x16xf32, #tpu.memory_space<hbm>> -> memref<640x16xf32, #tpu.memory_space<hbm>>
      tpu.wait_dma2 semaphore(%run_scoped3A_313 : memref<!tpu.dma_semaphore, #tpu.memory_space<semaphore_mem>>) src(%arg7 : memref<640x16xf32, #tpu.memory_space<vmem>>) dst(%dma_wait3A_323 : memref<640x16xf32, #tpu.memory_space<hbm>>)
      tpu.yield
    }) : () -> ()
    return
  }
}

#map = affine_map<(d0, d1) -> (0, 0)>
#map1 = affine_map<(d0, d1) -> (0, 0, 0, 0)>
#map2 = affine_map<(d0, d1) -> (0, 0, 0)>
module attributes {stable_mosaic.version = 14 : i64} {
  func.func @_sc_agg(%arg0: i32, %arg1: i32, %arg2: memref<10240x16xf32, #tpu.memory_space<hbm>>, %arg3: memref<2x32x80x125xi32, #tpu.memory_space<hbm>>, %arg4: memref<2x10240x16xf32, #tpu.memory_space<hbm>>, %arg5: memref<80x125xi32, #tpu.memory_space<vmem>>, %arg6: memref<80x125xi32, #tpu.memory_space<vmem>>, %arg7: memref<125x16xf32, #tpu.memory_space<vmem>>, %arg8: memref<125x16xf32, #tpu.memory_space<vmem>>, %arg9: memref<125x16xf32, #tpu.memory_space<vmem>>, %arg10: memref<125x16xf32, #tpu.memory_space<vmem>>, %arg11: memref<640x16xf32, #tpu.memory_space<vmem>>, %arg12: memref<10240x16xf32, #tpu.memory_space<vmem_shared>>, %arg13: memref<!tpu.dma_semaphore, #tpu.memory_space<semaphore_mem>>, %arg14: memref<!tpu.dma_semaphore, #tpu.memory_space<semaphore_mem>>, %arg15: memref<!tpu.dma_semaphore, #tpu.memory_space<semaphore_mem>>, %arg16: memref<!tpu.dma_semaphore, #tpu.memory_space<semaphore_mem>>, %arg17: memref<!tpu.dma_semaphore, #tpu.memory_space<semaphore_mem>>, %arg18: memref<!tpu.dma_semaphore, #tpu.memory_space<semaphore_mem>>, %arg19: memref<!tpu.dma_semaphore, #tpu.memory_space<semaphore_mem>>, %arg20: memref<!tpu.dma_semaphore, #tpu.memory_space<semaphore_mem>>) attributes {dimension_semantics = [#tpu.dimension_semantics<core_parallel>, #tpu.dimension_semantics<subcore_parallel>], iteration_bounds = array<i64: 2, 16>, scalar_prefetch = 0 : i64, scratch_operands = 16 : i64, tpu.core_type = #tpu.core_type<sc_vector_subcore>, window_params = [{transform_indices = #map}, {transform_indices = #map1}, {transform_indices = #map2}]} {
    %mul3A = arith.constant 16 : i32
    %mul3A_0 = arith.muli %arg0, %mul3A : i32
    %add3A = arith.addi %mul3A_0, %arg1 : i32
    %mul3A_1 = arith.constant 640 : i32
    %mul3A_2 = arith.muli %arg1, %mul3A_1 : i32
    %dma_start3A = arith.constant 0 : i32
    %dma_start3A_3 = arith.constant 0 : i32
    %dma_start3A_4 = arith.constant 0 : i32
    %dma_start3A_5 = tpu.memref_slice %arg3[%dma_start3A, %add3A, %dma_start3A_3, %dma_start3A_4] : memref<2x32x80x125xi32, #tpu.memory_space<hbm>> -> memref<1x1x80x125xi32, #tpu.memory_space<hbm>>
    %dma_start3A_6 = tpu.memref_squeeze %dma_start3A_5 : memref<1x1x80x125xi32, #tpu.memory_space<hbm>> -> memref<80x125xi32, #tpu.memory_space<hbm>>
    %dma_start3A_7 = arith.constant 0 : i32
    %dma_start3A_8 = arith.constant 0 : i32
    %dma_start3A_9 = tpu.memref_slice %arg3[%dma_start3A, %add3A, %dma_start3A_7, %dma_start3A_8] : memref<2x32x80x125xi32, #tpu.memory_space<hbm>> -> memref<1x1x80x125xi32, #tpu.memory_space<hbm>>
    %dma_start3A_10 = tpu.memref_squeeze %dma_start3A_9 : memref<1x1x80x125xi32, #tpu.memory_space<hbm>> -> memref<80x125xi32, #tpu.memory_space<hbm>>
    tpu.enqueue_dma source(%dma_start3A_10 : memref<80x125xi32, #tpu.memory_space<hbm>>) target(%arg5 : memref<80x125xi32, #tpu.memory_space<vmem>>) target_semaphore(%arg13 : memref<!tpu.dma_semaphore, #tpu.memory_space<semaphore_mem>>)
    %dma_start3A_11 = arith.constant 1 : i32
    %dma_start3A_12 = arith.constant 0 : i32
    %dma_start3A_13 = arith.constant 0 : i32
    %dma_start3A_14 = tpu.memref_slice %arg3[%dma_start3A_11, %add3A, %dma_start3A_12, %dma_start3A_13] : memref<2x32x80x125xi32, #tpu.memory_space<hbm>> -> memref<1x1x80x125xi32, #tpu.memory_space<hbm>>
    %dma_start3A_15 = tpu.memref_squeeze %dma_start3A_14 : memref<1x1x80x125xi32, #tpu.memory_space<hbm>> -> memref<80x125xi32, #tpu.memory_space<hbm>>
    %dma_start3A_16 = arith.constant 0 : i32
    %dma_start3A_17 = arith.constant 0 : i32
    %dma_start3A_18 = tpu.memref_slice %arg3[%dma_start3A_11, %add3A, %dma_start3A_16, %dma_start3A_17] : memref<2x32x80x125xi32, #tpu.memory_space<hbm>> -> memref<1x1x80x125xi32, #tpu.memory_space<hbm>>
    %dma_start3A_19 = tpu.memref_squeeze %dma_start3A_18 : memref<1x1x80x125xi32, #tpu.memory_space<hbm>> -> memref<80x125xi32, #tpu.memory_space<hbm>>
    tpu.enqueue_dma source(%dma_start3A_19 : memref<80x125xi32, #tpu.memory_space<hbm>>) target(%arg6 : memref<80x125xi32, #tpu.memory_space<vmem>>) target_semaphore(%arg14 : memref<!tpu.dma_semaphore, #tpu.memory_space<semaphore_mem>>)
    %scan3A = arith.constant 0 : i32
    %scan3A_20 = arith.constant 0 : i32
    %scan3A_21 = arith.constant 640 : i32
    %scan3A_22 = arith.addi %scan3A_20, %scan3A_21 : i32
    %scan3A_23 = arith.constant 1 : i32
    scf.for %scan3A_161 = %scan3A_20 to %scan3A_22 step %scan3A_23  : i32 {
      %broadcast_in_dim3A = arith.constant 0.000000e+00 : f32
      %broadcast_in_dim3A_162 = vector.broadcast %broadcast_in_dim3A : f32 to vector<16xf32>
      %swap3A = arith.index_cast %scan3A_161 : i32 to index
      %swap3A_163 = arith.constant 0 : index
      %swap3A_164 = tpu.vector_load %arg11[%swap3A, %swap3A_163] {strides = array<i32>} : memref<640x16xf32, #tpu.memory_space<vmem>>, vector<1x16xf32>,
      %swap3A_165 = vector.shape_cast %swap3A_164 : vector<1x16xf32> to vector<16xf32>
      %swap3A_166 = vector.shape_cast %broadcast_in_dim3A_162 : vector<16xf32> to vector<1x16xf32>
      tpu.vector_store %arg11[%swap3A, %swap3A_163], %swap3A_166 {strides = array<i32>} : memref<640x16xf32, #tpu.memory_space<vmem>>, vector<1x16xf32>,
    }
    %scan3A_24 = arith.constant 640 : i32
    "tpu.region"() ({
      %run_scoped3A = tpu.sem_alloc : memref<!tpu.dma_semaphore, #tpu.memory_space<semaphore_mem>>
      %dma_start3A_161 = arith.constant 0 : i32
      %dma_start3A_162 = tpu.memref_slice %arg12[%mul3A_2, %dma_start3A_161] : memref<10240x16xf32, #tpu.memory_space<vmem_shared>> -> memref<640x16xf32, #tpu.memory_space<vmem_shared>>
      %dma_start3A_163 = arith.constant 0 : i32
      %dma_start3A_164 = tpu.memref_slice %arg12[%mul3A_2, %dma_start3A_163] : memref<10240x16xf32, #tpu.memory_space<vmem_shared>> -> memref<640x16xf32, #tpu.memory_space<vmem_shared>>
      tpu.enqueue_dma source(%arg11 : memref<640x16xf32, #tpu.memory_space<vmem>>) target(%dma_start3A_164 : memref<640x16xf32, #tpu.memory_space<vmem_shared>>) target_semaphore(%run_scoped3A : memref<!tpu.dma_semaphore, #tpu.memory_space<semaphore_mem>>)
      %dma_wait3A_165 = arith.constant 0 : i32
      %dma_wait3A_166 = tpu.memref_slice %arg12[%mul3A_2, %dma_wait3A_165] : memref<10240x16xf32, #tpu.memory_space<vmem_shared>> -> memref<640x16xf32, #tpu.memory_space<vmem_shared>>
      %dma_wait3A_167 = arith.constant 0 : i32
      %dma_wait3A_168 = tpu.memref_slice %arg12[%mul3A_2, %dma_wait3A_167] : memref<10240x16xf32, #tpu.memory_space<vmem_shared>> -> memref<640x16xf32, #tpu.memory_space<vmem_shared>>
      tpu.wait_dma2 semaphore(%run_scoped3A : memref<!tpu.dma_semaphore, #tpu.memory_space<semaphore_mem>>) src(%arg11 : memref<640x16xf32, #tpu.memory_space<vmem>>) dst(%dma_wait3A_168 : memref<640x16xf32, #tpu.memory_space<vmem_shared>>)
      tpu.yield
    }) : () -> ()
    %dma_wait3A = arith.constant 0 : i32
    %dma_wait3A_25 = arith.constant 0 : i32
    %dma_wait3A_26 = arith.constant 0 : i32
    %dma_wait3A_27 = tpu.memref_slice %arg3[%dma_wait3A, %add3A, %dma_wait3A_25, %dma_wait3A_26] : memref<2x32x80x125xi32, #tpu.memory_space<hbm>> -> memref<1x1x80x125xi32, #tpu.memory_space<hbm>>
    %dma_wait3A_28 = tpu.memref_squeeze %dma_wait3A_27 : memref<1x1x80x125xi32, #tpu.memory_space<hbm>> -> memref<80x125xi32, #tpu.memory_space<hbm>>
    %dma_wait3A_29 = arith.constant 0 : i32
    %dma_wait3A_30 = arith.constant 0 : i32
    %dma_wait3A_31 = tpu.memref_slice %arg3[%dma_wait3A, %add3A, %dma_wait3A_29, %dma_wait3A_30] : memref<2x32x80x125xi32, #tpu.memory_space<hbm>> -> memref<1x1x80x125xi32, #tpu.memory_space<hbm>>
    %dma_wait3A_32 = tpu.memref_squeeze %dma_wait3A_31 : memref<1x1x80x125xi32, #tpu.memory_space<hbm>> -> memref<80x125xi32, #tpu.memory_space<hbm>>
    tpu.wait_dma2 semaphore(%arg13 : memref<!tpu.dma_semaphore, #tpu.memory_space<semaphore_mem>>) src(%dma_wait3A_32 : memref<80x125xi32, #tpu.memory_space<hbm>>) dst(%arg5 : memref<80x125xi32, #tpu.memory_space<vmem>>)
    %dma_wait3A_33 = arith.constant 1 : i32
    %dma_wait3A_34 = arith.constant 0 : i32
    %dma_wait3A_35 = arith.constant 0 : i32
    %dma_wait3A_36 = tpu.memref_slice %arg3[%dma_wait3A_33, %add3A, %dma_wait3A_34, %dma_wait3A_35] : memref<2x32x80x125xi32, #tpu.memory_space<hbm>> -> memref<1x1x80x125xi32, #tpu.memory_space<hbm>>
    %dma_wait3A_37 = tpu.memref_squeeze %dma_wait3A_36 : memref<1x1x80x125xi32, #tpu.memory_space<hbm>> -> memref<80x125xi32, #tpu.memory_space<hbm>>
    %dma_wait3A_38 = arith.constant 0 : i32
    %dma_wait3A_39 = arith.constant 0 : i32
    %dma_wait3A_40 = tpu.memref_slice %arg3[%dma_wait3A_33, %add3A, %dma_wait3A_38, %dma_wait3A_39] : memref<2x32x80x125xi32, #tpu.memory_space<hbm>> -> memref<1x1x80x125xi32, #tpu.memory_space<hbm>>
    %dma_wait3A_41 = tpu.memref_squeeze %dma_wait3A_40 : memref<1x1x80x125xi32, #tpu.memory_space<hbm>> -> memref<80x125xi32, #tpu.memory_space<hbm>>
    tpu.wait_dma2 semaphore(%arg14 : memref<!tpu.dma_semaphore, #tpu.memory_space<semaphore_mem>>) src(%dma_wait3A_41 : memref<80x125xi32, #tpu.memory_space<hbm>>) dst(%arg6 : memref<80x125xi32, #tpu.memory_space<vmem>>)
    %barrier3A = arith.constant 0 : index
    tpu.barrier barrier_id(%barrier3A)
    %dma_start3A_42 = arith.constant 0 : i32
    %dma_start3A_43 = arith.constant 0 : i32
    %dma_start3A_44 = tpu.memref_slice %arg5[%dma_start3A_42, %dma_start3A_43] : memref<80x125xi32, #tpu.memory_space<vmem>> -> memref<1x125xi32, #tpu.memory_space<vmem>>
    %dma_start3A_45 = tpu.memref_squeeze %dma_start3A_44 : memref<1x125xi32, #tpu.memory_space<vmem>> -> memref<125xi32, #tpu.memory_space<vmem>>
    %dma_start3A_46 = arith.constant 0 : i32
    %dma_start3A_47 = arith.constant 0 : i32
    %dma_start3A_48 = tpu.memref_slice %arg2[%dma_start3A_46, %dma_start3A_47] : memref<10240x16xf32, #tpu.memory_space<hbm>> -> memref<10240x16xf32, #tpu.memory_space<hbm>>
    tpu.enqueue_indirect_dma source(%dma_start3A_48 : memref<10240x16xf32, #tpu.memory_space<hbm>>) target(%arg7 : memref<125x16xf32, #tpu.memory_space<vmem>>) offsets(%dma_start3A_45 : memref<125xi32, #tpu.memory_space<vmem>>) semaphore(%arg13 : memref<!tpu.dma_semaphore, #tpu.memory_space<semaphore_mem>>)
    %dma_start3A_49 = arith.constant 1 : i32
    %dma_start3A_50 = arith.constant 0 : i32
    %dma_start3A_51 = tpu.memref_slice %arg5[%dma_start3A_49, %dma_start3A_50] : memref<80x125xi32, #tpu.memory_space<vmem>> -> memref<1x125xi32, #tpu.memory_space<vmem>>
    %dma_start3A_52 = tpu.memref_squeeze %dma_start3A_51 : memref<1x125xi32, #tpu.memory_space<vmem>> -> memref<125xi32, #tpu.memory_space<vmem>>
    %dma_start3A_53 = arith.constant 0 : i32
    %dma_start3A_54 = arith.constant 0 : i32
    %dma_start3A_55 = tpu.memref_slice %arg2[%dma_start3A_53, %dma_start3A_54] : memref<10240x16xf32, #tpu.memory_space<hbm>> -> memref<10240x16xf32, #tpu.memory_space<hbm>>
    tpu.enqueue_indirect_dma source(%dma_start3A_55 : memref<10240x16xf32, #tpu.memory_space<hbm>>) target(%arg8 : memref<125x16xf32, #tpu.memory_space<vmem>>) offsets(%dma_start3A_52 : memref<125xi32, #tpu.memory_space<vmem>>) semaphore(%arg14 : memref<!tpu.dma_semaphore, #tpu.memory_space<semaphore_mem>>)
    %dma_wait3A_56 = arith.constant 0 : i32
    %dma_wait3A_57 = arith.constant 0 : i32
    %dma_wait3A_58 = tpu.memref_slice %arg5[%dma_wait3A_56, %dma_wait3A_57] : memref<80x125xi32, #tpu.memory_space<vmem>> -> memref<1x125xi32, #tpu.memory_space<vmem>>
    %dma_wait3A_59 = tpu.memref_squeeze %dma_wait3A_58 : memref<1x125xi32, #tpu.memory_space<vmem>> -> memref<125xi32, #tpu.memory_space<vmem>>
    %dma_wait3A_60 = arith.constant 0 : i32
    %dma_wait3A_61 = arith.constant 0 : i32
    %dma_wait3A_62 = tpu.memref_slice %arg2[%dma_wait3A_60, %dma_wait3A_61] : memref<10240x16xf32, #tpu.memory_space<hbm>> -> memref<10240x16xf32, #tpu.memory_space<hbm>>
    tpu.wait_indirect_dma semaphore(%arg13 : memref<!tpu.dma_semaphore, #tpu.memory_space<semaphore_mem>>) src(%dma_wait3A_62 : memref<10240x16xf32, #tpu.memory_space<hbm>>) dst(%arg7 : memref<125x16xf32, #tpu.memory_space<vmem>>)
    %dma_start3A_63 = arith.constant 0 : i32
    %dma_start3A_64 = arith.constant 0 : i32
    %dma_start3A_65 = tpu.memref_slice %arg6[%dma_start3A_63, %dma_start3A_64] : memref<80x125xi32, #tpu.memory_space<vmem>> -> memref<1x125xi32, #tpu.memory_space<vmem>>
    %dma_start3A_66 = tpu.memref_squeeze %dma_start3A_65 : memref<1x125xi32, #tpu.memory_space<vmem>> -> memref<125xi32, #tpu.memory_space<vmem>>
    %dma_start3A_67 = arith.constant 0 : i32
    %dma_start3A_68 = arith.constant 0 : i32
    %dma_start3A_69 = tpu.memref_slice %arg12[%dma_start3A_67, %dma_start3A_68] : memref<10240x16xf32, #tpu.memory_space<vmem_shared>> -> memref<10240x16xf32, #tpu.memory_space<vmem_shared>>
    tpu.enqueue_indirect_dma source(%arg7 : memref<125x16xf32, #tpu.memory_space<vmem>>) target(%dma_start3A_69 : memref<10240x16xf32, #tpu.memory_space<vmem_shared>>) offsets(%dma_start3A_66 : memref<125xi32, #tpu.memory_space<vmem>>) semaphore(%arg17 : memref<!tpu.dma_semaphore, #tpu.memory_space<semaphore_mem>>) {add = true}
    %dma_start3A_70 = arith.constant 2 : i32
    %dma_start3A_71 = arith.constant 0 : i32
    %dma_start3A_72 = tpu.memref_slice %arg5[%dma_start3A_70, %dma_start3A_71] : memref<80x125xi32, #tpu.memory_space<vmem>> -> memref<1x125xi32, #tpu.memory_space<vmem>>
    %dma_start3A_73 = tpu.memref_squeeze %dma_start3A_72 : memref<1x125xi32, #tpu.memory_space<vmem>> -> memref<125xi32, #tpu.memory_space<vmem>>
    %dma_start3A_74 = arith.constant 0 : i32
    %dma_start3A_75 = arith.constant 0 : i32
    %dma_start3A_76 = tpu.memref_slice %arg2[%dma_start3A_74, %dma_start3A_75] : memref<10240x16xf32, #tpu.memory_space<hbm>> -> memref<10240x16xf32, #tpu.memory_space<hbm>>
    tpu.enqueue_indirect_dma source(%dma_start3A_76 : memref<10240x16xf32, #tpu.memory_space<hbm>>) target(%arg9 : memref<125x16xf32, #tpu.memory_space<vmem>>) offsets(%dma_start3A_73 : memref<125xi32, #tpu.memory_space<vmem>>) semaphore(%arg15 : memref<!tpu.dma_semaphore, #tpu.memory_space<semaphore_mem>>)
    %dma_wait3A_77 = arith.constant 0 : i32
    %dma_wait3A_78 = arith.constant 0 : i32
    %dma_wait3A_79 = tpu.memref_slice %arg5[%dma_wait3A_77, %dma_wait3A_78] : memref<80x125xi32, #tpu.memory_space<vmem>> -> memref<1x125xi32, #tpu.memory_space<vmem>>
    %dma_wait3A_80 = tpu.memref_squeeze %dma_wait3A_79 : memref<1x125xi32, #tpu.memory_space<vmem>> -> memref<125xi32, #tpu.memory_space<vmem>>
    %dma_wait3A_81 = arith.constant 0 : i32
    %dma_wait3A_82 = arith.constant 0 : i32
    %dma_wait3A_83 = tpu.memref_slice %arg2[%dma_wait3A_81, %dma_wait3A_82] : memref<10240x16xf32, #tpu.memory_space<hbm>> -> memref<10240x16xf32, #tpu.memory_space<hbm>>
    tpu.wait_indirect_dma semaphore(%arg14 : memref<!tpu.dma_semaphore, #tpu.memory_space<semaphore_mem>>) src(%dma_wait3A_83 : memref<10240x16xf32, #tpu.memory_space<hbm>>) dst(%arg8 : memref<125x16xf32, #tpu.memory_space<vmem>>)
    %dma_start3A_84 = arith.constant 1 : i32
    %dma_start3A_85 = arith.constant 0 : i32
    %dma_start3A_86 = tpu.memref_slice %arg6[%dma_start3A_84, %dma_start3A_85] : memref<80x125xi32, #tpu.memory_space<vmem>> -> memref<1x125xi32, #tpu.memory_space<vmem>>
    %dma_start3A_87 = tpu.memref_squeeze %dma_start3A_86 : memref<1x125xi32, #tpu.memory_space<vmem>> -> memref<125xi32, #tpu.memory_space<vmem>>
    %dma_start3A_88 = arith.constant 0 : i32
    %dma_start3A_89 = arith.constant 0 : i32
    %dma_start3A_90 = tpu.memref_slice %arg12[%dma_start3A_88, %dma_start3A_89] : memref<10240x16xf32, #tpu.memory_space<vmem_shared>> -> memref<10240x16xf32, #tpu.memory_space<vmem_shared>>
    tpu.enqueue_indirect_dma source(%arg8 : memref<125x16xf32, #tpu.memory_space<vmem>>) target(%dma_start3A_90 : memref<10240x16xf32, #tpu.memory_space<vmem_shared>>) offsets(%dma_start3A_87 : memref<125xi32, #tpu.memory_space<vmem>>) semaphore(%arg18 : memref<!tpu.dma_semaphore, #tpu.memory_space<semaphore_mem>>) {add = true}
    %dma_start3A_91 = arith.constant 3 : i32
    %dma_start3A_92 = arith.constant 0 : i32
    %dma_start3A_93 = tpu.memref_slice %arg5[%dma_start3A_91, %dma_start3A_92] : memref<80x125xi32, #tpu.memory_space<vmem>> -> memref<1x125xi32, #tpu.memory_space<vmem>>
    %dma_start3A_94 = tpu.memref_squeeze %dma_start3A_93 : memref<1x125xi32, #tpu.memory_space<vmem>> -> memref<125xi32, #tpu.memory_space<vmem>>
    %dma_start3A_95 = arith.constant 0 : i32
    %dma_start3A_96 = arith.constant 0 : i32
    %dma_start3A_97 = tpu.memref_slice %arg2[%dma_start3A_95, %dma_start3A_96] : memref<10240x16xf32, #tpu.memory_space<hbm>> -> memref<10240x16xf32, #tpu.memory_space<hbm>>
    tpu.enqueue_indirect_dma source(%dma_start3A_97 : memref<10240x16xf32, #tpu.memory_space<hbm>>) target(%arg10 : memref<125x16xf32, #tpu.memory_space<vmem>>) offsets(%dma_start3A_94 : memref<125xi32, #tpu.memory_space<vmem>>) semaphore(%arg16 : memref<!tpu.dma_semaphore, #tpu.memory_space<semaphore_mem>>)
    %scan3A_98 = arith.constant 0 : i32
    %scan3A_99 = arith.constant 0 : i32
    %scan3A_100 = arith.constant 19 : i32
    %scan3A_101 = arith.addi %scan3A_99, %scan3A_100 : i32
    %scan3A_102 = arith.constant 1 : i32
    scf.for %scan3A_161 = %scan3A_99 to %scan3A_101 step %scan3A_102  : i32 {
      %mul3A_162 = arith.constant 4 : i32
      %mul3A_163 = arith.muli %mul3A_162, %scan3A_161 : i32
      %add3A_164 = arith.constant 2 : i32
      %add3A_165 = arith.addi %mul3A_163, %add3A_164 : i32
      %dma_wait3A_166 = arith.constant 0 : i32
      %dma_wait3A_167 = arith.constant 0 : i32
      %dma_wait3A_168 = tpu.memref_slice %arg5[%dma_wait3A_166, %dma_wait3A_167] : memref<80x125xi32, #tpu.memory_space<vmem>> -> memref<1x125xi32, #tpu.memory_space<vmem>>
      %dma_wait3A_169 = tpu.memref_squeeze %dma_wait3A_168 : memref<1x125xi32, #tpu.memory_space<vmem>> -> memref<125xi32, #tpu.memory_space<vmem>>
      %dma_wait3A_170 = arith.constant 0 : i32
      %dma_wait3A_171 = arith.constant 0 : i32
      %dma_wait3A_172 = tpu.memref_slice %arg2[%dma_wait3A_170, %dma_wait3A_171] : memref<10240x16xf32, #tpu.memory_space<hbm>> -> memref<10240x16xf32, #tpu.memory_space<hbm>>
      tpu.wait_indirect_dma semaphore(%arg15 : memref<!tpu.dma_semaphore, #tpu.memory_space<semaphore_mem>>) src(%dma_wait3A_172 : memref<10240x16xf32, #tpu.memory_space<hbm>>) dst(%arg9 : memref<125x16xf32, #tpu.memory_space<vmem>>)
      %add3A_173 = arith.constant 0 : i32
      %add3A_174 = arith.addi %add3A_165, %add3A_173 : i32
      %dma_start3A_175 = arith.constant 0 : i32
      %dma_start3A_176 = tpu.memref_slice %arg6[%add3A_174, %dma_start3A_175] : memref<80x125xi32, #tpu.memory_space<vmem>> -> memref<1x125xi32, #tpu.memory_space<vmem>>
      %dma_start3A_177 = tpu.memref_squeeze %dma_start3A_176 : memref<1x125xi32, #tpu.memory_space<vmem>> -> memref<125xi32, #tpu.memory_space<vmem>>
      %dma_start3A_178 = arith.constant 0 : i32
      %dma_start3A_179 = arith.constant 0 : i32
      %dma_start3A_180 = tpu.memref_slice %arg12[%dma_start3A_178, %dma_start3A_179] : memref<10240x16xf32, #tpu.memory_space<vmem_shared>> -> memref<10240x16xf32, #tpu.memory_space<vmem_shared>>
      tpu.enqueue_indirect_dma source(%arg9 : memref<125x16xf32, #tpu.memory_space<vmem>>) target(%dma_start3A_180 : memref<10240x16xf32, #tpu.memory_space<vmem_shared>>) offsets(%dma_start3A_177 : memref<125xi32, #tpu.memory_space<vmem>>) semaphore(%arg19 : memref<!tpu.dma_semaphore, #tpu.memory_space<semaphore_mem>>) {add = true}
      %dma_wait3A_181 = arith.constant 0 : i32
      %dma_wait3A_182 = arith.constant 0 : i32
      %dma_wait3A_183 = tpu.memref_slice %arg6[%dma_wait3A_181, %dma_wait3A_182] : memref<80x125xi32, #tpu.memory_space<vmem>> -> memref<1x125xi32, #tpu.memory_space<vmem>>
      %dma_wait3A_184 = tpu.memref_squeeze %dma_wait3A_183 : memref<1x125xi32, #tpu.memory_space<vmem>> -> memref<125xi32, #tpu.memory_space<vmem>>
      %dma_wait3A_185 = arith.constant 0 : i32
      %dma_wait3A_186 = arith.constant 0 : i32
      %dma_wait3A_187 = tpu.memref_slice %arg12[%dma_wait3A_185, %dma_wait3A_186] : memref<10240x16xf32, #tpu.memory_space<vmem_shared>> -> memref<10240x16xf32, #tpu.memory_space<vmem_shared>>
      tpu.wait_indirect_dma semaphore(%arg17 : memref<!tpu.dma_semaphore, #tpu.memory_space<semaphore_mem>>) src(%arg7 : memref<125x16xf32, #tpu.memory_space<vmem>>) dst(%dma_wait3A_187 : memref<10240x16xf32, #tpu.memory_space<vmem_shared>>)
      %add3A_188 = arith.constant 0 : i32
      %add3A_189 = arith.addi %add3A_165, %add3A_188 : i32
      %add3A_190 = arith.constant 2 : i32
      %add3A_191 = arith.addi %add3A_189, %add3A_190 : i32
      %dma_start3A_192 = arith.constant 0 : i32
      %dma_start3A_193 = tpu.memref_slice %arg5[%add3A_191, %dma_start3A_192] : memref<80x125xi32, #tpu.memory_space<vmem>> -> memref<1x125xi32, #tpu.memory_space<vmem>>
      %dma_start3A_194 = tpu.memref_squeeze %dma_start3A_193 : memref<1x125xi32, #tpu.memory_space<vmem>> -> memref<125xi32, #tpu.memory_space<vmem>>
      %dma_start3A_195 = arith.constant 0 : i32
      %dma_start3A_196 = arith.constant 0 : i32
      %dma_start3A_197 = tpu.memref_slice %arg2[%dma_start3A_195, %dma_start3A_196] : memref<10240x16xf32, #tpu.memory_space<hbm>> -> memref<10240x16xf32, #tpu.memory_space<hbm>>
      tpu.enqueue_indirect_dma source(%dma_start3A_197 : memref<10240x16xf32, #tpu.memory_space<hbm>>) target(%arg7 : memref<125x16xf32, #tpu.memory_space<vmem>>) offsets(%dma_start3A_194 : memref<125xi32, #tpu.memory_space<vmem>>) semaphore(%arg13 : memref<!tpu.dma_semaphore, #tpu.memory_space<semaphore_mem>>)
      %dma_wait3A_198 = arith.constant 0 : i32
      %dma_wait3A_199 = arith.constant 0 : i32
      %dma_wait3A_200 = tpu.memref_slice %arg5[%dma_wait3A_198, %dma_wait3A_199] : memref<80x125xi32, #tpu.memory_space<vmem>> -> memref<1x125xi32, #tpu.memory_space<vmem>>
      %dma_wait3A_201 = tpu.memref_squeeze %dma_wait3A_200 : memref<1x125xi32, #tpu.memory_space<vmem>> -> memref<125xi32, #tpu.memory_space<vmem>>
      %dma_wait3A_202 = arith.constant 0 : i32
      %dma_wait3A_203 = arith.constant 0 : i32
      %dma_wait3A_204 = tpu.memref_slice %arg2[%dma_wait3A_202, %dma_wait3A_203] : memref<10240x16xf32, #tpu.memory_space<hbm>> -> memref<10240x16xf32, #tpu.memory_space<hbm>>
      tpu.wait_indirect_dma semaphore(%arg16 : memref<!tpu.dma_semaphore, #tpu.memory_space<semaphore_mem>>) src(%dma_wait3A_204 : memref<10240x16xf32, #tpu.memory_space<hbm>>) dst(%arg10 : memref<125x16xf32, #tpu.memory_space<vmem>>)
      %add3A_205 = arith.constant 1 : i32
      %add3A_206 = arith.addi %add3A_165, %add3A_205 : i32
      %dma_start3A_207 = arith.constant 0 : i32
      %dma_start3A_208 = tpu.memref_slice %arg6[%add3A_206, %dma_start3A_207] : memref<80x125xi32, #tpu.memory_space<vmem>> -> memref<1x125xi32, #tpu.memory_space<vmem>>
      %dma_start3A_209 = tpu.memref_squeeze %dma_start3A_208 : memref<1x125xi32, #tpu.memory_space<vmem>> -> memref<125xi32, #tpu.memory_space<vmem>>
      %dma_start3A_210 = arith.constant 0 : i32
      %dma_start3A_211 = arith.constant 0 : i32
      %dma_start3A_212 = tpu.memref_slice %arg12[%dma_start3A_210, %dma_start3A_211] : memref<10240x16xf32, #tpu.memory_space<vmem_shared>> -> memref<10240x16xf32, #tpu.memory_space<vmem_shared>>
      tpu.enqueue_indirect_dma source(%arg10 : memref<125x16xf32, #tpu.memory_space<vmem>>) target(%dma_start3A_212 : memref<10240x16xf32, #tpu.memory_space<vmem_shared>>) offsets(%dma_start3A_209 : memref<125xi32, #tpu.memory_space<vmem>>) semaphore(%arg20 : memref<!tpu.dma_semaphore, #tpu.memory_space<semaphore_mem>>) {add = true}
      %dma_wait3A_213 = arith.constant 0 : i32
      %dma_wait3A_214 = arith.constant 0 : i32
      %dma_wait3A_215 = tpu.memref_slice %arg6[%dma_wait3A_213, %dma_wait3A_214] : memref<80x125xi32, #tpu.memory_space<vmem>> -> memref<1x125xi32, #tpu.memory_space<vmem>>
      %dma_wait3A_216 = tpu.memref_squeeze %dma_wait3A_215 : memref<1x125xi32, #tpu.memory_space<vmem>> -> memref<125xi32, #tpu.memory_space<vmem>>
      %dma_wait3A_217 = arith.constant 0 : i32
      %dma_wait3A_218 = arith.constant 0 : i32
      %dma_wait3A_219 = tpu.memref_slice %arg12[%dma_wait3A_217, %dma_wait3A_218] : memref<10240x16xf32, #tpu.memory_space<vmem_shared>> -> memref<10240x16xf32, #tpu.memory_space<vmem_shared>>
      tpu.wait_indirect_dma semaphore(%arg18 : memref<!tpu.dma_semaphore, #tpu.memory_space<semaphore_mem>>) src(%arg8 : memref<125x16xf32, #tpu.memory_space<vmem>>) dst(%dma_wait3A_219 : memref<10240x16xf32, #tpu.memory_space<vmem_shared>>)
      %add3A_220 = arith.constant 1 : i32
      %add3A_221 = arith.addi %add3A_165, %add3A_220 : i32
      %add3A_222 = arith.constant 2 : i32
      %add3A_223 = arith.addi %add3A_221, %add3A_222 : i32
      %dma_start3A_224 = arith.constant 0 : i32
      %dma_start3A_225 = tpu.memref_slice %arg5[%add3A_223, %dma_start3A_224] : memref<80x125xi32, #tpu.memory_space<vmem>> -> memref<1x125xi32, #tpu.memory_space<vmem>>
      %dma_start3A_226 = tpu.memref_squeeze %dma_start3A_225 : memref<1x125xi32, #tpu.memory_space<vmem>> -> memref<125xi32, #tpu.memory_space<vmem>>
      %dma_start3A_227 = arith.constant 0 : i32
      %dma_start3A_228 = arith.constant 0 : i32
      %dma_start3A_229 = tpu.memref_slice %arg2[%dma_start3A_227, %dma_start3A_228] : memref<10240x16xf32, #tpu.memory_space<hbm>> -> memref<10240x16xf32, #tpu.memory_space<hbm>>
      tpu.enqueue_indirect_dma source(%dma_start3A_229 : memref<10240x16xf32, #tpu.memory_space<hbm>>) target(%arg8 : memref<125x16xf32, #tpu.memory_space<vmem>>) offsets(%dma_start3A_226 : memref<125xi32, #tpu.memory_space<vmem>>) semaphore(%arg14 : memref<!tpu.dma_semaphore, #tpu.memory_space<semaphore_mem>>)
      %dma_wait3A_230 = arith.constant 0 : i32
      %dma_wait3A_231 = arith.constant 0 : i32
      %dma_wait3A_232 = tpu.memref_slice %arg5[%dma_wait3A_230, %dma_wait3A_231] : memref<80x125xi32, #tpu.memory_space<vmem>> -> memref<1x125xi32, #tpu.memory_space<vmem>>
      %dma_wait3A_233 = tpu.memref_squeeze %dma_wait3A_232 : memref<1x125xi32, #tpu.memory_space<vmem>> -> memref<125xi32, #tpu.memory_space<vmem>>
      %dma_wait3A_234 = arith.constant 0 : i32
      %dma_wait3A_235 = arith.constant 0 : i32
      %dma_wait3A_236 = tpu.memref_slice %arg2[%dma_wait3A_234, %dma_wait3A_235] : memref<10240x16xf32, #tpu.memory_space<hbm>> -> memref<10240x16xf32, #tpu.memory_space<hbm>>
      tpu.wait_indirect_dma semaphore(%arg13 : memref<!tpu.dma_semaphore, #tpu.memory_space<semaphore_mem>>) src(%dma_wait3A_236 : memref<10240x16xf32, #tpu.memory_space<hbm>>) dst(%arg7 : memref<125x16xf32, #tpu.memory_space<vmem>>)
      %add3A_237 = arith.constant 2 : i32
      %add3A_238 = arith.addi %add3A_165, %add3A_237 : i32
      %dma_start3A_239 = arith.constant 0 : i32
      %dma_start3A_240 = tpu.memref_slice %arg6[%add3A_238, %dma_start3A_239] : memref<80x125xi32, #tpu.memory_space<vmem>> -> memref<1x125xi32, #tpu.memory_space<vmem>>
      %dma_start3A_241 = tpu.memref_squeeze %dma_start3A_240 : memref<1x125xi32, #tpu.memory_space<vmem>> -> memref<125xi32, #tpu.memory_space<vmem>>
      %dma_start3A_242 = arith.constant 0 : i32
      %dma_start3A_243 = arith.constant 0 : i32
      %dma_start3A_244 = tpu.memref_slice %arg12[%dma_start3A_242, %dma_start3A_243] : memref<10240x16xf32, #tpu.memory_space<vmem_shared>> -> memref<10240x16xf32, #tpu.memory_space<vmem_shared>>
      tpu.enqueue_indirect_dma source(%arg7 : memref<125x16xf32, #tpu.memory_space<vmem>>) target(%dma_start3A_244 : memref<10240x16xf32, #tpu.memory_space<vmem_shared>>) offsets(%dma_start3A_241 : memref<125xi32, #tpu.memory_space<vmem>>) semaphore(%arg17 : memref<!tpu.dma_semaphore, #tpu.memory_space<semaphore_mem>>) {add = true}
      %dma_wait3A_245 = arith.constant 0 : i32
      %dma_wait3A_246 = arith.constant 0 : i32
      %dma_wait3A_247 = tpu.memref_slice %arg6[%dma_wait3A_245, %dma_wait3A_246] : memref<80x125xi32, #tpu.memory_space<vmem>> -> memref<1x125xi32, #tpu.memory_space<vmem>>
      %dma_wait3A_248 = tpu.memref_squeeze %dma_wait3A_247 : memref<1x125xi32, #tpu.memory_space<vmem>> -> memref<125xi32, #tpu.memory_space<vmem>>
      %dma_wait3A_249 = arith.constant 0 : i32
      %dma_wait3A_250 = arith.constant 0 : i32
      %dma_wait3A_251 = tpu.memref_slice %arg12[%dma_wait3A_249, %dma_wait3A_250] : memref<10240x16xf32, #tpu.memory_space<vmem_shared>> -> memref<10240x16xf32, #tpu.memory_space<vmem_shared>>
      tpu.wait_indirect_dma semaphore(%arg19 : memref<!tpu.dma_semaphore, #tpu.memory_space<semaphore_mem>>) src(%arg9 : memref<125x16xf32, #tpu.memory_space<vmem>>) dst(%dma_wait3A_251 : memref<10240x16xf32, #tpu.memory_space<vmem_shared>>)
      %add3A_252 = arith.constant 2 : i32
      %add3A_253 = arith.addi %add3A_165, %add3A_252 : i32
      %add3A_254 = arith.constant 2 : i32
      %add3A_255 = arith.addi %add3A_253, %add3A_254 : i32
      %dma_start3A_256 = arith.constant 0 : i32
      %dma_start3A_257 = tpu.memref_slice %arg5[%add3A_255, %dma_start3A_256] : memref<80x125xi32, #tpu.memory_space<vmem>> -> memref<1x125xi32, #tpu.memory_space<vmem>>
      %dma_start3A_258 = tpu.memref_squeeze %dma_start3A_257 : memref<1x125xi32, #tpu.memory_space<vmem>> -> memref<125xi32, #tpu.memory_space<vmem>>
      %dma_start3A_259 = arith.constant 0 : i32
      %dma_start3A_260 = arith.constant 0 : i32
      %dma_start3A_261 = tpu.memref_slice %arg2[%dma_start3A_259, %dma_start3A_260] : memref<10240x16xf32, #tpu.memory_space<hbm>> -> memref<10240x16xf32, #tpu.memory_space<hbm>>
      tpu.enqueue_indirect_dma source(%dma_start3A_261 : memref<10240x16xf32, #tpu.memory_space<hbm>>) target(%arg9 : memref<125x16xf32, #tpu.memory_space<vmem>>) offsets(%dma_start3A_258 : memref<125xi32, #tpu.memory_space<vmem>>) semaphore(%arg15 : memref<!tpu.dma_semaphore, #tpu.memory_space<semaphore_mem>>)
      %dma_wait3A_262 = arith.constant 0 : i32
      %dma_wait3A_263 = arith.constant 0 : i32
      %dma_wait3A_264 = tpu.memref_slice %arg5[%dma_wait3A_262, %dma_wait3A_263] : memref<80x125xi32, #tpu.memory_space<vmem>> -> memref<1x125xi32, #tpu.memory_space<vmem>>
      %dma_wait3A_265 = tpu.memref_squeeze %dma_wait3A_264 : memref<1x125xi32, #tpu.memory_space<vmem>> -> memref<125xi32, #tpu.memory_space<vmem>>
      %dma_wait3A_266 = arith.constant 0 : i32
      %dma_wait3A_267 = arith.constant 0 : i32
      %dma_wait3A_268 = tpu.memref_slice %arg2[%dma_wait3A_266, %dma_wait3A_267] : memref<10240x16xf32, #tpu.memory_space<hbm>> -> memref<10240x16xf32, #tpu.memory_space<hbm>>
      tpu.wait_indirect_dma semaphore(%arg14 : memref<!tpu.dma_semaphore, #tpu.memory_space<semaphore_mem>>) src(%dma_wait3A_268 : memref<10240x16xf32, #tpu.memory_space<hbm>>) dst(%arg8 : memref<125x16xf32, #tpu.memory_space<vmem>>)
      %add3A_269 = arith.constant 3 : i32
      %add3A_270 = arith.addi %add3A_165, %add3A_269 : i32
      %dma_start3A_271 = arith.constant 0 : i32
      %dma_start3A_272 = tpu.memref_slice %arg6[%add3A_270, %dma_start3A_271] : memref<80x125xi32, #tpu.memory_space<vmem>> -> memref<1x125xi32, #tpu.memory_space<vmem>>
      %dma_start3A_273 = tpu.memref_squeeze %dma_start3A_272 : memref<1x125xi32, #tpu.memory_space<vmem>> -> memref<125xi32, #tpu.memory_space<vmem>>
      %dma_start3A_274 = arith.constant 0 : i32
      %dma_start3A_275 = arith.constant 0 : i32
      %dma_start3A_276 = tpu.memref_slice %arg12[%dma_start3A_274, %dma_start3A_275] : memref<10240x16xf32, #tpu.memory_space<vmem_shared>> -> memref<10240x16xf32, #tpu.memory_space<vmem_shared>>
      tpu.enqueue_indirect_dma source(%arg8 : memref<125x16xf32, #tpu.memory_space<vmem>>) target(%dma_start3A_276 : memref<10240x16xf32, #tpu.memory_space<vmem_shared>>) offsets(%dma_start3A_273 : memref<125xi32, #tpu.memory_space<vmem>>) semaphore(%arg18 : memref<!tpu.dma_semaphore, #tpu.memory_space<semaphore_mem>>) {add = true}
      %dma_wait3A_277 = arith.constant 0 : i32
      %dma_wait3A_278 = arith.constant 0 : i32
      %dma_wait3A_279 = tpu.memref_slice %arg6[%dma_wait3A_277, %dma_wait3A_278] : memref<80x125xi32, #tpu.memory_space<vmem>> -> memref<1x125xi32, #tpu.memory_space<vmem>>
      %dma_wait3A_280 = tpu.memref_squeeze %dma_wait3A_279 : memref<1x125xi32, #tpu.memory_space<vmem>> -> memref<125xi32, #tpu.memory_space<vmem>>
      %dma_wait3A_281 = arith.constant 0 : i32
      %dma_wait3A_282 = arith.constant 0 : i32
      %dma_wait3A_283 = tpu.memref_slice %arg12[%dma_wait3A_281, %dma_wait3A_282] : memref<10240x16xf32, #tpu.memory_space<vmem_shared>> -> memref<10240x16xf32, #tpu.memory_space<vmem_shared>>
      tpu.wait_indirect_dma semaphore(%arg20 : memref<!tpu.dma_semaphore, #tpu.memory_space<semaphore_mem>>) src(%arg10 : memref<125x16xf32, #tpu.memory_space<vmem>>) dst(%dma_wait3A_283 : memref<10240x16xf32, #tpu.memory_space<vmem_shared>>)
      %add3A_284 = arith.constant 3 : i32
      %add3A_285 = arith.addi %add3A_165, %add3A_284 : i32
      %add3A_286 = arith.constant 2 : i32
      %add3A_287 = arith.addi %add3A_285, %add3A_286 : i32
      %dma_start3A_288 = arith.constant 0 : i32
      %dma_start3A_289 = tpu.memref_slice %arg5[%add3A_287, %dma_start3A_288] : memref<80x125xi32, #tpu.memory_space<vmem>> -> memref<1x125xi32, #tpu.memory_space<vmem>>
      %dma_start3A_290 = tpu.memref_squeeze %dma_start3A_289 : memref<1x125xi32, #tpu.memory_space<vmem>> -> memref<125xi32, #tpu.memory_space<vmem>>
      %dma_start3A_291 = arith.constant 0 : i32
      %dma_start3A_292 = arith.constant 0 : i32
      %dma_start3A_293 = tpu.memref_slice %arg2[%dma_start3A_291, %dma_start3A_292] : memref<10240x16xf32, #tpu.memory_space<hbm>> -> memref<10240x16xf32, #tpu.memory_space<hbm>>
      tpu.enqueue_indirect_dma source(%dma_start3A_293 : memref<10240x16xf32, #tpu.memory_space<hbm>>) target(%arg10 : memref<125x16xf32, #tpu.memory_space<vmem>>) offsets(%dma_start3A_290 : memref<125xi32, #tpu.memory_space<vmem>>) semaphore(%arg16 : memref<!tpu.dma_semaphore, #tpu.memory_space<semaphore_mem>>)
    }
    %scan3A_103 = arith.constant 19 : i32
    %dma_wait3A_104 = arith.constant 0 : i32
    %dma_wait3A_105 = arith.constant 0 : i32
    %dma_wait3A_106 = tpu.memref_slice %arg5[%dma_wait3A_104, %dma_wait3A_105] : memref<80x125xi32, #tpu.memory_space<vmem>> -> memref<1x125xi32, #tpu.memory_space<vmem>>
    %dma_wait3A_107 = tpu.memref_squeeze %dma_wait3A_106 : memref<1x125xi32, #tpu.memory_space<vmem>> -> memref<125xi32, #tpu.memory_space<vmem>>
    %dma_wait3A_108 = arith.constant 0 : i32
    %dma_wait3A_109 = arith.constant 0 : i32
    %dma_wait3A_110 = tpu.memref_slice %arg2[%dma_wait3A_108, %dma_wait3A_109] : memref<10240x16xf32, #tpu.memory_space<hbm>> -> memref<10240x16xf32, #tpu.memory_space<hbm>>
    tpu.wait_indirect_dma semaphore(%arg15 : memref<!tpu.dma_semaphore, #tpu.memory_space<semaphore_mem>>) src(%dma_wait3A_110 : memref<10240x16xf32, #tpu.memory_space<hbm>>) dst(%arg9 : memref<125x16xf32, #tpu.memory_space<vmem>>)
    %dma_start3A_111 = arith.constant 78 : i32
    %dma_start3A_112 = arith.constant 0 : i32
    %dma_start3A_113 = tpu.memref_slice %arg6[%dma_start3A_111, %dma_start3A_112] : memref<80x125xi32, #tpu.memory_space<vmem>> -> memref<1x125xi32, #tpu.memory_space<vmem>>
    %dma_start3A_114 = tpu.memref_squeeze %dma_start3A_113 : memref<1x125xi32, #tpu.memory_space<vmem>> -> memref<125xi32, #tpu.memory_space<vmem>>
    %dma_start3A_115 = arith.constant 0 : i32
    %dma_start3A_116 = arith.constant 0 : i32
    %dma_start3A_117 = tpu.memref_slice %arg12[%dma_start3A_115, %dma_start3A_116] : memref<10240x16xf32, #tpu.memory_space<vmem_shared>> -> memref<10240x16xf32, #tpu.memory_space<vmem_shared>>
    tpu.enqueue_indirect_dma source(%arg9 : memref<125x16xf32, #tpu.memory_space<vmem>>) target(%dma_start3A_117 : memref<10240x16xf32, #tpu.memory_space<vmem_shared>>) offsets(%dma_start3A_114 : memref<125xi32, #tpu.memory_space<vmem>>) semaphore(%arg19 : memref<!tpu.dma_semaphore, #tpu.memory_space<semaphore_mem>>) {add = true}
    %dma_wait3A_118 = arith.constant 0 : i32
    %dma_wait3A_119 = arith.constant 0 : i32
    %dma_wait3A_120 = tpu.memref_slice %arg5[%dma_wait3A_118, %dma_wait3A_119] : memref<80x125xi32, #tpu.memory_space<vmem>> -> memref<1x125xi32, #tpu.memory_space<vmem>>
    %dma_wait3A_121 = tpu.memref_squeeze %dma_wait3A_120 : memref<1x125xi32, #tpu.memory_space<vmem>> -> memref<125xi32, #tpu.memory_space<vmem>>
    %dma_wait3A_122 = arith.constant 0 : i32
    %dma_wait3A_123 = arith.constant 0 : i32
    %dma_wait3A_124 = tpu.memref_slice %arg2[%dma_wait3A_122, %dma_wait3A_123] : memref<10240x16xf32, #tpu.memory_space<hbm>> -> memref<10240x16xf32, #tpu.memory_space<hbm>>
    tpu.wait_indirect_dma semaphore(%arg16 : memref<!tpu.dma_semaphore, #tpu.memory_space<semaphore_mem>>) src(%dma_wait3A_124 : memref<10240x16xf32, #tpu.memory_space<hbm>>) dst(%arg10 : memref<125x16xf32, #tpu.memory_space<vmem>>)
    %dma_start3A_125 = arith.constant 79 : i32
    %dma_start3A_126 = arith.constant 0 : i32
    %dma_start3A_127 = tpu.memref_slice %arg6[%dma_start3A_125, %dma_start3A_126] : memref<80x125xi32, #tpu.memory_space<vmem>> -> memref<1x125xi32, #tpu.memory_space<vmem>>
    %dma_start3A_128 = tpu.memref_squeeze %dma_start3A_127 : memref<1x125xi32, #tpu.memory_space<vmem>> -> memref<125xi32, #tpu.memory_space<vmem>>
    %dma_start3A_129 = arith.constant 0 : i32
    %dma_start3A_130 = arith.constant 0 : i32
    %dma_start3A_131 = tpu.memref_slice %arg12[%dma_start3A_129, %dma_start3A_130] : memref<10240x16xf32, #tpu.memory_space<vmem_shared>> -> memref<10240x16xf32, #tpu.memory_space<vmem_shared>>
    tpu.enqueue_indirect_dma source(%arg10 : memref<125x16xf32, #tpu.memory_space<vmem>>) target(%dma_start3A_131 : memref<10240x16xf32, #tpu.memory_space<vmem_shared>>) offsets(%dma_start3A_128 : memref<125xi32, #tpu.memory_space<vmem>>) semaphore(%arg20 : memref<!tpu.dma_semaphore, #tpu.memory_space<semaphore_mem>>) {add = true}
    %dma_wait3A_132 = arith.constant 0 : i32
    %dma_wait3A_133 = arith.constant 0 : i32
    %dma_wait3A_134 = tpu.memref_slice %arg6[%dma_wait3A_132, %dma_wait3A_133] : memref<80x125xi32, #tpu.memory_space<vmem>> -> memref<1x125xi32, #tpu.memory_space<vmem>>
    %dma_wait3A_135 = tpu.memref_squeeze %dma_wait3A_134 : memref<1x125xi32, #tpu.memory_space<vmem>> -> memref<125xi32, #tpu.memory_space<vmem>>
    %dma_wait3A_136 = arith.constant 0 : i32
    %dma_wait3A_137 = arith.constant 0 : i32
    %dma_wait3A_138 = tpu.memref_slice %arg12[%dma_wait3A_136, %dma_wait3A_137] : memref<10240x16xf32, #tpu.memory_space<vmem_shared>> -> memref<10240x16xf32, #tpu.memory_space<vmem_shared>>
    tpu.wait_indirect_dma semaphore(%arg17 : memref<!tpu.dma_semaphore, #tpu.memory_space<semaphore_mem>>) src(%arg7 : memref<125x16xf32, #tpu.memory_space<vmem>>) dst(%dma_wait3A_138 : memref<10240x16xf32, #tpu.memory_space<vmem_shared>>)
    %dma_wait3A_139 = arith.constant 0 : i32
    %dma_wait3A_140 = arith.constant 0 : i32
    %dma_wait3A_141 = tpu.memref_slice %arg6[%dma_wait3A_139, %dma_wait3A_140] : memref<80x125xi32, #tpu.memory_space<vmem>> -> memref<1x125xi32, #tpu.memory_space<vmem>>
    %dma_wait3A_142 = tpu.memref_squeeze %dma_wait3A_141 : memref<1x125xi32, #tpu.memory_space<vmem>> -> memref<125xi32, #tpu.memory_space<vmem>>
    %dma_wait3A_143 = arith.constant 0 : i32
    %dma_wait3A_144 = arith.constant 0 : i32
    %dma_wait3A_145 = tpu.memref_slice %arg12[%dma_wait3A_143, %dma_wait3A_144] : memref<10240x16xf32, #tpu.memory_space<vmem_shared>> -> memref<10240x16xf32, #tpu.memory_space<vmem_shared>>
    tpu.wait_indirect_dma semaphore(%arg18 : memref<!tpu.dma_semaphore, #tpu.memory_space<semaphore_mem>>) src(%arg8 : memref<125x16xf32, #tpu.memory_space<vmem>>) dst(%dma_wait3A_145 : memref<10240x16xf32, #tpu.memory_space<vmem_shared>>)
    %dma_wait3A_146 = arith.constant 0 : i32
    %dma_wait3A_147 = arith.constant 0 : i32
    %dma_wait3A_148 = tpu.memref_slice %arg6[%dma_wait3A_146, %dma_wait3A_147] : memref<80x125xi32, #tpu.memory_space<vmem>> -> memref<1x125xi32, #tpu.memory_space<vmem>>
    %dma_wait3A_149 = tpu.memref_squeeze %dma_wait3A_148 : memref<1x125xi32, #tpu.memory_space<vmem>> -> memref<125xi32, #tpu.memory_space<vmem>>
    %dma_wait3A_150 = arith.constant 0 : i32
    %dma_wait3A_151 = arith.constant 0 : i32
    %dma_wait3A_152 = tpu.memref_slice %arg12[%dma_wait3A_150, %dma_wait3A_151] : memref<10240x16xf32, #tpu.memory_space<vmem_shared>> -> memref<10240x16xf32, #tpu.memory_space<vmem_shared>>
    tpu.wait_indirect_dma semaphore(%arg19 : memref<!tpu.dma_semaphore, #tpu.memory_space<semaphore_mem>>) src(%arg9 : memref<125x16xf32, #tpu.memory_space<vmem>>) dst(%dma_wait3A_152 : memref<10240x16xf32, #tpu.memory_space<vmem_shared>>)
    %dma_wait3A_153 = arith.constant 0 : i32
    %dma_wait3A_154 = arith.constant 0 : i32
    %dma_wait3A_155 = tpu.memref_slice %arg6[%dma_wait3A_153, %dma_wait3A_154] : memref<80x125xi32, #tpu.memory_space<vmem>> -> memref<1x125xi32, #tpu.memory_space<vmem>>
    %dma_wait3A_156 = tpu.memref_squeeze %dma_wait3A_155 : memref<1x125xi32, #tpu.memory_space<vmem>> -> memref<125xi32, #tpu.memory_space<vmem>>
    %dma_wait3A_157 = arith.constant 0 : i32
    %dma_wait3A_158 = arith.constant 0 : i32
    %dma_wait3A_159 = tpu.memref_slice %arg12[%dma_wait3A_157, %dma_wait3A_158] : memref<10240x16xf32, #tpu.memory_space<vmem_shared>> -> memref<10240x16xf32, #tpu.memory_space<vmem_shared>>
    tpu.wait_indirect_dma semaphore(%arg20 : memref<!tpu.dma_semaphore, #tpu.memory_space<semaphore_mem>>) src(%arg10 : memref<125x16xf32, #tpu.memory_space<vmem>>) dst(%dma_wait3A_159 : memref<10240x16xf32, #tpu.memory_space<vmem_shared>>)
    %barrier3A_160 = arith.constant 0 : index
    tpu.barrier barrier_id(%barrier3A_160)
    "tpu.region"() ({
      %run_scoped3A = tpu.sem_alloc : memref<!tpu.dma_semaphore, #tpu.memory_space<semaphore_mem>>
      %dma_start3A_161 = arith.constant 0 : i32
      %dma_start3A_162 = tpu.memref_slice %arg4[%arg0, %mul3A_2, %dma_start3A_161] : memref<2x10240x16xf32, #tpu.memory_space<hbm>> -> memref<1x640x16xf32, #tpu.memory_space<hbm>>
      %dma_start3A_163 = tpu.memref_squeeze %dma_start3A_162 : memref<1x640x16xf32, #tpu.memory_space<hbm>> -> memref<640x16xf32, #tpu.memory_space<hbm>>
      %dma_start3A_164 = arith.constant 0 : i32
      %dma_start3A_165 = tpu.memref_slice %arg12[%mul3A_2, %dma_start3A_164] : memref<10240x16xf32, #tpu.memory_space<vmem_shared>> -> memref<640x16xf32, #tpu.memory_space<vmem_shared>>
      tpu.enqueue_dma source(%dma_start3A_165 : memref<640x16xf32, #tpu.memory_space<vmem_shared>>) target(%dma_start3A_163 : memref<640x16xf32, #tpu.memory_space<hbm>>) target_semaphore(%run_scoped3A : memref<!tpu.dma_semaphore, #tpu.memory_space<semaphore_mem>>)
      %dma_wait3A_166 = arith.constant 0 : i32
      %dma_wait3A_167 = tpu.memref_slice %arg4[%arg0, %mul3A_2, %dma_wait3A_166] : memref<2x10240x16xf32, #tpu.memory_space<hbm>> -> memref<1x640x16xf32, #tpu.memory_space<hbm>>
      %dma_wait3A_168 = tpu.memref_squeeze %dma_wait3A_167 : memref<1x640x16xf32, #tpu.memory_space<hbm>> -> memref<640x16xf32, #tpu.memory_space<hbm>>
      %dma_wait3A_169 = arith.constant 0 : i32
      %dma_wait3A_170 = tpu.memref_slice %arg12[%mul3A_2, %dma_wait3A_169] : memref<10240x16xf32, #tpu.memory_space<vmem_shared>> -> memref<640x16xf32, #tpu.memory_space<vmem_shared>>
      tpu.wait_dma2 semaphore(%run_scoped3A : memref<!tpu.dma_semaphore, #tpu.memory_space<semaphore_mem>>) src(%dma_wait3A_170 : memref<640x16xf32, #tpu.memory_space<vmem_shared>>) dst(%dma_wait3A_168 : memref<640x16xf32, #tpu.memory_space<hbm>>)
      tpu.yield
    }) : () -> ()
    return
  }
}

module attributes {stable_mosaic.version = 14 : i64} {
  func.func @_tc1a_body(%arg0: memref<1250x8x128xf32, #tpu.memory_space<vmem>>, %arg1: memref<128x16xf32, #tpu.memory_space<vmem>>, %arg2: memref<1280x128xf32, #tpu.memory_space<vmem>>) attributes {dimension_semantics = [], scalar_prefetch = 0 : i64, scratch_operands = 0 : i64, tpu.core_type = #tpu.core_type<tc>} {
    %get3A = arith.constant 0 : index
    %get3A_0 = arith.constant 0 : index
    %get3A_1 = arith.constant 0 : index
    %get3A_2 = vector.load %arg0[%get3A, %get3A_0, %get3A_1] : memref<1250x8x128xf32, #tpu.memory_space<vmem>>, vector<1250x1x128xf32>
    %get3A_3 = vector.shape_cast %get3A_2 : vector<1250x1x128xf32> to vector<1250x128xf32>
    %get3A_4 = arith.constant 0 : index
    %get3A_5 = arith.constant 0 : index
    %get3A_6 = vector.load %arg1[%get3A_4, %get3A_5] : memref<128x16xf32, #tpu.memory_space<vmem>>, vector<128x16xf32>
    %dot_general3A = arith.constant dense<0.000000e+00> : vector<1250x16xf32>
    %dot_general3A_7 = tpu.matmul %get3A_3, %get3A_6, %dot_general3A {dimension_numbers = #tpu.dot_dimension_numbers<[1], [0], [0], [1], [0, 0, 1, 1], [], []>, transpose_lhs_hint = false} : vector<1250x128xf32>, vector<128x16xf32>, vector<1250x16xf32> -> vector<1250x16xf32>
    %swap3A = arith.constant 0 : index
    %swap3A_8 = arith.constant 0 : index
    %swap3A_9 = vector.load %arg2[%swap3A, %swap3A_8] : memref<1280x128xf32, #tpu.memory_space<vmem>>, vector<1250x16xf32>
    tpu.vector_store %arg2[%swap3A, %swap3A_8], %dot_general3A_7 {strides = array<i32>} : memref<1280x128xf32, #tpu.memory_space<vmem>>, vector<1250x16xf32>,
    %get3A_10 = arith.constant 0 : index
    %get3A_11 = arith.constant 1 : index
    %get3A_12 = arith.constant 0 : index
    %get3A_13 = vector.load %arg0[%get3A_10, %get3A_11, %get3A_12] : memref<1250x8x128xf32, #tpu.memory_space<vmem>>, vector<1250x1x128xf32>
    %get3A_14 = vector.shape_cast %get3A_13 : vector<1250x1x128xf32> to vector<1250x128xf32>
    %get3A_15 = arith.constant 0 : index
    %get3A_16 = arith.constant 0 : index
    %get3A_17 = vector.load %arg1[%get3A_15, %get3A_16] : memref<128x16xf32, #tpu.memory_space<vmem>>, vector<128x16xf32>
    %dot_general3A_18 = arith.constant dense<0.000000e+00> : vector<1250x16xf32>
    %dot_general3A_19 = tpu.matmul %get3A_14, %get3A_17, %dot_general3A_18 {dimension_numbers = #tpu.dot_dimension_numbers<[1], [0], [0], [1], [0, 0, 1, 1], [], []>, transpose_lhs_hint = false} : vector<1250x128xf32>, vector<128x16xf32>, vector<1250x16xf32> -> vector<1250x16xf32>
    %swap3A_20 = arith.constant 0 : index
    %swap3A_21 = arith.constant 16 : index
    %swap3A_22 = vector.load %arg2[%swap3A_20, %swap3A_21] : memref<1280x128xf32, #tpu.memory_space<vmem>>, vector<1250x16xf32>
    tpu.vector_store %arg2[%swap3A_20, %swap3A_21], %dot_general3A_19 {strides = array<i32>} : memref<1280x128xf32, #tpu.memory_space<vmem>>, vector<1250x16xf32>,
    %get3A_23 = arith.constant 0 : index
    %get3A_24 = arith.constant 2 : index
    %get3A_25 = arith.constant 0 : index
    %get3A_26 = vector.load %arg0[%get3A_23, %get3A_24, %get3A_25] : memref<1250x8x128xf32, #tpu.memory_space<vmem>>, vector<1250x1x128xf32>
    %get3A_27 = vector.shape_cast %get3A_26 : vector<1250x1x128xf32> to vector<1250x128xf32>
    %get3A_28 = arith.constant 0 : index
    %get3A_29 = arith.constant 0 : index
    %get3A_30 = vector.load %arg1[%get3A_28, %get3A_29] : memref<128x16xf32, #tpu.memory_space<vmem>>, vector<128x16xf32>
    %dot_general3A_31 = arith.constant dense<0.000000e+00> : vector<1250x16xf32>
    %dot_general3A_32 = tpu.matmul %get3A_27, %get3A_30, %dot_general3A_31 {dimension_numbers = #tpu.dot_dimension_numbers<[1], [0], [0], [1], [0, 0, 1, 1], [], []>, transpose_lhs_hint = false} : vector<1250x128xf32>, vector<128x16xf32>, vector<1250x16xf32> -> vector<1250x16xf32>
    %swap3A_33 = arith.constant 0 : index
    %swap3A_34 = arith.constant 32 : index
    %swap3A_35 = vector.load %arg2[%swap3A_33, %swap3A_34] : memref<1280x128xf32, #tpu.memory_space<vmem>>, vector<1250x16xf32>
    tpu.vector_store %arg2[%swap3A_33, %swap3A_34], %dot_general3A_32 {strides = array<i32>} : memref<1280x128xf32, #tpu.memory_space<vmem>>, vector<1250x16xf32>,
    %get3A_36 = arith.constant 0 : index
    %get3A_37 = arith.constant 3 : index
    %get3A_38 = arith.constant 0 : index
    %get3A_39 = vector.load %arg0[%get3A_36, %get3A_37, %get3A_38] : memref<1250x8x128xf32, #tpu.memory_space<vmem>>, vector<1250x1x128xf32>
    %get3A_40 = vector.shape_cast %get3A_39 : vector<1250x1x128xf32> to vector<1250x128xf32>
    %get3A_41 = arith.constant 0 : index
    %get3A_42 = arith.constant 0 : index
    %get3A_43 = vector.load %arg1[%get3A_41, %get3A_42] : memref<128x16xf32, #tpu.memory_space<vmem>>, vector<128x16xf32>
    %dot_general3A_44 = arith.constant dense<0.000000e+00> : vector<1250x16xf32>
    %dot_general3A_45 = tpu.matmul %get3A_40, %get3A_43, %dot_general3A_44 {dimension_numbers = #tpu.dot_dimension_numbers<[1], [0], [0], [1], [0, 0, 1, 1], [], []>, transpose_lhs_hint = false} : vector<1250x128xf32>, vector<128x16xf32>, vector<1250x16xf32> -> vector<1250x16xf32>
    %swap3A_46 = arith.constant 0 : index
    %swap3A_47 = arith.constant 48 : index
    %swap3A_48 = vector.load %arg2[%swap3A_46, %swap3A_47] : memref<1280x128xf32, #tpu.memory_space<vmem>>, vector<1250x16xf32>
    tpu.vector_store %arg2[%swap3A_46, %swap3A_47], %dot_general3A_45 {strides = array<i32>} : memref<1280x128xf32, #tpu.memory_space<vmem>>, vector<1250x16xf32>,
    %get3A_49 = arith.constant 0 : index
    %get3A_50 = arith.constant 4 : index
    %get3A_51 = arith.constant 0 : index
    %get3A_52 = vector.load %arg0[%get3A_49, %get3A_50, %get3A_51] : memref<1250x8x128xf32, #tpu.memory_space<vmem>>, vector<1250x1x128xf32>
    %get3A_53 = vector.shape_cast %get3A_52 : vector<1250x1x128xf32> to vector<1250x128xf32>
    %get3A_54 = arith.constant 0 : index
    %get3A_55 = arith.constant 0 : index
    %get3A_56 = vector.load %arg1[%get3A_54, %get3A_55] : memref<128x16xf32, #tpu.memory_space<vmem>>, vector<128x16xf32>
    %dot_general3A_57 = arith.constant dense<0.000000e+00> : vector<1250x16xf32>
    %dot_general3A_58 = tpu.matmul %get3A_53, %get3A_56, %dot_general3A_57 {dimension_numbers = #tpu.dot_dimension_numbers<[1], [0], [0], [1], [0, 0, 1, 1], [], []>, transpose_lhs_hint = false} : vector<1250x128xf32>, vector<128x16xf32>, vector<1250x16xf32> -> vector<1250x16xf32>
    %swap3A_59 = arith.constant 0 : index
    %swap3A_60 = arith.constant 64 : index
    %swap3A_61 = vector.load %arg2[%swap3A_59, %swap3A_60] : memref<1280x128xf32, #tpu.memory_space<vmem>>, vector<1250x16xf32>
    tpu.vector_store %arg2[%swap3A_59, %swap3A_60], %dot_general3A_58 {strides = array<i32>} : memref<1280x128xf32, #tpu.memory_space<vmem>>, vector<1250x16xf32>,
    %get3A_62 = arith.constant 0 : index
    %get3A_63 = arith.constant 5 : index
    %get3A_64 = arith.constant 0 : index
    %get3A_65 = vector.load %arg0[%get3A_62, %get3A_63, %get3A_64] : memref<1250x8x128xf32, #tpu.memory_space<vmem>>, vector<1250x1x128xf32>
    %get3A_66 = vector.shape_cast %get3A_65 : vector<1250x1x128xf32> to vector<1250x128xf32>
    %get3A_67 = arith.constant 0 : index
    %get3A_68 = arith.constant 0 : index
    %get3A_69 = vector.load %arg1[%get3A_67, %get3A_68] : memref<128x16xf32, #tpu.memory_space<vmem>>, vector<128x16xf32>
    %dot_general3A_70 = arith.constant dense<0.000000e+00> : vector<1250x16xf32>
    %dot_general3A_71 = tpu.matmul %get3A_66, %get3A_69, %dot_general3A_70 {dimension_numbers = #tpu.dot_dimension_numbers<[1], [0], [0], [1], [0, 0, 1, 1], [], []>, transpose_lhs_hint = false} : vector<1250x128xf32>, vector<128x16xf32>, vector<1250x16xf32> -> vector<1250x16xf32>
    %swap3A_72 = arith.constant 0 : index
    %swap3A_73 = arith.constant 80 : index
    %swap3A_74 = vector.load %arg2[%swap3A_72, %swap3A_73] : memref<1280x128xf32, #tpu.memory_space<vmem>>, vector<1250x16xf32>
    tpu.vector_store %arg2[%swap3A_72, %swap3A_73], %dot_general3A_71 {strides = array<i32>} : memref<1280x128xf32, #tpu.memory_space<vmem>>, vector<1250x16xf32>,
    %get3A_75 = arith.constant 0 : index
    %get3A_76 = arith.constant 6 : index
    %get3A_77 = arith.constant 0 : index
    %get3A_78 = vector.load %arg0[%get3A_75, %get3A_76, %get3A_77] : memref<1250x8x128xf32, #tpu.memory_space<vmem>>, vector<1250x1x128xf32>
    %get3A_79 = vector.shape_cast %get3A_78 : vector<1250x1x128xf32> to vector<1250x128xf32>
    %get3A_80 = arith.constant 0 : index
    %get3A_81 = arith.constant 0 : index
    %get3A_82 = vector.load %arg1[%get3A_80, %get3A_81] : memref<128x16xf32, #tpu.memory_space<vmem>>, vector<128x16xf32>
    %dot_general3A_83 = arith.constant dense<0.000000e+00> : vector<1250x16xf32>
    %dot_general3A_84 = tpu.matmul %get3A_79, %get3A_82, %dot_general3A_83 {dimension_numbers = #tpu.dot_dimension_numbers<[1], [0], [0], [1], [0, 0, 1, 1], [], []>, transpose_lhs_hint = false} : vector<1250x128xf32>, vector<128x16xf32>, vector<1250x16xf32> -> vector<1250x16xf32>
    %swap3A_85 = arith.constant 0 : index
    %swap3A_86 = arith.constant 96 : index
    %swap3A_87 = vector.load %arg2[%swap3A_85, %swap3A_86] : memref<1280x128xf32, #tpu.memory_space<vmem>>, vector<1250x16xf32>
    tpu.vector_store %arg2[%swap3A_85, %swap3A_86], %dot_general3A_84 {strides = array<i32>} : memref<1280x128xf32, #tpu.memory_space<vmem>>, vector<1250x16xf32>,
    %get3A_88 = arith.constant 0 : index
    %get3A_89 = arith.constant 7 : index
    %get3A_90 = arith.constant 0 : index
    %get3A_91 = vector.load %arg0[%get3A_88, %get3A_89, %get3A_90] : memref<1250x8x128xf32, #tpu.memory_space<vmem>>, vector<1250x1x128xf32>
    %get3A_92 = vector.shape_cast %get3A_91 : vector<1250x1x128xf32> to vector<1250x128xf32>
    %get3A_93 = arith.constant 0 : index
    %get3A_94 = arith.constant 0 : index
    %get3A_95 = vector.load %arg1[%get3A_93, %get3A_94] : memref<128x16xf32, #tpu.memory_space<vmem>>, vector<128x16xf32>
    %dot_general3A_96 = arith.constant dense<0.000000e+00> : vector<1250x16xf32>
    %dot_general3A_97 = tpu.matmul %get3A_92, %get3A_95, %dot_general3A_96 {dimension_numbers = #tpu.dot_dimension_numbers<[1], [0], [0], [1], [0, 0, 1, 1], [], []>, transpose_lhs_hint = false} : vector<1250x128xf32>, vector<128x16xf32>, vector<1250x16xf32> -> vector<1250x16xf32>
    %swap3A_98 = arith.constant 0 : index
    %swap3A_99 = arith.constant 112 : index
    %swap3A_100 = vector.load %arg2[%swap3A_98, %swap3A_99] : memref<1280x128xf32, #tpu.memory_space<vmem>>, vector<1250x16xf32>
    tpu.vector_store %arg2[%swap3A_98, %swap3A_99], %dot_general3A_97 {strides = array<i32>} : memref<1280x128xf32, #tpu.memory_space<vmem>>, vector<1250x16xf32>,
    %broadcast_in_dim3A = arith.constant 0.000000e+00 : f32
    %broadcast_in_dim3A_101 = vector.broadcast %broadcast_in_dim3A : f32 to vector<30x128xf32>
    %swap3A_102 = arith.constant 1250 : index
    %swap3A_103 = arith.constant 0 : index
    %swap3A_104 = vector.load %arg2[%swap3A_102, %swap3A_103] : memref<1280x128xf32, #tpu.memory_space<vmem>>, vector<30x128xf32>
    tpu.vector_store %arg2[%swap3A_102, %swap3A_103], %broadcast_in_dim3A_101 {strides = array<i32>} : memref<1280x128xf32, #tpu.memory_space<vmem>>, vector<30x128xf32>,
    return
  }
}

module attributes {stable_mosaic.version = 14 : i64} {
  func.func @_tc1b_body(%arg0: memref<1280x128xf32, #tpu.memory_space<vmem>>, %arg1: memref<2x1280x128xf32, #tpu.memory_space<vmem>>, %arg2: memref<1280x128xf32, #tpu.memory_space<vmem>>, %arg3: memref<1280x128xf32, #tpu.memory_space<vmem>>) attributes {dimension_semantics = [], scalar_prefetch = 0 : i64, scratch_operands = 0 : i64, tpu.core_type = #tpu.core_type<tc>} {
    %get3A = arith.constant 0 : index
    %get3A_0 = arith.constant 0 : index
    %get3A_1 = arith.constant 0 : index
    %get3A_2 = vector.load %arg1[%get3A, %get3A_0, %get3A_1] : memref<2x1280x128xf32, #tpu.memory_space<vmem>>, vector<1x1280x128xf32>
    %get3A_3 = vector.shape_cast %get3A_2 : vector<1x1280x128xf32> to vector<1280x128xf32>
    %get3A_4 = arith.constant 1 : index
    %get3A_5 = arith.constant 0 : index
    %get3A_6 = arith.constant 0 : index
    %get3A_7 = vector.load %arg1[%get3A_4, %get3A_5, %get3A_6] : memref<2x1280x128xf32, #tpu.memory_space<vmem>>, vector<1x1280x128xf32>
    %get3A_8 = vector.shape_cast %get3A_7 : vector<1x1280x128xf32> to vector<1280x128xf32>
    %add3A = arith.addf %get3A_3, %get3A_8 : vector<1280x128xf32>
    %add3A_9 = arith.constant 1.000000e+00 : f32
    %add3A_10 = vector.broadcast %add3A_9 : f32 to vector<1280x128xf32>
    %add3A_11 = arith.addf %add3A, %add3A_10 : vector<1280x128xf32>
    %rsqrt3A = math.rsqrt %add3A_11 : vector<1280x128xf32>
    %swap3A = arith.constant 0 : index
    %swap3A_12 = arith.constant 0 : index
    %swap3A_13 = vector.load %arg3[%swap3A, %swap3A_12] : memref<1280x128xf32, #tpu.memory_space<vmem>>, vector<1280x128xf32>
    tpu.vector_store %arg3[%swap3A, %swap3A_12], %rsqrt3A {strides = array<i32>} : memref<1280x128xf32, #tpu.memory_space<vmem>>, vector<1280x128xf32>,
    %get3A_14 = arith.constant 0 : index
    %get3A_15 = arith.constant 0 : index
    %get3A_16 = vector.load %arg0[%get3A_14, %get3A_15] : memref<1280x128xf32, #tpu.memory_space<vmem>>, vector<1280x128xf32>
    %mul3A = arith.mulf %get3A_16, %rsqrt3A : vector<1280x128xf32>
    %swap3A_17 = arith.constant 0 : index
    %swap3A_18 = arith.constant 0 : index
    %swap3A_19 = vector.load %arg2[%swap3A_17, %swap3A_18] : memref<1280x128xf32, #tpu.memory_space<vmem>>, vector<1280x128xf32>
    tpu.vector_store %arg2[%swap3A_17, %swap3A_18], %mul3A {strides = array<i32>} : memref<1280x128xf32, #tpu.memory_space<vmem>>, vector<1280x128xf32>,
    return
  }
}

module attributes {stable_mosaic.version = 14 : i64} {
  func.func @_tc2_body(%arg0: memref<2x1280x128xf32, #tpu.memory_space<vmem>>, %arg1: memref<1280x128xf32, #tpu.memory_space<vmem>>, %arg2: memref<1280x128xf32, #tpu.memory_space<vmem>>, %arg3: memref<1x128xf32, #tpu.memory_space<vmem>>, %arg4: memref<128x128xf32, #tpu.memory_space<vmem>>, %arg5: memref<1280x128xf32, #tpu.memory_space<vmem>>) attributes {dimension_semantics = [], scalar_prefetch = 0 : i64, scratch_operands = 0 : i64, tpu.core_type = #tpu.core_type<tc>} {
    %get3A = arith.constant 0 : index
    %get3A_0 = arith.constant 0 : index
    %get3A_1 = arith.constant 0 : index
    %get3A_2 = vector.load %arg0[%get3A, %get3A_0, %get3A_1] : memref<2x1280x128xf32, #tpu.memory_space<vmem>>, vector<1x1280x128xf32>
    %get3A_3 = vector.shape_cast %get3A_2 : vector<1x1280x128xf32> to vector<1280x128xf32>
    %get3A_4 = arith.constant 1 : index
    %get3A_5 = arith.constant 0 : index
    %get3A_6 = arith.constant 0 : index
    %get3A_7 = vector.load %arg0[%get3A_4, %get3A_5, %get3A_6] : memref<2x1280x128xf32, #tpu.memory_space<vmem>>, vector<1x1280x128xf32>
    %get3A_8 = vector.shape_cast %get3A_7 : vector<1x1280x128xf32> to vector<1280x128xf32>
    %add3A = arith.addf %get3A_3, %get3A_8 : vector<1280x128xf32>
    %get3A_9 = arith.constant 0 : index
    %get3A_10 = arith.constant 0 : index
    %get3A_11 = vector.load %arg1[%get3A_9, %get3A_10] : memref<1280x128xf32, #tpu.memory_space<vmem>>, vector<1280x128xf32>
    %add3A_12 = arith.addf %add3A, %get3A_11 : vector<1280x128xf32>
    %get3A_13 = arith.constant 0 : index
    %get3A_14 = arith.constant 0 : index
    %get3A_15 = vector.load %arg2[%get3A_13, %get3A_14] : memref<1280x128xf32, #tpu.memory_space<vmem>>, vector<1280x128xf32>
    %mul3A = arith.mulf %add3A_12, %get3A_15 : vector<1280x128xf32>
    %get3A_16 = arith.constant 0 : index
    %get3A_17 = arith.constant 0 : index
    %get3A_18 = vector.load %arg3[%get3A_16, %get3A_17] : memref<1x128xf32, #tpu.memory_space<vmem>>, vector<1x128xf32>
    %add3A_19 = vector.broadcast %get3A_18 : vector<1x128xf32> to vector<1280x128xf32>
    %add3A_20 = arith.addf %mul3A, %add3A_19 : vector<1280x128xf32>
    %max3A = arith.constant 0.000000e+00 : f32
    %max3A_21 = vector.broadcast %max3A : f32 to vector<1280x128xf32>
    %max3A_22 = arith.maximumf %add3A_20, %max3A_21 : vector<1280x128xf32>
    %get3A_23 = arith.constant 0 : index
    %get3A_24 = arith.constant 0 : index
    %get3A_25 = vector.load %arg4[%get3A_23, %get3A_24] : memref<128x128xf32, #tpu.memory_space<vmem>>, vector<128x128xf32>
    %dot_general3A = arith.constant dense<0.000000e+00> : vector<1280x128xf32>
    %dot_general3A_26 = tpu.matmul %max3A_22, %get3A_25, %dot_general3A {dimension_numbers = #tpu.dot_dimension_numbers<[1], [0], [0], [1], [0, 0, 1, 1], [], []>, transpose_lhs_hint = false} : vector<1280x128xf32>, vector<128x128xf32>, vector<1280x128xf32> -> vector<1280x128xf32>
    %get3A_27 = arith.constant 0 : index
    %get3A_28 = arith.constant 0 : index
    %get3A_29 = vector.load %arg2[%get3A_27, %get3A_28] : memref<1280x128xf32, #tpu.memory_space<vmem>>, vector<1280x128xf32>
    %mul3A_30 = arith.mulf %dot_general3A_26, %get3A_29 : vector<1280x128xf32>
    %slice3A = vector.extract_strided_slice %mul3A_30 {offsets = [0, 0], sizes = [1250, 128], strides = [1, 1]} : vector<1280x128xf32> to vector<1250x128xf32>
    %swap3A = arith.constant 0 : index
    %swap3A_31 = arith.constant 0 : index
    %swap3A_32 = vector.load %arg5[%swap3A, %swap3A_31] : memref<1280x128xf32, #tpu.memory_space<vmem>>, vector<1250x128xf32>
    tpu.vector_store %arg5[%swap3A, %swap3A_31], %slice3A {strides = array<i32>} : memref<1280x128xf32, #tpu.memory_space<vmem>>, vector<1250x128xf32>,
    %broadcast_in_dim3A = arith.constant 0.000000e+00 : f32
    %broadcast_in_dim3A_33 = vector.broadcast %broadcast_in_dim3A : f32 to vector<30x128xf32>
    %swap3A_34 = arith.constant 1250 : index
    %swap3A_35 = arith.constant 0 : index
    %swap3A_36 = vector.load %arg5[%swap3A_34, %swap3A_35] : memref<1280x128xf32, #tpu.memory_space<vmem>>, vector<30x128xf32>
    tpu.vector_store %arg5[%swap3A_34, %swap3A_35], %broadcast_in_dim3A_33 {strides = array<i32>} : memref<1280x128xf32, #tpu.memory_space<vmem>>, vector<30x128xf32>,
    return
  }
}

module attributes {stable_mosaic.version = 14 : i64} {
  func.func @_tc3_body(%arg0: memref<2x1280x128xf32, #tpu.memory_space<vmem>>, %arg1: memref<1280x128xf32, #tpu.memory_space<vmem>>, %arg2: memref<1280x128xf32, #tpu.memory_space<vmem>>, %arg3: memref<1x128xf32, #tpu.memory_space<vmem>>, %arg4: memref<1250x128xf32, #tpu.memory_space<vmem>>) attributes {dimension_semantics = [], scalar_prefetch = 0 : i64, scratch_operands = 0 : i64, tpu.core_type = #tpu.core_type<tc>} {
    %get3A = arith.constant 0 : index
    %get3A_0 = arith.constant 0 : index
    %get3A_1 = arith.constant 0 : index
    %get3A_2 = vector.load %arg0[%get3A, %get3A_0, %get3A_1] : memref<2x1280x128xf32, #tpu.memory_space<vmem>>, vector<1x1250x128xf32>
    %get3A_3 = vector.shape_cast %get3A_2 : vector<1x1250x128xf32> to vector<1250x128xf32>
    %get3A_4 = arith.constant 1 : index
    %get3A_5 = arith.constant 0 : index
    %get3A_6 = arith.constant 0 : index
    %get3A_7 = vector.load %arg0[%get3A_4, %get3A_5, %get3A_6] : memref<2x1280x128xf32, #tpu.memory_space<vmem>>, vector<1x1250x128xf32>
    %get3A_8 = vector.shape_cast %get3A_7 : vector<1x1250x128xf32> to vector<1250x128xf32>
    %add3A = arith.addf %get3A_3, %get3A_8 : vector<1250x128xf32>
    %get3A_9 = arith.constant 0 : index
    %get3A_10 = arith.constant 0 : index
    %get3A_11 = vector.load %arg1[%get3A_9, %get3A_10] : memref<1280x128xf32, #tpu.memory_space<vmem>>, vector<1250x128xf32>
    %add3A_12 = arith.addf %add3A, %get3A_11 : vector<1250x128xf32>
    %get3A_13 = arith.constant 0 : index
    %get3A_14 = arith.constant 0 : index
    %get3A_15 = vector.load %arg2[%get3A_13, %get3A_14] : memref<1280x128xf32, #tpu.memory_space<vmem>>, vector<1250x128xf32>
    %mul3A = arith.mulf %add3A_12, %get3A_15 : vector<1250x128xf32>
    %get3A_16 = arith.constant 0 : index
    %get3A_17 = arith.constant 0 : index
    %get3A_18 = vector.load %arg3[%get3A_16, %get3A_17] : memref<1x128xf32, #tpu.memory_space<vmem>>, vector<1x128xf32>
    %add3A_19 = vector.broadcast %get3A_18 : vector<1x128xf32> to vector<1250x128xf32>
    %add3A_20 = arith.addf %mul3A, %add3A_19 : vector<1250x128xf32>
    %swap3A = arith.constant 0 : index
    %swap3A_21 = arith.constant 0 : index
    %swap3A_22 = vector.load %arg4[%swap3A, %swap3A_21] : memref<1250x128xf32, #tpu.memory_space<vmem>>, vector<1250x128xf32>
    tpu.vector_store %arg4[%swap3A, %swap3A_21], %add3A_20 {strides = array<i32>} : memref<1250x128xf32, #tpu.memory_space<vmem>>, vector<1250x128xf32>,
    return
  }
}

</mosaic_0001>

<sc_bundles>
// kernel: kernel.12.cloned.1.call-start
scs
__scs_entry_jumppad:
0x0: {  	(pc) =	sbr.rel $0x88, $3  }
0x1: {  	(tag) =	ssettag $0x0;
	lr =	simm.s32 $0x1  }
0x2: {  	[smem:$0x3F9B] =	sst lr;
	_ =	strace $0xD0000000  }
0x3: {  	_ = 	snop  }
0x4: {  	_ = 	snop  }
0x5: {  	_ = 	snop  }
0x6: {  	_ = 	snop  }
0x7: {  	_ = 	snop  }
__scs_overlays_trampoline_lowered:
0x8: {  	[smem:$0x3FAA] =	sst s0  }
0x9: {  	[smem:$0x3FAB] =	sst s1  }
0xa: {  	[smem:$0x3FAC] =	sst s2  }
0xb: {  	[smem:$0x3FAD] =	sst s3  }
0xc: {  	[smem:$0x3FAE] =	sst s4  }
0xd: {  	[smem:$0x3FAF] =	sst s5  }
0xe: {  	[smem:$0x3FB0] =	sst s6  }
0xf: {  	[smem:$0x3FB1] =	sst s7  }
0x10: {  	[smem:$0x3FB2] =	sst s8  }
0x11: {  	[smem:$0x3FB3] =	sst s9;
	s0 =	simm.s32 @!p0 $0x0  }
0x12: {  	s1 =	sld [smem:$0x3F99];
	s0 =	simm.s32 @p0 $0x1  }
0x13: {  	[smem:$0x3FB4] =	sst s0;
	s0 =	simm.s32 @!p1 $0x0  }
0x14: {  	s2 =	sld [smem:$0x3F98];
	s0 =	simm.s32 @p1 $0x1  }
0x15: {  	[smem:$0x3FB5] =	sst s0;
	s0 =	simm.s32 @!p2 $0x0  }
0x16: {  	s3 =	sld [smem:$0x3FDB];
	s0 =	simm.s32 @p2 $0x1  }
0x17: {  	s4 =	simm.s32 $0x1BF5;
	[smem:$0x3FB7] =	sst s0  }
0x18: {  	s0 =	sld [smem:$0x3F9A];
	_ =	swait.ge [sflag:s4], $0x0  }
0x19: {  	s7 =	sld [smem:$0x3F9B]  }
0x1a: {  	s8 =	sadd.s32 $0xFFFFE003, lr  }
0x1b: {  	s9 =	sadd.s32 $0xFFFFFEF7, lr;
	s5 =	simm.s32 $0xFFFFFFFF;
	p2 =	slt.u32 s8, $0xFFFFF086  }
0x1c: {  	p1 =	slt.u32 s9, $0xF7A;
	s5 =	simm.s32 @!p2 $0x0  }
0x1d: {  	s5 =	simm.s32 @p1 $0x1;
	p0 =	seq.s32 s7, s2  }
0x1e: {  	s7 =	smul.u32 @!p0 $0xF7A, s2;
	p2 =	seq.s32 @!p0 s5, $0x0  }
0x1f: {  	s9 =	smul.u32 $0xF7A, s1;
	s8 =	simm.s32 @!p0 $0x1BF5;
	p2 =	por !p2, p0  }
0x20: {  	[sflag:s8] =	ssyncset.s32 @!p0 $0xFFFFF086;
	s6 =	sadd.s32 @!p0 s3, s7;
	s7 =	simm.s32 @!p0 $0x108  }
0x21: {  	s3 =	sadd.s32 s3, s9;
	s6 =	sadd.s32 @!p0 $0x88, s6;
	s7 =	simm.s32 @p2 $0x1082  }
0x22: {  	[simem:s7], [sflag:s8] =	dma.local @!p0 [hbm:s6], $0xF7A  }
0x23: {  	s9 =	sor.u32 $0xD0000000, s2;
	s6 =	simm.s32 $0x108;
	_ =	swait.ge @!p0 [sflag:s8], $0x0  }
0x24: {  	s3 =	sadd.s32 $0x88, s3;
	s6 =	simm.s32 @!p1 $0x1082;
	[sflag:s4] =	ssyncset.s32 $0xFFFFF086  }
0x25: {  	[simem:s6], [sflag:s4] =	dma.local [hbm:s3], $0xF7A  }
0x26: {  	[smem:$0x3F9B] =	sst s1;
	(tag) =	ssettag s2;
	_ =	strace s9  }
0x27: {  	s1 =	sld [smem:$0x3FAB]  }
0x28: {  	s2 =	sld [smem:$0x3FAC]  }
0x29: {  	s4 =	sld [smem:$0x3FAE]  }
0x2a: {  	p0 =	seq.s32 s5, $0x0;
	s5 =	sld [smem:$0x3FAF]  }
0x2b: {  	s6 =	sld [smem:$0x3FB0]  }
0x2c: {  	s7 =	sld [smem:$0x3FB1]  }
0x2d: {  	s3 =	simm.s32 $0x108;
	s8 =	sld [smem:$0x3FB2]  }
0x2e: {  	s3 =	simm.s32 @!p0 $0x1082;
	s9 =	sld [smem:$0x3FB3]  }
0x2f: {  	lr =	sadd.s32 s0, s3;
	s0 =	sld [smem:$0x3FAA]  }
0x30: {  	s3 =	sld [smem:$0x3FAD]  }
0x31: {  	[smem:$0x3FB6] =	sst s10  }
0x32: {  	s10 =	sld [smem:$0x3FB4];
	_ =	sdelay $0x3  }
0x33: {  	p0 =	seq.s32 s10, $0x1;
	s10 =	sld [smem:$0x3FB6];
	_ =	sdelay $0x3  }
0x34: {  	[smem:$0x3FB6] =	sst s10  }
0x35: {  	s10 =	sld [smem:$0x3FB5];
	_ =	sdelay $0x3  }
0x36: {  	p1 =	seq.s32 s10, $0x1;
	s10 =	sld [smem:$0x3FB6];
	_ =	sdelay $0x3  }
0x37: {  	[smem:$0x3FB6] =	sst s10  }
0x38: {  	s10 =	sld [smem:$0x3FB7]  }
0x39: {  	_ = 	snop;
	(pc) =	sbr.ind lr, $3  }
0x3a: {  	_ = 	snop  }
0x3b: {  	_ = 	snop  }
0x3c: {  	p2 =	seq.s32 s10, $0x1;
	s10 =	sld [smem:$0x3FB6]  }
0x3d: {  	_ =	shalt  }
0x3e: {  	_ =	shalt  }
0x3f: {  	_ =	shalt  }
0x40: {  	_ =	shalt  }
0x41: {  	_ =	shalt  }
0x42: {  	_ =	shalt  }
0x43: {  	_ =	shalt  }
0x44: {  	_ =	shalt  }
0x45: {  	_ =	shalt  }
0x46: {  	_ =	shalt  }
0x47: {  	_ =	shalt  }
0x48: {  	_ =	shalt  }
0x49: {  	_ =	shalt  }
0x4a: {  	_ =	shalt  }
0x4b: {  	_ =	shalt  }
0x4c: {  	_ =	shalt  }
0x4d: {  	_ =	shalt  }
0x4e: {  	_ =	shalt  }
0x4f: {  	_ =	shalt  }
0x50: {  	_ =	shalt  }
0x51: {  	_ =	shalt  }
0x52: {  	_ =	shalt  }
0x53: {  	_ =	shalt  }
0x54: {  	_ =	shalt  }
0x55: {  	_ =	shalt  }
0x56: {  	_ =	shalt  }
0x57: {  	_ =	shalt  }
0x58: {  	_ =	shalt  }
0x59: {  	_ =	shalt  }
0x5a: {  	_ =	shalt  }
0x5b: {  	_ =	shalt  }
0x5c: {  	_ =	shalt  }
0x5d: {  	_ =	shalt  }
0x5e: {  	_ =	shalt  }
0x5f: {  	_ =	shalt  }
0x60: {  	_ =	shalt  }
0x61: {  	_ =	shalt  }
0x62: {  	_ =	shalt  }
0x63: {  	_ =	shalt  }
0x64: {  	_ =	shalt  }
0x65: {  	_ =	shalt  }
0x66: {  	_ =	shalt  }
0x67: {  	_ =	shalt  }
0x68: {  	_ =	shalt  }
0x69: {  	_ =	shalt  }
0x6a: {  	_ =	shalt  }
0x6b: {  	_ =	shalt  }
0x6c: {  	_ =	shalt  }
0x6d: {  	_ =	shalt  }
0x6e: {  	_ =	shalt  }
0x6f: {  	_ =	shalt  }
0x70: {  	_ =	shalt  }
0x71: {  	_ =	shalt  }
0x72: {  	_ =	shalt  }
0x73: {  	_ =	shalt  }
0x74: {  	_ =	shalt  }
0x75: {  	_ =	shalt  }
0x76: {  	_ =	shalt  }
0x77: {  	_ =	shalt  }
0x78: {  	_ =	shalt  }
0x79: {  	_ =	shalt  }
0x7a: {  	_ =	shalt  }
0x7b: {  	_ =	shalt  }
0x7c: {  	_ =	shalt  }
0x7d: {  	_ =	shalt  }
0x7e: {  	_ =	shalt  }
0x7f: {  	_ =	shalt  }
0x80: {  	_ =	shalt  }
0x81: {  	_ =	shalt  }
0x82: {  	_ =	shalt  }
0x83: {  	_ =	shalt  }
0x84: {  	_ =	shalt  }
0x85: {  	_ =	shalt  }
0x86: {  	_ =	shalt  }
0x87: {  	_ =	shalt  }
.Lfunc_end0:
.L_simem_size_0:
called_computation.1_lowered:
.L_overlay_start_0:
0x88: {  	s2 =	sld [smem:$0x3FD9]  }
0x89: {  	s3 =	sld [smem:$0x3FFE];
	_ =	sdelay $0x1  }
0x8a: {  	s1 =	srdreg.scid  }
0x8b: {  	s0 =	sand.u32 $0x1, s1  }
0x8c: {  	s16 =	sshll.u32 s0, $0xA;
	s2 =	sadd.s32 s3, s2  }
0x8d: {  	s2 =	sadd.s32 s2, s16  }
0x8e: {  	[smem:$0x3FC2] =	sst s2  }
0x8f: {  	_ = 	snop  }
0x90: {  	(tm) =	ssettm $0x1  }
0x91: {  	s17 =	sld [smem:$0x3FFB];
	_ =	sdelay $0x3  }
0x92: {  	_ =	strace s17  }
0x93: {  	s2 =	sld [smem:$0x3FFC];
	_ =	sdelay $0x3  }
0x94: {  	_ =	strace s2  }
0x95: {  	s2 =	sld [smem:$0x3FFD];
	_ =	sdelay $0x3  }
0x96: {  	_ =	strace s2  }
0x97: {  	_ =	strace $0x8FFFFFFF  }
0x98: {  	s18 =	sld [smem:$0x3FDB];
	_ =	sdelay $0x1  }
0x99: {  	s19 =	simm.s32 $_scs_section_size  }
0x9a: {  	s4 =	simm.s32 $_size__tile_overlayer_lowered;
	s5 =	simm.s32 $_tile_overlayer_lowered  }
0x9b: {  	s22 =	simm.s32 $0x1BFF;
	s21 =	sshll.u32 s5, $0x1;
	s2 =	sadd.s32 s19, s18  }
0x9c: {  	s6 =	simm.s32 $0x0;
	s20 =	sshll.u32 s4, $0x1;
	s4 =	sadd.s32 s21, s2  }
0x9d: {  	[timem:s6], [sflag:s22] =	dma.local [hbm:s4], s20  }
0x9e: {  	_ =	swait.ge [sflag:s22], s20  }
0x9f: {  	s3 =	ssub.s32 $0x0, s20;
	[sflag:s22] =	ssyncset.done $0x0  }
0xa0: {  	[sflag:s22] =	ssyncadd.s32 s3;
	_ =	sdelay $0x1  }
0xa1: {  	s23 =	simm.s32 $0x1B8B  }
0xa2: {  	_ =	swait.ge [sflag:s23], $0x1  }
0xa3: {  	[sflag:s23] =	ssyncset.done $0x0  }
0xa4: {  	s25 =	simm.s32 $0x1B8E;
	s24 =	sld [smem:$0x3FFE];
	[sflag:s23] =	ssyncadd.s32 $0xFFFFFFFF  }
0xa5: {  	s26 =	simm.s32 $execute0_lowered;
	[smem:$0x3FD2] =	sst s25  }
0xa6: {  	s4 =	sshll.u32 s26, $0x1;
	_ =	strace $0x80000049;
	[dreg:$0x1] =	wrdreg $0xFFFFFFFF  }
0xa7: {  	s28 =	simm.s32 $_size_execute0_lowered;
	s2 =	sadd.s32 s2, s4;
	[dreg:$0x0] =	wrdreg $0x0  }
0xa8: {  	s4 =	sshll.u32 s28, $0x1;
	[dreg:$0x2] =	wrdreg s2  }
0xa9: {  	[dreg:$0x3] =	wrdreg s4  }
0xaa: {  	[dreg:$0x4] =	wrdreg $0xC0  }
0xab: {  	_ =	task [dreg:s6], $0x5FFFF  }
0xac: {  	[dreg:$0x1] =	wrdreg $0xFFFFFFFF  }
0xad: {  	[dreg:$0x0] =	wrdreg $0x60  }
0xae: {  	[dreg:$0x2] =	wrdreg s24  }
0xaf: {  	[dreg:$0x3] =	wrdreg $0x97400  }
0xb0: {  	[dreg:$0x4] =	wrdreg $0x9  }
0xb1: {  	_ =	task.clear_ibuf [dreg:s6], $0x5FFFF;
	_ =	strace $0x90000049  }
0xb2: {  	s29 =	simm.s32 $0x9;
	_ =	strace $0x8000004B  }
0xb3: {  	_ =	swait.ge [sflag:s29], $0x1  }
0xb4: {  	[sflag:s29] =	ssyncadd.s32 $0xFFFFFFFF  }
0xb5: {  	_ =	strace $0x9000004B  }
0xb6: {  	_ =	sfence  }
0xb7: {  	s30 =	sld [smem:$0x0];
	_ =	sdelay $0x2  }
0xb8: {  	s31 =	sshll.u32 s1, $0xD;
	s1 =	sshrl.u32 s1, $0x2  }
0xb9: {  	s3 =	sand.u32 $0x4000, s31;
	s1 =	sadd.s32 s1, s30  }
0xba: {  	s0 =	sor.u32 s3, s0;
	s1 =	sshll.u32 s1, $0x11  }
0xbb: {  	s0 =	sor.u32 s1, s0  }
0xbc: {  	s0 =	sadd.s32 $0x8F2B, s0  }
0xbd: {  	[sflag:s0] =	ssyncadd.remote.s32 $0x1  }
0xbe: {  	_ =	sfence.sel $0xFFFF  }
0xbf: {  	[dreg:$0x0] =	wrdreg $0xFFFFFFFF;
	(pc) =	sbr.abs _section_cstart, $3  }
0xc0: {  	[dreg:$0x1] =	wrdreg $0xFFFFFFFF  }
0xc1: {  	_ =	task.clear_ibuf [dreg:s6], $0x2FFFF;
	_ =	strace $0x9FFFFFFF  }
0xc2: {  	(tm) =	ssettm $0x7FFFFFFF  }
0xc3: {  	_ =	shalt  }
tec
execute0_lowered:
.L_overlay_start_1:
0x0: {  	(tag) =	ssettag $0x1  }
0x1: {  	s0 =	srdreg.scid;
	s5 =	rddreg [dreg:$0x0]  }
0x2: {  	s4 =	stileid.u32;
	s2 =	rddreg [dreg:$0x1];
	s3 =	simm.s32 $0x0  }
0x3: {  	s10 =	simm.s32 $0x2800;
	s12 =	simm.s32 $0x9;
	s13 =	simm.s32 $0x1  }
0x4: {  	s14 =	simm.s32 $0x2;
	s15 =	simm.s32 $0x7D;
	s16 =	simm.s32 $0x5000  }
0x5: {  	s18 =	simm.s32 $0x57D0;
	s20 =	simm.s32 $0x5FA0;
	s21 =	simm.s32 $0x2880  }
0x6: {  	s22 =	simm.s32 $0x180;
	s23 =	simm.s32 $0x6770;
	s24 =	simm.s32 $0x3  }
0x7: {  	s25 =	simm.s32 $0x5;
	s26 =	simm.s32 $0x4;
	s28 =	simm.s32 $0x6  }
0x8: {  	s29 =	simm.s32 $0x7;
	s30 =	simm.s32 $0x8;
	s0 =	sand.u32 $0x1, s0  }
0x9: {  	s31 =	simm.s32 $0x4F00;
	s7 =	smul.u32 $0x2800, s4;
	s1 =	sshll.u32 s0, $0x4  }
0xa: {  	[smem:$0x7FF] =	sst s3;
	s6 =	smul.u32 $0x28000, s0;
	s1 =	sor.u32 s4, s1  }
0xb: {  	_ =	strace $0x8000004A;
	s0 =	ssub.s32 $0x2, s0;
	s1 =	smul.u32 $0x2800, s1  }
0xc: {  	s4 =	sadd.s32 $0x16C00, s5;
	s8 =	sshrl.u32 s0, $0x1;
	s6 =	sadd.s32 s7, s6  }
0xd: {  	s0 =	ssub.s32 s0, s8;
	s6 =	sshrl.u32 s6, $0x3;
	s1 =	sshrl.u32 s1, $0x3  }
0xe: {  	s7 =	sadd.s32 s7, s2;
	s9 =	sadd.s32 s6, s5;
	s1 =	sadd.s32 s1, s5  }
0xf: {  	s8 =	sadd.s32 $0x1BC00, s9;
	s9 =	smax.u32 s0, $0x1;
	s0 =	simm.s32 $0x0  }
0x10: {  	v0 =	vimm.f32 $0.0e+00;
	s5 =	sadd.s32 $0x2C00, s1;
	s6 =	sadd.s32 $0xCC00, s1;
	s1 =	simm.s32 $0x4F80  }
.LBB2_1:
0x11: {  	[tilespmem:s3], [sflag:$0x1] =	stream.linear.gather [hbm4b:s5+s3], $0x2800, $0x38;
	[tilespmem:$0xBF40] =	vst v63  }
0x12: {  	s11 =	simm.s32 $0x40;
	s17 =	simm.s32 $0x0  }
0x13: {  	[tilespmem:s10], [sflag:$0x2] =	stream.linear.gather [hbm4b:s6+s3], $0x2800, $0x38;
	[tilespmem:$0xBF40] =	vst v63  }
.LBB2_2:
0x14: {  	p0 =	sne.s32 s11, $0x9FC0;
	[tilespmem:s17+$0x6F40] =	vst v0;
	s17 =	smov.u32 s11;
	s11 =	sadd.s32 $0x40, s11  }
.Ltmp0:
0x15: {  	(pc) =	sbr.rel @p0 .LBB2_2-.Ltmp0, $2  }
0x16: {  	_ =	sdelay $0x2  }
0x17: {  	s17 =	sshra.s32 s17, $0x2  }
0x18: {  	[tilespmem:s17+$0x6F40] =	vst v0;
	s11 =	simm.s32 $0x6F40  }
0x19: {  	[spmem:s7] =	stream.linear.scatter [tilespmem:s11], [sflag:$0x9], $0x2800, $0x38;
	[tilespmem:$0xBF40] =	vst v63  }
0x1a: {  	_ =	swait.ge [sflag:s12], $0x2800  }
0x1b: {  	[sflag:s12] =	ssyncset.done $0x0  }
0x1c: {  	[sflag:s12] =	ssyncadd.s32 $0xFFFFD800  }
0x1d: {  	_ =	swait.ge [sflag:s13], $0x2800  }
0x1e: {  	[sflag:s13] =	ssyncset.done $0x0  }
0x1f: {  	[sflag:s13] =	ssyncadd.s32 $0xFFFFD800  }
0x20: {  	_ =	swait.ge [sflag:s14], $0x2800  }
0x21: {  	[sflag:s14] =	ssyncset.done $0x0  }
0x22: {  	[sflag:s14] =	ssyncadd.s32 $0xFFFFD800  }
0x23: {  	s17 =	simm.s32 $0x0;
	[bflag:$0x0] =	sbarrier.arrive $0xFFFF  }
0x24: {  	[tilespmem:s16], [sflag:$0x1] =	stream.indirect.gather [hbm4b:s4+s15], $0x10, s17, s15, $0xb8;
	[tilespmem:$0xBF40] =	vst v63  }
0x25: {  	s19 =	simm.s32 $0x80  }
0x26: {  	[tilespmem:s18], [sflag:$0x2] =	stream.indirect.gather [hbm4b:s4+s15], $0x10, s19, s15, $0xb8;
	[tilespmem:$0xBF40] =	vst v63  }
0x27: {  	_ =	swait.ge [sflag:s13], $0x7D0  }
0x28: {  	[sflag:s13] =	ssyncset.done $0x0  }
0x29: {  	[sflag:s13] =	ssyncadd.s32 $0xFFFFF830  }
0x2a: {  	[spmem:s2] =	stream.indirect.scatter.add.f32 [tilespmem:s16], [sflag:$0x5], $0x10, s10, s15, $0xb8;
	[tilespmem:$0xBF40] =	vst v63  }
0x2b: {  	s17 =	simm.s32 $0x100  }
0x2c: {  	[tilespmem:s20], [sflag:$0x3] =	stream.indirect.gather [hbm4b:s4+s15], $0x10, s17, s15, $0xb8;
	[tilespmem:$0xBF40] =	vst v63  }
0x2d: {  	_ =	swait.ge [sflag:s14], $0x7D0  }
0x2e: {  	[sflag:s14] =	ssyncset.done $0x0  }
0x2f: {  	[sflag:s14] =	ssyncadd.s32 $0xFFFFF830  }
0x30: {  	[spmem:s2] =	stream.indirect.scatter.add.f32 [tilespmem:s18], [sflag:$0x6], $0x10, s21, s15, $0xb8;
	[tilespmem:$0xBF40] =	vst v63  }
0x31: {  	_ = 	snop  }
0x32: {  	[tilespmem:s23], [sflag:$0x4] =	stream.indirect.gather [hbm4b:s4+s15], $0x10, s22, s15, $0xb8;
	[tilespmem:$0xBF40] =	vst v63  }
0x33: {  	_ =	swait.ge [sflag:s24], $0x7D0  }
0x34: {  	[sflag:s24] =	ssyncset.done $0x0  }
0x35: {  	s19 =	simm.s32 $0x2900;
	[sflag:s24] =	ssyncadd.s32 $0xFFFFF830  }
0x36: {  	[spmem:s2] =	stream.indirect.scatter.add.f32 [tilespmem:s20], [sflag:$0x7], $0x10, s19, s15, $0xb8;
	[tilespmem:$0xBF40] =	vst v63  }
0x37: {  	_ =	swait.ge [sflag:s25], $0x7D0  }
0x38: {  	[sflag:s25] =	ssyncset.done $0x0  }
0x39: {  	s17 =	simm.s32 $0x200;
	[sflag:s25] =	ssyncadd.s32 $0xFFFFF830  }
0x3a: {  	[tilespmem:s16], [sflag:$0x1] =	stream.indirect.gather [hbm4b:s4+s15], $0x10, s17, s15, $0xb8;
	[tilespmem:$0xBF40] =	vst v63  }
0x3b: {  	_ =	swait.ge [sflag:s26], $0x7D0  }
0x3c: {  	[sflag:s26] =	ssyncset.done $0x0  }
0x3d: {  	s19 =	simm.s32 $0x2980;
	[sflag:s26] =	ssyncadd.s32 $0xFFFFF830  }
0x3e: {  	[spmem:s2] =	stream.indirect.scatter.add.f32 [tilespmem:s23], [sflag:$0x8], $0x10, s19, s15, $0xb8;
	[tilespmem:$0xBF40] =	vst v63  }
0x3f: {  	_ =	swait.ge [sflag:s28], $0x7D0  }
0x40: {  	[sflag:s28] =	ssyncset.done $0x0  }
0x41: {  	s17 =	simm.s32 $0x280;
	[sflag:s28] =	ssyncadd.s32 $0xFFFFF830  }
0x42: {  	[tilespmem:s18], [sflag:$0x2] =	stream.indirect.gather [hbm4b:s4+s15], $0x10, s17, s15, $0xb8;
	[tilespmem:$0xBF40] =	vst v63  }
0x43: {  	_ =	swait.ge [sflag:s13], $0x7D0  }
0x44: {  	[sflag:s13] =	ssyncset.done $0x0  }
0x45: {  	s19 =	simm.s32 $0x2A00;
	[sflag:s13] =	ssyncadd.s32 $0xFFFFF830  }
0x46: {  	[spmem:s2] =	stream.indirect.scatter.add.f32 [tilespmem:s16], [sflag:$0x5], $0x10, s19, s15, $0xb8;
	[tilespmem:$0xBF40] =	vst v63  }
0x47: {  	_ =	swait.ge [sflag:s29], $0x7D0  }
0x48: {  	[sflag:s29] =	ssyncset.done $0x0  }
0x49: {  	s17 =	simm.s32 $0x300;
	[sflag:s29] =	ssyncadd.s32 $0xFFFFF830  }
0x4a: {  	[tilespmem:s20], [sflag:$0x3] =	stream.indirect.gather [hbm4b:s4+s15], $0x10, s17, s15, $0xb8;
	[tilespmem:$0xBF40] =	vst v63  }
0x4b: {  	_ =	swait.ge [sflag:s14], $0x7D0  }
0x4c: {  	[sflag:s14] =	ssyncset.done $0x0  }
0x4d: {  	s19 =	simm.s32 $0x2A80;
	[sflag:s14] =	ssyncadd.s32 $0xFFFFF830  }
0x4e: {  	[spmem:s2] =	stream.indirect.scatter.add.f32 [tilespmem:s18], [sflag:$0x6], $0x10, s19, s15, $0xb8;
	[tilespmem:$0xBF40] =	vst v63  }
0x4f: {  	_ =	swait.ge [sflag:s30], $0x7D0  }
0x50: {  	[sflag:s30] =	ssyncset.done $0x0  }
0x51: {  	s11 =	simm.s32 $0x800;
	s17 =	simm.s32 $0x380;
	[sflag:s30] =	ssyncadd.s32 $0xFFFFF830  }
.LBB2_4:
0x52: {  	[tilespmem:s23], [sflag:$0x4] =	stream.indirect.gather [hbm4b:s4+s15], $0x10, s17, s15, $0xb8;
	[tilespmem:$0xBF40] =	vst v63  }
0x53: {  	s17 =	smov.u32 s11  }
0x54: {  	p0 =	sne.s32 s11, $0x9000;
	s11 =	sadd.s32 $0x800, s11;
	_ =	swait.ge [sflag:s24], $0x7D0  }
0x55: {  	s17 =	sshra.s32 s17, $0x2;
	[sflag:s24] =	ssyncset.done $0x0  }
0x56: {  	s19 =	sadd.s32 $0x2900, s17;
	[sflag:s24] =	ssyncadd.s32 $0xFFFFF830  }
0x57: {  	[spmem:s2] =	stream.indirect.scatter.add.f32 [tilespmem:s20], [sflag:$0x7], $0x10, s19, s15, $0xb8;
	[tilespmem:$0xBF40] =	vst v63  }
0x58: {  	_ =	swait.ge [sflag:s25], $0x7D0  }
0x59: {  	[sflag:s25] =	ssyncset.done $0x0  }
0x5a: {  	s19 =	sadd.s32 $0x200, s17;
	[sflag:s25] =	ssyncadd.s32 $0xFFFFF830  }
0x5b: {  	[tilespmem:s16], [sflag:$0x1] =	stream.indirect.gather [hbm4b:s4+s15], $0x10, s19, s15, $0xb8;
	[tilespmem:$0xBF40] =	vst v63  }
0x5c: {  	_ =	swait.ge [sflag:s26], $0x7D0  }
0x5d: {  	[sflag:s26] =	ssyncset.done $0x0  }
0x5e: {  	s19 =	sadd.s32 $0x2980, s17;
	[sflag:s26] =	ssyncadd.s32 $0xFFFFF830  }
0x5f: {  	[spmem:s2] =	stream.indirect.scatter.add.f32 [tilespmem:s23], [sflag:$0x8], $0x10, s19, s15, $0xb8;
	[tilespmem:$0xBF40] =	vst v63  }
0x60: {  	_ =	swait.ge [sflag:s28], $0x7D0  }
0x61: {  	[sflag:s28] =	ssyncset.done $0x0  }
0x62: {  	s19 =	sadd.s32 $0x280, s17;
	[sflag:s28] =	ssyncadd.s32 $0xFFFFF830  }
0x63: {  	[tilespmem:s18], [sflag:$0x2] =	stream.indirect.gather [hbm4b:s4+s15], $0x10, s19, s15, $0xb8;
	[tilespmem:$0xBF40] =	vst v63  }
0x64: {  	_ =	swait.ge [sflag:s13], $0x7D0  }
0x65: {  	[sflag:s13] =	ssyncset.done $0x0  }
0x66: {  	s19 =	sadd.s32 $0x2A00, s17;
	[sflag:s13] =	ssyncadd.s32 $0xFFFFF830  }
0x67: {  	[spmem:s2] =	stream.indirect.scatter.add.f32 [tilespmem:s16], [sflag:$0x5], $0x10, s19, s15, $0xb8;
	[tilespmem:$0xBF40] =	vst v63  }
0x68: {  	_ =	swait.ge [sflag:s29], $0x7D0  }
0x69: {  	[sflag:s29] =	ssyncset.done $0x0  }
0x6a: {  	s19 =	sadd.s32 $0x300, s17;
	[sflag:s29] =	ssyncadd.s32 $0xFFFFF830  }
0x6b: {  	[tilespmem:s20], [sflag:$0x3] =	stream.indirect.gather [hbm4b:s4+s15], $0x10, s19, s15, $0xb8;
	[tilespmem:$0xBF40] =	vst v63  }
0x6c: {  	_ =	swait.ge [sflag:s14], $0x7D0  }
0x6d: {  	[sflag:s14] =	ssyncset.done $0x0  }
.Ltmp1:
0x6e: {  	s19 =	sadd.s32 $0x2A80, s17;
	[sflag:s14] =	ssyncadd.s32 $0xFFFFF830;
	(pc) =	sbr.rel @p0 .LBB2_4-.Ltmp1, $4  }
0x6f: {  	[spmem:s2] =	stream.indirect.scatter.add.f32 [tilespmem:s18], [sflag:$0x6], $0x10, s19, s15, $0xb8;
	[tilespmem:$0xBF40] =	vst v63  }
0x70: {  	_ =	swait.ge [sflag:s30], $0x7D0  }
0x71: {  	[sflag:s30] =	ssyncset.done $0x0  }
0x72: {  	s17 =	sadd.s32 $0x380, s17;
	[sflag:s30] =	ssyncadd.s32 $0xFFFFF830  }
0x73: {  	[tilespmem:s23], [sflag:$0x4] =	stream.indirect.gather [hbm4b:s4+s15], $0x10, s17, s15, $0xb8;
	[tilespmem:$0xBF40] =	vst v63  }
0x74: {  	_ =	swait.ge [sflag:s24], $0x7D0  }
0x75: {  	[sflag:s24] =	ssyncset.done $0x0  }
0x76: {  	[sflag:s24] =	ssyncadd.s32 $0xFFFFF830  }
0x77: {  	[spmem:s2] =	stream.indirect.scatter.add.f32 [tilespmem:s20], [sflag:$0x7], $0x10, s31, s15, $0xb8;
	[tilespmem:$0xBF40] =	vst v63  }
0x78: {  	_ =	swait.ge [sflag:s26], $0x7D0  }
0x79: {  	[sflag:s26] =	ssyncset.done $0x0  }
0x7a: {  	[sflag:s26] =	ssyncadd.s32 $0xFFFFF830  }
0x7b: {  	[spmem:s2] =	stream.indirect.scatter.add.f32 [tilespmem:s23], [sflag:$0x8], $0x10, s1, s15, $0xb8;
	[tilespmem:$0xBF40] =	vst v63  }
0x7c: {  	_ =	swait.ge [sflag:s25], $0x7D0  }
0x7d: {  	[sflag:s25] =	ssyncset.done $0x0  }
0x7e: {  	[sflag:s25] =	ssyncadd.s32 $0xFFFFF830  }
0x7f: {  	_ =	swait.ge [sflag:s28], $0x7D0  }
0x80: {  	[sflag:s28] =	ssyncset.done $0x0  }
0x81: {  	[sflag:s28] =	ssyncadd.s32 $0xFFFFF830  }
0x82: {  	_ =	swait.ge [sflag:s29], $0x7D0  }
0x83: {  	[sflag:s29] =	ssyncset.done $0x0  }
0x84: {  	[sflag:s29] =	ssyncadd.s32 $0xFFFFF830  }
0x85: {  	s11 =	stileid.u32;
	_ =	swait.ge [sflag:s30], $0x7D0  }
0x86: {  	s19 =	sshrl.u32 s7, $0x3;
	s0 =	sadd.s32 $0x1, s0;
	[sflag:s30] =	ssyncset.done $0x0  }
0x87: {  	s11 =	sshll.u32 s11, $0x6;
	p0 =	sne.s32 s0, s9;
	[sflag:s30] =	ssyncadd.s32 $0xFFFFF830  }
.Ltmp2:
0x88: {  	s11 =	sor.u32 $0x1C09, s11;
	[bflag:$0x0] =	sbarrier.arrive $0xFFFF;
	(pc) =	sbr.rel @p0 .LBB2_1-.Ltmp2, $4  }
0x89: {  	[hbm:s8], [sflag:s11] =	dma.local [spmem:s19], $0x500  }
0x8a: {  	_ =	swait.ge [sflag:s12], $0x500  }
0x8b: {  	[sflag:s12] =	ssyncset.done $0x0  }
0x8c: {  	[sflag:s12] =	ssyncadd.s32 $0xFFFFFB00  }
0x8d: {  	_ =	sfence.sel $0x180000  }
0x8e: {  	[bflag:$0x0] =	sbarrier.arrive $0xFFFF  }
0x8f: {  	_ =	strace $0x9000004A  }
0x90: {  	s0 =	stileid.u32;
	[bflag:$0x2] =	sbarrier.arrive $0xFFFF  }
0x91: {  	p0 =	sne.s32 s0, $0x0;
	s0 =	rddreg [dreg:$0x2]  }
0x92: {  	s0 =	sadd.s32 @!p0 $0x100000, s0  }
0x93: {  	[sflag:s0] =	ssyncadd.tile.s32 @!p0 $0x1;
	_ =	shalt  }
.Lfunc_end2:
_tile_overlayer_lowered:
.L_overlay_start_2:
0x94: {  	(tag) =	ssettag $0x2  }
0x95: {  	s0 =	rddreg [dreg:$0x0];
	s2 =	stileid.u32  }
0x96: {  	s1 =	rddreg [dreg:$0x1];
	p0 =	sne.s32 s2, $0x0  }
0x97: {  	s3 =	rddreg [dreg:$0x2];
	[bflag:$0x3] =	sbarrier.arrive $0xFFFF;
	s2 =	simm.s32 @!p0 $0x1C09  }
0x98: {  	[timem:s3], [sflag:s2] =	dma.local @!p0 [hbm:s0], s1  }
0x99: {  	s0 =	simm.s32 @!p0 $0x9  }
0x9a: {  	_ =	swait.ge @!p0 [sflag:s0], s1  }
0x9b: {  	s1 =	ssub.s32 @!p0 $0x0, s1;
	[sflag:s0] =	ssyncset.done @!p0 $0x0  }
0x9c: {  	[sflag:s0] =	ssyncadd.s32 @!p0 s1  }
0x9d: {  	[bflag:$0x3] =	sbarrier.arrive $0xFFFF  }
0x9e: {  	_ =	shalt  }

// kernel: kernel.15.cloned.1.call-start
scs
__scs_entry_jumppad:
0x0: {  	(pc) =	sbr.rel $0x88, $3  }
0x1: {  	(tag) =	ssettag $0x0;
	lr =	simm.s32 $0x1  }
0x2: {  	[smem:$0x3F9B] =	sst lr;
	_ =	strace $0xD0000000  }
0x3: {  	_ = 	snop  }
0x4: {  	_ = 	snop  }
0x5: {  	_ = 	snop  }
0x6: {  	_ = 	snop  }
0x7: {  	_ = 	snop  }
__scs_overlays_trampoline_lowered:
0x8: {  	[smem:$0x3FAA] =	sst s0  }
0x9: {  	[smem:$0x3FAB] =	sst s1  }
0xa: {  	[smem:$0x3FAC] =	sst s2  }
0xb: {  	[smem:$0x3FAD] =	sst s3  }
0xc: {  	[smem:$0x3FAE] =	sst s4  }
0xd: {  	[smem:$0x3FAF] =	sst s5  }
0xe: {  	[smem:$0x3FB0] =	sst s6  }
0xf: {  	[smem:$0x3FB1] =	sst s7  }
0x10: {  	[smem:$0x3FB2] =	sst s8  }
0x11: {  	[smem:$0x3FB3] =	sst s9;
	s0 =	simm.s32 @!p0 $0x0  }
0x12: {  	s1 =	sld [smem:$0x3F99];
	s0 =	simm.s32 @p0 $0x1  }
0x13: {  	[smem:$0x3FB4] =	sst s0;
	s0 =	simm.s32 @!p1 $0x0  }
0x14: {  	s2 =	sld [smem:$0x3F98];
	s0 =	simm.s32 @p1 $0x1  }
0x15: {  	[smem:$0x3FB5] =	sst s0;
	s0 =	simm.s32 @!p2 $0x0  }
0x16: {  	s3 =	sld [smem:$0x3FDB];
	s0 =	simm.s32 @p2 $0x1  }
0x17: {  	s4 =	simm.s32 $0x1BF5;
	[smem:$0x3FB7] =	sst s0  }
0x18: {  	s0 =	sld [smem:$0x3F9A];
	_ =	swait.ge [sflag:s4], $0x0  }
0x19: {  	s7 =	sld [smem:$0x3F9B]  }
0x1a: {  	s8 =	sadd.s32 $0xFFFFE003, lr  }
0x1b: {  	s9 =	sadd.s32 $0xFFFFFEF7, lr;
	s5 =	simm.s32 $0xFFFFFFFF;
	p2 =	slt.u32 s8, $0xFFFFF086  }
0x1c: {  	p1 =	slt.u32 s9, $0xF7A;
	s5 =	simm.s32 @!p2 $0x0  }
0x1d: {  	s5 =	simm.s32 @p1 $0x1;
	p0 =	seq.s32 s7, s2  }
0x1e: {  	s7 =	smul.u32 @!p0 $0xF7A, s2;
	p2 =	seq.s32 @!p0 s5, $0x0  }
0x1f: {  	s9 =	smul.u32 $0xF7A, s1;
	s8 =	simm.s32 @!p0 $0x1BF5;
	p2 =	por !p2, p0  }
0x20: {  	[sflag:s8] =	ssyncset.s32 @!p0 $0xFFFFF086;
	s6 =	sadd.s32 @!p0 s3, s7;
	s7 =	simm.s32 @!p0 $0x108  }
0x21: {  	s3 =	sadd.s32 s3, s9;
	s6 =	sadd.s32 @!p0 $0x88, s6;
	s7 =	simm.s32 @p2 $0x1082  }
0x22: {  	[simem:s7], [sflag:s8] =	dma.local @!p0 [hbm:s6], $0xF7A  }
0x23: {  	s9 =	sor.u32 $0xD0000000, s2;
	s6 =	simm.s32 $0x108;
	_ =	swait.ge @!p0 [sflag:s8], $0x0  }
0x24: {  	s3 =	sadd.s32 $0x88, s3;
	s6 =	simm.s32 @!p1 $0x1082;
	[sflag:s4] =	ssyncset.s32 $0xFFFFF086  }
0x25: {  	[simem:s6], [sflag:s4] =	dma.local [hbm:s3], $0xF7A  }
0x26: {  	[smem:$0x3F9B] =	sst s1;
	(tag) =	ssettag s2;
	_ =	strace s9  }
0x27: {  	s1 =	sld [smem:$0x3FAB]  }
0x28: {  	s2 =	sld [smem:$0x3FAC]  }
0x29: {  	s4 =	sld [smem:$0x3FAE]  }
0x2a: {  	p0 =	seq.s32 s5, $0x0;
	s5 =	sld [smem:$0x3FAF]  }
0x2b: {  	s6 =	sld [smem:$0x3FB0]  }
0x2c: {  	s7 =	sld [smem:$0x3FB1]  }
0x2d: {  	s3 =	simm.s32 $0x108;
	s8 =	sld [smem:$0x3FB2]  }
0x2e: {  	s3 =	simm.s32 @!p0 $0x1082;
	s9 =	sld [smem:$0x3FB3]  }
0x2f: {  	lr =	sadd.s32 s0, s3;
	s0 =	sld [smem:$0x3FAA]  }
0x30: {  	s3 =	sld [smem:$0x3FAD]  }
0x31: {  	[smem:$0x3FB6] =	sst s10  }
0x32: {  	s10 =	sld [smem:$0x3FB4];
	_ =	sdelay $0x3  }
0x33: {  	p0 =	seq.s32 s10, $0x1;
	s10 =	sld [smem:$0x3FB6];
	_ =	sdelay $0x3  }
0x34: {  	[smem:$0x3FB6] =	sst s10  }
0x35: {  	s10 =	sld [smem:$0x3FB5];
	_ =	sdelay $0x3  }
0x36: {  	p1 =	seq.s32 s10, $0x1;
	s10 =	sld [smem:$0x3FB6];
	_ =	sdelay $0x3  }
0x37: {  	[smem:$0x3FB6] =	sst s10  }
0x38: {  	s10 =	sld [smem:$0x3FB7]  }
0x39: {  	_ = 	snop;
	(pc) =	sbr.ind lr, $3  }
0x3a: {  	_ = 	snop  }
0x3b: {  	_ = 	snop  }
0x3c: {  	p2 =	seq.s32 s10, $0x1;
	s10 =	sld [smem:$0x3FB6]  }
0x3d: {  	_ =	shalt  }
0x3e: {  	_ =	shalt  }
0x3f: {  	_ =	shalt  }
0x40: {  	_ =	shalt  }
0x41: {  	_ =	shalt  }
0x42: {  	_ =	shalt  }
0x43: {  	_ =	shalt  }
0x44: {  	_ =	shalt  }
0x45: {  	_ =	shalt  }
0x46: {  	_ =	shalt  }
0x47: {  	_ =	shalt  }
0x48: {  	_ =	shalt  }
0x49: {  	_ =	shalt  }
0x4a: {  	_ =	shalt  }
0x4b: {  	_ =	shalt  }
0x4c: {  	_ =	shalt  }
0x4d: {  	_ =	shalt  }
0x4e: {  	_ =	shalt  }
0x4f: {  	_ =	shalt  }
0x50: {  	_ =	shalt  }
0x51: {  	_ =	shalt  }
0x52: {  	_ =	shalt  }
0x53: {  	_ =	shalt  }
0x54: {  	_ =	shalt  }
0x55: {  	_ =	shalt  }
0x56: {  	_ =	shalt  }
0x57: {  	_ =	shalt  }
0x58: {  	_ =	shalt  }
0x59: {  	_ =	shalt  }
0x5a: {  	_ =	shalt  }
0x5b: {  	_ =	shalt  }
0x5c: {  	_ =	shalt  }
0x5d: {  	_ =	shalt  }
0x5e: {  	_ =	shalt  }
0x5f: {  	_ =	shalt  }
0x60: {  	_ =	shalt  }
0x61: {  	_ =	shalt  }
0x62: {  	_ =	shalt  }
0x63: {  	_ =	shalt  }
0x64: {  	_ =	shalt  }
0x65: {  	_ =	shalt  }
0x66: {  	_ =	shalt  }
0x67: {  	_ =	shalt  }
0x68: {  	_ =	shalt  }
0x69: {  	_ =	shalt  }
0x6a: {  	_ =	shalt  }
0x6b: {  	_ =	shalt  }
0x6c: {  	_ =	shalt  }
0x6d: {  	_ =	shalt  }
0x6e: {  	_ =	shalt  }
0x6f: {  	_ =	shalt  }
0x70: {  	_ =	shalt  }
0x71: {  	_ =	shalt  }
0x72: {  	_ =	shalt  }
0x73: {  	_ =	shalt  }
0x74: {  	_ =	shalt  }
0x75: {  	_ =	shalt  }
0x76: {  	_ =	shalt  }
0x77: {  	_ =	shalt  }
0x78: {  	_ =	shalt  }
0x79: {  	_ =	shalt  }
0x7a: {  	_ =	shalt  }
0x7b: {  	_ =	shalt  }
0x7c: {  	_ =	shalt  }
0x7d: {  	_ =	shalt  }
0x7e: {  	_ =	shalt  }
0x7f: {  	_ =	shalt  }
0x80: {  	_ =	shalt  }
0x81: {  	_ =	shalt  }
0x82: {  	_ =	shalt  }
0x83: {  	_ =	shalt  }
0x84: {  	_ =	shalt  }
0x85: {  	_ =	shalt  }
0x86: {  	_ =	shalt  }
0x87: {  	_ =	shalt  }
.Lfunc_end0:
.L_simem_size_0:
called_computation.2_lowered:
.L_overlay_start_0:
0x88: {  	s2 =	sld [smem:$0x3FD9]  }
0x89: {  	s3 =	sld [smem:$0x3FFE];
	_ =	sdelay $0x1  }
0x8a: {  	s1 =	srdreg.scid  }
0x8b: {  	s0 =	sand.u32 $0x1, s1  }
0x8c: {  	s16 =	sshll.u32 s0, $0xA;
	s2 =	sadd.s32 s3, s2  }
0x8d: {  	s2 =	sadd.s32 s2, s16  }
0x8e: {  	[smem:$0x3FC2] =	sst s2  }
0x8f: {  	_ = 	snop  }
0x90: {  	(tm) =	ssettm $0x1  }
0x91: {  	s17 =	sld [smem:$0x3FFB];
	_ =	sdelay $0x3  }
0x92: {  	_ =	strace s17  }
0x93: {  	s2 =	sld [smem:$0x3FFC];
	_ =	sdelay $0x3  }
0x94: {  	_ =	strace s2  }
0x95: {  	s2 =	sld [smem:$0x3FFD];
	_ =	sdelay $0x3  }
0x96: {  	_ =	strace s2  }
0x97: {  	_ =	strace $0x8FFFFFFF  }
0x98: {  	s18 =	sld [smem:$0x3FDB];
	_ =	sdelay $0x1  }
0x99: {  	s19 =	simm.s32 $_scs_section_size  }
0x9a: {  	s4 =	simm.s32 $_size__tile_overlayer_lowered;
	s5 =	simm.s32 $_tile_overlayer_lowered  }
0x9b: {  	s22 =	simm.s32 $0x1BFF;
	s21 =	sshll.u32 s5, $0x1;
	s2 =	sadd.s32 s19, s18  }
0x9c: {  	s6 =	simm.s32 $0x0;
	s20 =	sshll.u32 s4, $0x1;
	s4 =	sadd.s32 s21, s2  }
0x9d: {  	[timem:s6], [sflag:s22] =	dma.local [hbm:s4], s20  }
0x9e: {  	_ =	swait.ge [sflag:s22], s20  }
0x9f: {  	s3 =	ssub.s32 $0x0, s20;
	[sflag:s22] =	ssyncset.done $0x0  }
0xa0: {  	[sflag:s22] =	ssyncadd.s32 s3;
	_ =	sdelay $0x1  }
0xa1: {  	s23 =	simm.s32 $0x1B8B  }
0xa2: {  	_ =	swait.ge [sflag:s23], $0x1  }
0xa3: {  	[sflag:s23] =	ssyncset.done $0x0  }
0xa4: {  	s25 =	simm.s32 $0x1B8E;
	s24 =	sld [smem:$0x3FFE];
	[sflag:s23] =	ssyncadd.s32 $0xFFFFFFFF  }
0xa5: {  	s26 =	simm.s32 $execute0_lowered;
	[smem:$0x3FD2] =	sst s25  }
0xa6: {  	s4 =	sshll.u32 s26, $0x1;
	_ =	strace $0x8000004C;
	[dreg:$0x1] =	wrdreg $0xFFFFFFFF  }
0xa7: {  	s28 =	simm.s32 $_size_execute0_lowered;
	s2 =	sadd.s32 s2, s4;
	[dreg:$0x0] =	wrdreg $0x0  }
0xa8: {  	s4 =	sshll.u32 s28, $0x1;
	[dreg:$0x2] =	wrdreg s2  }
0xa9: {  	[dreg:$0x3] =	wrdreg s4  }
0xaa: {  	[dreg:$0x4] =	wrdreg $0xC0  }
0xab: {  	_ =	task [dreg:s6], $0x5FFFF  }
0xac: {  	[dreg:$0x1] =	wrdreg $0xFFFFFFFF  }
0xad: {  	[dreg:$0x0] =	wrdreg $0x60  }
0xae: {  	[dreg:$0x2] =	wrdreg s24  }
0xaf: {  	[dreg:$0x3] =	wrdreg $0x97400  }
0xb0: {  	[dreg:$0x4] =	wrdreg $0x9  }
0xb1: {  	_ =	task.clear_ibuf [dreg:s6], $0x5FFFF;
	_ =	strace $0x9000004C  }
0xb2: {  	s29 =	simm.s32 $0x9;
	_ =	strace $0x8000004E  }
0xb3: {  	_ =	swait.ge [sflag:s29], $0x1  }
0xb4: {  	[sflag:s29] =	ssyncadd.s32 $0xFFFFFFFF  }
0xb5: {  	_ =	strace $0x9000004E  }
0xb6: {  	_ =	sfence  }
0xb7: {  	s30 =	sld [smem:$0x0];
	_ =	sdelay $0x2  }
0xb8: {  	s31 =	sshll.u32 s1, $0xD;
	s1 =	sshrl.u32 s1, $0x2  }
0xb9: {  	s3 =	sand.u32 $0x4000, s31;
	s1 =	sadd.s32 s1, s30  }
0xba: {  	s0 =	sor.u32 s3, s0;
	s1 =	sshll.u32 s1, $0x11  }
0xbb: {  	s0 =	sor.u32 s1, s0  }
0xbc: {  	s0 =	sadd.s32 $0x8F2B, s0  }
0xbd: {  	[sflag:s0] =	ssyncadd.remote.s32 $0x1  }
0xbe: {  	_ =	sfence.sel $0xFFFF  }
0xbf: {  	[dreg:$0x0] =	wrdreg $0xFFFFFFFF;
	(pc) =	sbr.abs _section_cstart, $3  }
0xc0: {  	[dreg:$0x1] =	wrdreg $0xFFFFFFFF  }
0xc1: {  	_ =	task.clear_ibuf [dreg:s6], $0x2FFFF;
	_ =	strace $0x9FFFFFFF  }
0xc2: {  	(tm) =	ssettm $0x7FFFFFFF  }
0xc3: {  	_ =	shalt  }
tec
execute0_lowered:
.L_overlay_start_1:
0x0: {  	(tag) =	ssettag $0x1  }
0x1: {  	s0 =	srdreg.scid;
	s5 =	rddreg [dreg:$0x0]  }
0x2: {  	s4 =	stileid.u32;
	s2 =	rddreg [dreg:$0x1];
	s3 =	simm.s32 $0x0  }
0x3: {  	s10 =	simm.s32 $0x2800;
	s12 =	simm.s32 $0x9;
	s13 =	simm.s32 $0x1  }
0x4: {  	s14 =	simm.s32 $0x2;
	s15 =	simm.s32 $0x7D;
	s16 =	simm.s32 $0x5000  }
0x5: {  	s18 =	simm.s32 $0x57D0;
	s20 =	simm.s32 $0x5FA0;
	s21 =	simm.s32 $0x2880  }
0x6: {  	s22 =	simm.s32 $0x180;
	s23 =	simm.s32 $0x6770;
	s24 =	simm.s32 $0x3  }
0x7: {  	s25 =	simm.s32 $0x5;
	s26 =	simm.s32 $0x4;
	s28 =	simm.s32 $0x6  }
0x8: {  	s29 =	simm.s32 $0x7;
	s30 =	simm.s32 $0x8;
	s0 =	sand.u32 $0x1, s0  }
0x9: {  	s31 =	simm.s32 $0x4F00;
	s7 =	smul.u32 $0x2800, s4;
	s1 =	sshll.u32 s0, $0x4  }
0xa: {  	[smem:$0x7FF] =	sst s3;
	s6 =	smul.u32 $0x28000, s0;
	s1 =	sor.u32 s4, s1  }
0xb: {  	_ =	strace $0x8000004D;
	s0 =	ssub.s32 $0x2, s0;
	s1 =	smul.u32 $0x2800, s1  }
0xc: {  	s4 =	sadd.s32 $0x16C00, s5;
	s8 =	sshrl.u32 s0, $0x1;
	s6 =	sadd.s32 s7, s6  }
0xd: {  	s0 =	ssub.s32 s0, s8;
	s6 =	sshrl.u32 s6, $0x3;
	s1 =	sshrl.u32 s1, $0x3  }
0xe: {  	s7 =	sadd.s32 s7, s2;
	s9 =	sadd.s32 s6, s5;
	s1 =	sadd.s32 s1, s5  }
0xf: {  	s8 =	sadd.s32 $0x1BC00, s9;
	s9 =	smax.u32 s0, $0x1;
	s0 =	simm.s32 $0x0  }
0x10: {  	v0 =	vimm.f32 $0.0e+00;
	s5 =	sadd.s32 $0x2C00, s1;
	s6 =	sadd.s32 $0xCC00, s1;
	s1 =	simm.s32 $0x4F80  }
.LBB2_1:
0x11: {  	[tilespmem:s3], [sflag:$0x1] =	stream.linear.gather [hbm4b:s5+s3], $0x2800, $0x38;
	[tilespmem:$0xBF40] =	vst v63  }
0x12: {  	s11 =	simm.s32 $0x40;
	s17 =	simm.s32 $0x0  }
0x13: {  	[tilespmem:s10], [sflag:$0x2] =	stream.linear.gather [hbm4b:s6+s3], $0x2800, $0x38;
	[tilespmem:$0xBF40] =	vst v63  }
.LBB2_2:
0x14: {  	p0 =	sne.s32 s11, $0x9FC0;
	[tilespmem:s17+$0x6F40] =	vst v0;
	s17 =	smov.u32 s11;
	s11 =	sadd.s32 $0x40, s11  }
.Ltmp0:
0x15: {  	(pc) =	sbr.rel @p0 .LBB2_2-.Ltmp0, $2  }
0x16: {  	_ =	sdelay $0x2  }
0x17: {  	s17 =	sshra.s32 s17, $0x2  }
0x18: {  	[tilespmem:s17+$0x6F40] =	vst v0;
	s11 =	simm.s32 $0x6F40  }
0x19: {  	[spmem:s7] =	stream.linear.scatter [tilespmem:s11], [sflag:$0x9], $0x2800, $0x38;
	[tilespmem:$0xBF40] =	vst v63  }
0x1a: {  	_ =	swait.ge [sflag:s12], $0x2800  }
0x1b: {  	[sflag:s12] =	ssyncset.done $0x0  }
0x1c: {  	[sflag:s12] =	ssyncadd.s32 $0xFFFFD800  }
0x1d: {  	_ =	swait.ge [sflag:s13], $0x2800  }
0x1e: {  	[sflag:s13] =	ssyncset.done $0x0  }
0x1f: {  	[sflag:s13] =	ssyncadd.s32 $0xFFFFD800  }
0x20: {  	_ =	swait.ge [sflag:s14], $0x2800  }
0x21: {  	[sflag:s14] =	ssyncset.done $0x0  }
0x22: {  	[sflag:s14] =	ssyncadd.s32 $0xFFFFD800  }
0x23: {  	s17 =	simm.s32 $0x0;
	[bflag:$0x0] =	sbarrier.arrive $0xFFFF  }
0x24: {  	[tilespmem:s16], [sflag:$0x1] =	stream.indirect.gather [hbm4b:s4+s15], $0x10, s17, s15, $0xb8;
	[tilespmem:$0xBF40] =	vst v63  }
0x25: {  	s19 =	simm.s32 $0x80  }
0x26: {  	[tilespmem:s18], [sflag:$0x2] =	stream.indirect.gather [hbm4b:s4+s15], $0x10, s19, s15, $0xb8;
	[tilespmem:$0xBF40] =	vst v63  }
0x27: {  	_ =	swait.ge [sflag:s13], $0x7D0  }
0x28: {  	[sflag:s13] =	ssyncset.done $0x0  }
0x29: {  	[sflag:s13] =	ssyncadd.s32 $0xFFFFF830  }
0x2a: {  	[spmem:s2] =	stream.indirect.scatter.add.f32 [tilespmem:s16], [sflag:$0x5], $0x10, s10, s15, $0xb8;
	[tilespmem:$0xBF40] =	vst v63  }
0x2b: {  	s17 =	simm.s32 $0x100  }
0x2c: {  	[tilespmem:s20], [sflag:$0x3] =	stream.indirect.gather [hbm4b:s4+s15], $0x10, s17, s15, $0xb8;
	[tilespmem:$0xBF40] =	vst v63  }
0x2d: {  	_ =	swait.ge [sflag:s14], $0x7D0  }
0x2e: {  	[sflag:s14] =	ssyncset.done $0x0  }
0x2f: {  	[sflag:s14] =	ssyncadd.s32 $0xFFFFF830  }
0x30: {  	[spmem:s2] =	stream.indirect.scatter.add.f32 [tilespmem:s18], [sflag:$0x6], $0x10, s21, s15, $0xb8;
	[tilespmem:$0xBF40] =	vst v63  }
0x31: {  	_ = 	snop  }
0x32: {  	[tilespmem:s23], [sflag:$0x4] =	stream.indirect.gather [hbm4b:s4+s15], $0x10, s22, s15, $0xb8;
	[tilespmem:$0xBF40] =	vst v63  }
0x33: {  	_ =	swait.ge [sflag:s24], $0x7D0  }
0x34: {  	[sflag:s24] =	ssyncset.done $0x0  }
0x35: {  	s19 =	simm.s32 $0x2900;
	[sflag:s24] =	ssyncadd.s32 $0xFFFFF830  }
0x36: {  	[spmem:s2] =	stream.indirect.scatter.add.f32 [tilespmem:s20], [sflag:$0x7], $0x10, s19, s15, $0xb8;
	[tilespmem:$0xBF40] =	vst v63  }
0x37: {  	_ =	swait.ge [sflag:s25], $0x7D0  }
0x38: {  	[sflag:s25] =	ssyncset.done $0x0  }
0x39: {  	s17 =	simm.s32 $0x200;
	[sflag:s25] =	ssyncadd.s32 $0xFFFFF830  }
0x3a: {  	[tilespmem:s16], [sflag:$0x1] =	stream.indirect.gather [hbm4b:s4+s15], $0x10, s17, s15, $0xb8;
	[tilespmem:$0xBF40] =	vst v63  }
0x3b: {  	_ =	swait.ge [sflag:s26], $0x7D0  }
0x3c: {  	[sflag:s26] =	ssyncset.done $0x0  }
0x3d: {  	s19 =	simm.s32 $0x2980;
	[sflag:s26] =	ssyncadd.s32 $0xFFFFF830  }
0x3e: {  	[spmem:s2] =	stream.indirect.scatter.add.f32 [tilespmem:s23], [sflag:$0x8], $0x10, s19, s15, $0xb8;
	[tilespmem:$0xBF40] =	vst v63  }
0x3f: {  	_ =	swait.ge [sflag:s28], $0x7D0  }
0x40: {  	[sflag:s28] =	ssyncset.done $0x0  }
0x41: {  	s17 =	simm.s32 $0x280;
	[sflag:s28] =	ssyncadd.s32 $0xFFFFF830  }
0x42: {  	[tilespmem:s18], [sflag:$0x2] =	stream.indirect.gather [hbm4b:s4+s15], $0x10, s17, s15, $0xb8;
	[tilespmem:$0xBF40] =	vst v63  }
0x43: {  	_ =	swait.ge [sflag:s13], $0x7D0  }
0x44: {  	[sflag:s13] =	ssyncset.done $0x0  }
0x45: {  	s19 =	simm.s32 $0x2A00;
	[sflag:s13] =	ssyncadd.s32 $0xFFFFF830  }
0x46: {  	[spmem:s2] =	stream.indirect.scatter.add.f32 [tilespmem:s16], [sflag:$0x5], $0x10, s19, s15, $0xb8;
	[tilespmem:$0xBF40] =	vst v63  }
0x47: {  	_ =	swait.ge [sflag:s29], $0x7D0  }
0x48: {  	[sflag:s29] =	ssyncset.done $0x0  }
0x49: {  	s17 =	simm.s32 $0x300;
	[sflag:s29] =	ssyncadd.s32 $0xFFFFF830  }
0x4a: {  	[tilespmem:s20], [sflag:$0x3] =	stream.indirect.gather [hbm4b:s4+s15], $0x10, s17, s15, $0xb8;
	[tilespmem:$0xBF40] =	vst v63  }
0x4b: {  	_ =	swait.ge [sflag:s14], $0x7D0  }
0x4c: {  	[sflag:s14] =	ssyncset.done $0x0  }
0x4d: {  	s19 =	simm.s32 $0x2A80;
	[sflag:s14] =	ssyncadd.s32 $0xFFFFF830  }
0x4e: {  	[spmem:s2] =	stream.indirect.scatter.add.f32 [tilespmem:s18], [sflag:$0x6], $0x10, s19, s15, $0xb8;
	[tilespmem:$0xBF40] =	vst v63  }
0x4f: {  	_ =	swait.ge [sflag:s30], $0x7D0  }
0x50: {  	[sflag:s30] =	ssyncset.done $0x0  }
0x51: {  	s11 =	simm.s32 $0x800;
	s17 =	simm.s32 $0x380;
	[sflag:s30] =	ssyncadd.s32 $0xFFFFF830  }
.LBB2_4:
0x52: {  	[tilespmem:s23], [sflag:$0x4] =	stream.indirect.gather [hbm4b:s4+s15], $0x10, s17, s15, $0xb8;
	[tilespmem:$0xBF40] =	vst v63  }
0x53: {  	s17 =	smov.u32 s11  }
0x54: {  	p0 =	sne.s32 s11, $0x9000;
	s11 =	sadd.s32 $0x800, s11;
	_ =	swait.ge [sflag:s24], $0x7D0  }
0x55: {  	s17 =	sshra.s32 s17, $0x2;
	[sflag:s24] =	ssyncset.done $0x0  }
0x56: {  	s19 =	sadd.s32 $0x2900, s17;
	[sflag:s24] =	ssyncadd.s32 $0xFFFFF830  }
0x57: {  	[spmem:s2] =	stream.indirect.scatter.add.f32 [tilespmem:s20], [sflag:$0x7], $0x10, s19, s15, $0xb8;
	[tilespmem:$0xBF40] =	vst v63  }
0x58: {  	_ =	swait.ge [sflag:s25], $0x7D0  }
0x59: {  	[sflag:s25] =	ssyncset.done $0x0  }
0x5a: {  	s19 =	sadd.s32 $0x200, s17;
	[sflag:s25] =	ssyncadd.s32 $0xFFFFF830  }
0x5b: {  	[tilespmem:s16], [sflag:$0x1] =	stream.indirect.gather [hbm4b:s4+s15], $0x10, s19, s15, $0xb8;
	[tilespmem:$0xBF40] =	vst v63  }
0x5c: {  	_ =	swait.ge [sflag:s26], $0x7D0  }
0x5d: {  	[sflag:s26] =	ssyncset.done $0x0  }
0x5e: {  	s19 =	sadd.s32 $0x2980, s17;
	[sflag:s26] =	ssyncadd.s32 $0xFFFFF830  }
0x5f: {  	[spmem:s2] =	stream.indirect.scatter.add.f32 [tilespmem:s23], [sflag:$0x8], $0x10, s19, s15, $0xb8;
	[tilespmem:$0xBF40] =	vst v63  }
0x60: {  	_ =	swait.ge [sflag:s28], $0x7D0  }
0x61: {  	[sflag:s28] =	ssyncset.done $0x0  }
0x62: {  	s19 =	sadd.s32 $0x280, s17;
	[sflag:s28] =	ssyncadd.s32 $0xFFFFF830  }
0x63: {  	[tilespmem:s18], [sflag:$0x2] =	stream.indirect.gather [hbm4b:s4+s15], $0x10, s19, s15, $0xb8;
	[tilespmem:$0xBF40] =	vst v63  }
0x64: {  	_ =	swait.ge [sflag:s13], $0x7D0  }
0x65: {  	[sflag:s13] =	ssyncset.done $0x0  }
0x66: {  	s19 =	sadd.s32 $0x2A00, s17;
	[sflag:s13] =	ssyncadd.s32 $0xFFFFF830  }
0x67: {  	[spmem:s2] =	stream.indirect.scatter.add.f32 [tilespmem:s16], [sflag:$0x5], $0x10, s19, s15, $0xb8;
	[tilespmem:$0xBF40] =	vst v63  }
0x68: {  	_ =	swait.ge [sflag:s29], $0x7D0  }
0x69: {  	[sflag:s29] =	ssyncset.done $0x0  }
0x6a: {  	s19 =	sadd.s32 $0x300, s17;
	[sflag:s29] =	ssyncadd.s32 $0xFFFFF830  }
0x6b: {  	[tilespmem:s20], [sflag:$0x3] =	stream.indirect.gather [hbm4b:s4+s15], $0x10, s19, s15, $0xb8;
	[tilespmem:$0xBF40] =	vst v63  }
0x6c: {  	_ =	swait.ge [sflag:s14], $0x7D0  }
0x6d: {  	[sflag:s14] =	ssyncset.done $0x0  }
.Ltmp1:
0x6e: {  	s19 =	sadd.s32 $0x2A80, s17;
	[sflag:s14] =	ssyncadd.s32 $0xFFFFF830;
	(pc) =	sbr.rel @p0 .LBB2_4-.Ltmp1, $4  }
0x6f: {  	[spmem:s2] =	stream.indirect.scatter.add.f32 [tilespmem:s18], [sflag:$0x6], $0x10, s19, s15, $0xb8;
	[tilespmem:$0xBF40] =	vst v63  }
0x70: {  	_ =	swait.ge [sflag:s30], $0x7D0  }
0x71: {  	[sflag:s30] =	ssyncset.done $0x0  }
0x72: {  	s17 =	sadd.s32 $0x380, s17;
	[sflag:s30] =	ssyncadd.s32 $0xFFFFF830  }
0x73: {  	[tilespmem:s23], [sflag:$0x4] =	stream.indirect.gather [hbm4b:s4+s15], $0x10, s17, s15, $0xb8;
	[tilespmem:$0xBF40] =	vst v63  }
0x74: {  	_ =	swait.ge [sflag:s24], $0x7D0  }
0x75: {  	[sflag:s24] =	ssyncset.done $0x0  }
0x76: {  	[sflag:s24] =	ssyncadd.s32 $0xFFFFF830  }
0x77: {  	[spmem:s2] =	stream.indirect.scatter.add.f32 [tilespmem:s20], [sflag:$0x7], $0x10, s31, s15, $0xb8;
	[tilespmem:$0xBF40] =	vst v63  }
0x78: {  	_ =	swait.ge [sflag:s26], $0x7D0  }
0x79: {  	[sflag:s26] =	ssyncset.done $0x0  }
0x7a: {  	[sflag:s26] =	ssyncadd.s32 $0xFFFFF830  }
0x7b: {  	[spmem:s2] =	stream.indirect.scatter.add.f32 [tilespmem:s23], [sflag:$0x8], $0x10, s1, s15, $0xb8;
	[tilespmem:$0xBF40] =	vst v63  }
0x7c: {  	_ =	swait.ge [sflag:s25], $0x7D0  }
0x7d: {  	[sflag:s25] =	ssyncset.done $0x0  }
0x7e: {  	[sflag:s25] =	ssyncadd.s32 $0xFFFFF830  }
0x7f: {  	_ =	swait.ge [sflag:s28], $0x7D0  }
0x80: {  	[sflag:s28] =	ssyncset.done $0x0  }
0x81: {  	[sflag:s28] =	ssyncadd.s32 $0xFFFFF830  }
0x82: {  	_ =	swait.ge [sflag:s29], $0x7D0  }
0x83: {  	[sflag:s29] =	ssyncset.done $0x0  }
0x84: {  	[sflag:s29] =	ssyncadd.s32 $0xFFFFF830  }
0x85: {  	s11 =	stileid.u32;
	_ =	swait.ge [sflag:s30], $0x7D0  }
0x86: {  	s19 =	sshrl.u32 s7, $0x3;
	s0 =	sadd.s32 $0x1, s0;
	[sflag:s30] =	ssyncset.done $0x0  }
0x87: {  	s11 =	sshll.u32 s11, $0x6;
	p0 =	sne.s32 s0, s9;
	[sflag:s30] =	ssyncadd.s32 $0xFFFFF830  }
.Ltmp2:
0x88: {  	s11 =	sor.u32 $0x1C09, s11;
	[bflag:$0x0] =	sbarrier.arrive $0xFFFF;
	(pc) =	sbr.rel @p0 .LBB2_1-.Ltmp2, $4  }
0x89: {  	[hbm:s8], [sflag:s11] =	dma.local [spmem:s19], $0x500  }
0x8a: {  	_ =	swait.ge [sflag:s12], $0x500  }
0x8b: {  	[sflag:s12] =	ssyncset.done $0x0  }
0x8c: {  	[sflag:s12] =	ssyncadd.s32 $0xFFFFFB00  }
0x8d: {  	_ =	sfence.sel $0x180000  }
0x8e: {  	[bflag:$0x0] =	sbarrier.arrive $0xFFFF  }
0x8f: {  	_ =	strace $0x9000004D  }
0x90: {  	s0 =	stileid.u32;
	[bflag:$0x2] =	sbarrier.arrive $0xFFFF  }
0x91: {  	p0 =	sne.s32 s0, $0x0;
	s0 =	rddreg [dreg:$0x2]  }
0x92: {  	s0 =	sadd.s32 @!p0 $0x100000, s0  }
0x93: {  	[sflag:s0] =	ssyncadd.tile.s32 @!p0 $0x1;
	_ =	shalt  }
.Lfunc_end2:
_tile_overlayer_lowered:
.L_overlay_start_2:
0x94: {  	(tag) =	ssettag $0x2  }
0x95: {  	s0 =	rddreg [dreg:$0x0];
	s2 =	stileid.u32  }
0x96: {  	s1 =	rddreg [dreg:$0x1];
	p0 =	sne.s32 s2, $0x0  }
0x97: {  	s3 =	rddreg [dreg:$0x2];
	[bflag:$0x3] =	sbarrier.arrive $0xFFFF;
	s2 =	simm.s32 @!p0 $0x1C09  }
0x98: {  	[timem:s3], [sflag:s2] =	dma.local @!p0 [hbm:s0], s1  }
0x99: {  	s0 =	simm.s32 @!p0 $0x9  }
0x9a: {  	_ =	swait.ge @!p0 [sflag:s0], s1  }
0x9b: {  	s1 =	ssub.s32 @!p0 $0x0, s1;
	[sflag:s0] =	ssyncset.done @!p0 $0x0  }
0x9c: {  	[sflag:s0] =	ssyncadd.s32 @!p0 s1  }
0x9d: {  	[bflag:$0x3] =	sbarrier.arrive $0xFFFF  }
0x9e: {  	_ =	shalt  }

// kernel: kernel.9.cloned.1.call-start
scs
__scs_entry_jumppad:
0x0: {  	(pc) =	sbr.rel $0x88, $3  }
0x1: {  	(tag) =	ssettag $0x0;
	lr =	simm.s32 $0x1  }
0x2: {  	[smem:$0x3F9B] =	sst lr;
	_ =	strace $0xD0000000  }
0x3: {  	_ = 	snop  }
0x4: {  	_ = 	snop  }
0x5: {  	_ = 	snop  }
0x6: {  	_ = 	snop  }
0x7: {  	_ = 	snop  }
__scs_overlays_trampoline_lowered:
0x8: {  	[smem:$0x3FAA] =	sst s0  }
0x9: {  	[smem:$0x3FAB] =	sst s1  }
0xa: {  	[smem:$0x3FAC] =	sst s2  }
0xb: {  	[smem:$0x3FAD] =	sst s3  }
0xc: {  	[smem:$0x3FAE] =	sst s4  }
0xd: {  	[smem:$0x3FAF] =	sst s5  }
0xe: {  	[smem:$0x3FB0] =	sst s6  }
0xf: {  	[smem:$0x3FB1] =	sst s7  }
0x10: {  	[smem:$0x3FB2] =	sst s8  }
0x11: {  	[smem:$0x3FB3] =	sst s9;
	s0 =	simm.s32 @!p0 $0x0  }
0x12: {  	s1 =	sld [smem:$0x3F99];
	s0 =	simm.s32 @p0 $0x1  }
0x13: {  	[smem:$0x3FB4] =	sst s0;
	s0 =	simm.s32 @!p1 $0x0  }
0x14: {  	s2 =	sld [smem:$0x3F98];
	s0 =	simm.s32 @p1 $0x1  }
0x15: {  	[smem:$0x3FB5] =	sst s0;
	s0 =	simm.s32 @!p2 $0x0  }
0x16: {  	s3 =	sld [smem:$0x3FDB];
	s0 =	simm.s32 @p2 $0x1  }
0x17: {  	s4 =	simm.s32 $0x1BF5;
	[smem:$0x3FB7] =	sst s0  }
0x18: {  	s0 =	sld [smem:$0x3F9A];
	_ =	swait.ge [sflag:s4], $0x0  }
0x19: {  	s7 =	sld [smem:$0x3F9B]  }
0x1a: {  	s8 =	sadd.s32 $0xFFFFE003, lr  }
0x1b: {  	s9 =	sadd.s32 $0xFFFFFEF7, lr;
	s5 =	simm.s32 $0xFFFFFFFF;
	p2 =	slt.u32 s8, $0xFFFFF086  }
0x1c: {  	p1 =	slt.u32 s9, $0xF7A;
	s5 =	simm.s32 @!p2 $0x0  }
0x1d: {  	s5 =	simm.s32 @p1 $0x1;
	p0 =	seq.s32 s7, s2  }
0x1e: {  	s7 =	smul.u32 @!p0 $0xF7A, s2;
	p2 =	seq.s32 @!p0 s5, $0x0  }
0x1f: {  	s9 =	smul.u32 $0xF7A, s1;
	s8 =	simm.s32 @!p0 $0x1BF5;
	p2 =	por !p2, p0  }
0x20: {  	[sflag:s8] =	ssyncset.s32 @!p0 $0xFFFFF086;
	s6 =	sadd.s32 @!p0 s3, s7;
	s7 =	simm.s32 @!p0 $0x108  }
0x21: {  	s3 =	sadd.s32 s3, s9;
	s6 =	sadd.s32 @!p0 $0x88, s6;
	s7 =	simm.s32 @p2 $0x1082  }
0x22: {  	[simem:s7], [sflag:s8] =	dma.local @!p0 [hbm:s6], $0xF7A  }
0x23: {  	s9 =	sor.u32 $0xD0000000, s2;
	s6 =	simm.s32 $0x108;
	_ =	swait.ge @!p0 [sflag:s8], $0x0  }
0x24: {  	s3 =	sadd.s32 $0x88, s3;
	s6 =	simm.s32 @!p1 $0x1082;
	[sflag:s4] =	ssyncset.s32 $0xFFFFF086  }
0x25: {  	[simem:s6], [sflag:s4] =	dma.local [hbm:s3], $0xF7A  }
0x26: {  	[smem:$0x3F9B] =	sst s1;
	(tag) =	ssettag s2;
	_ =	strace s9  }
0x27: {  	s1 =	sld [smem:$0x3FAB]  }
0x28: {  	s2 =	sld [smem:$0x3FAC]  }
0x29: {  	s4 =	sld [smem:$0x3FAE]  }
0x2a: {  	p0 =	seq.s32 s5, $0x0;
	s5 =	sld [smem:$0x3FAF]  }
0x2b: {  	s6 =	sld [smem:$0x3FB0]  }
0x2c: {  	s7 =	sld [smem:$0x3FB1]  }
0x2d: {  	s3 =	simm.s32 $0x108;
	s8 =	sld [smem:$0x3FB2]  }
0x2e: {  	s3 =	simm.s32 @!p0 $0x1082;
	s9 =	sld [smem:$0x3FB3]  }
0x2f: {  	lr =	sadd.s32 s0, s3;
	s0 =	sld [smem:$0x3FAA]  }
0x30: {  	s3 =	sld [smem:$0x3FAD]  }
0x31: {  	[smem:$0x3FB6] =	sst s10  }
0x32: {  	s10 =	sld [smem:$0x3FB4];
	_ =	sdelay $0x3  }
0x33: {  	p0 =	seq.s32 s10, $0x1;
	s10 =	sld [smem:$0x3FB6];
	_ =	sdelay $0x3  }
0x34: {  	[smem:$0x3FB6] =	sst s10  }
0x35: {  	s10 =	sld [smem:$0x3FB5];
	_ =	sdelay $0x3  }
0x36: {  	p1 =	seq.s32 s10, $0x1;
	s10 =	sld [smem:$0x3FB6];
	_ =	sdelay $0x3  }
0x37: {  	[smem:$0x3FB6] =	sst s10  }
0x38: {  	s10 =	sld [smem:$0x3FB7]  }
0x39: {  	_ = 	snop;
	(pc) =	sbr.ind lr, $3  }
0x3a: {  	_ = 	snop  }
0x3b: {  	_ = 	snop  }
0x3c: {  	p2 =	seq.s32 s10, $0x1;
	s10 =	sld [smem:$0x3FB6]  }
0x3d: {  	_ =	shalt  }
0x3e: {  	_ =	shalt  }
0x3f: {  	_ =	shalt  }
0x40: {  	_ =	shalt  }
0x41: {  	_ =	shalt  }
0x42: {  	_ =	shalt  }
0x43: {  	_ =	shalt  }
0x44: {  	_ =	shalt  }
0x45: {  	_ =	shalt  }
0x46: {  	_ =	shalt  }
0x47: {  	_ =	shalt  }
0x48: {  	_ =	shalt  }
0x49: {  	_ =	shalt  }
0x4a: {  	_ =	shalt  }
0x4b: {  	_ =	shalt  }
0x4c: {  	_ =	shalt  }
0x4d: {  	_ =	shalt  }
0x4e: {  	_ =	shalt  }
0x4f: {  	_ =	shalt  }
0x50: {  	_ =	shalt  }
0x51: {  	_ =	shalt  }
0x52: {  	_ =	shalt  }
0x53: {  	_ =	shalt  }
0x54: {  	_ =	shalt  }
0x55: {  	_ =	shalt  }
0x56: {  	_ =	shalt  }
0x57: {  	_ =	shalt  }
0x58: {  	_ =	shalt  }
0x59: {  	_ =	shalt  }
0x5a: {  	_ =	shalt  }
0x5b: {  	_ =	shalt  }
0x5c: {  	_ =	shalt  }
0x5d: {  	_ =	shalt  }
0x5e: {  	_ =	shalt  }
0x5f: {  	_ =	shalt  }
0x60: {  	_ =	shalt  }
0x61: {  	_ =	shalt  }
0x62: {  	_ =	shalt  }
0x63: {  	_ =	shalt  }
0x64: {  	_ =	shalt  }
0x65: {  	_ =	shalt  }
0x66: {  	_ =	shalt  }
0x67: {  	_ =	shalt  }
0x68: {  	_ =	shalt  }
0x69: {  	_ =	shalt  }
0x6a: {  	_ =	shalt  }
0x6b: {  	_ =	shalt  }
0x6c: {  	_ =	shalt  }
0x6d: {  	_ =	shalt  }
0x6e: {  	_ =	shalt  }
0x6f: {  	_ =	shalt  }
0x70: {  	_ =	shalt  }
0x71: {  	_ =	shalt  }
0x72: {  	_ =	shalt  }
0x73: {  	_ =	shalt  }
0x74: {  	_ =	shalt  }
0x75: {  	_ =	shalt  }
0x76: {  	_ =	shalt  }
0x77: {  	_ =	shalt  }
0x78: {  	_ =	shalt  }
0x79: {  	_ =	shalt  }
0x7a: {  	_ =	shalt  }
0x7b: {  	_ =	shalt  }
0x7c: {  	_ =	shalt  }
0x7d: {  	_ =	shalt  }
0x7e: {  	_ =	shalt  }
0x7f: {  	_ =	shalt  }
0x80: {  	_ =	shalt  }
0x81: {  	_ =	shalt  }
0x82: {  	_ =	shalt  }
0x83: {  	_ =	shalt  }
0x84: {  	_ =	shalt  }
0x85: {  	_ =	shalt  }
0x86: {  	_ =	shalt  }
0x87: {  	_ =	shalt  }
.Lfunc_end0:
.L_simem_size_0:
called_computation_lowered:
.L_overlay_start_0:
0x88: {  	s2 =	sld [smem:$0x3FD9]  }
0x89: {  	s3 =	sld [smem:$0x3FFE];
	_ =	sdelay $0x1  }
0x8a: {  	s1 =	srdreg.scid  }
0x8b: {  	s0 =	sand.u32 $0x1, s1  }
0x8c: {  	s16 =	sshll.u32 s0, $0xA;
	s2 =	sadd.s32 s3, s2  }
0x8d: {  	s2 =	sadd.s32 s2, s16  }
0x8e: {  	[smem:$0x3FC2] =	sst s2  }
0x8f: {  	_ = 	snop  }
0x90: {  	(tm) =	ssettm $0x1  }
0x91: {  	s17 =	sld [smem:$0x3FFB];
	_ =	sdelay $0x3  }
0x92: {  	_ =	strace s17  }
0x93: {  	s2 =	sld [smem:$0x3FFC];
	_ =	sdelay $0x3  }
0x94: {  	_ =	strace s2  }
0x95: {  	s2 =	sld [smem:$0x3FFD];
	_ =	sdelay $0x3  }
0x96: {  	_ =	strace s2  }
0x97: {  	_ =	strace $0x8FFFFFFF  }
0x98: {  	s18 =	sld [smem:$0x3FDB];
	_ =	sdelay $0x1  }
0x99: {  	s19 =	simm.s32 $_scs_section_size  }
0x9a: {  	s4 =	simm.s32 $_size__tile_overlayer_lowered;
	s5 =	simm.s32 $_tile_overlayer_lowered  }
0x9b: {  	s22 =	simm.s32 $0x1BFF;
	s21 =	sshll.u32 s5, $0x1;
	s2 =	sadd.s32 s19, s18  }
0x9c: {  	s6 =	simm.s32 $0x0;
	s20 =	sshll.u32 s4, $0x1;
	s4 =	sadd.s32 s21, s2  }
0x9d: {  	[timem:s6], [sflag:s22] =	dma.local [hbm:s4], s20  }
0x9e: {  	_ =	swait.ge [sflag:s22], s20  }
0x9f: {  	s3 =	ssub.s32 $0x0, s20;
	[sflag:s22] =	ssyncset.done $0x0  }
0xa0: {  	[sflag:s22] =	ssyncadd.s32 s3;
	_ =	sdelay $0x1  }
0xa1: {  	s23 =	simm.s32 $0x1B8B  }
0xa2: {  	_ =	swait.ge [sflag:s23], $0x1  }
0xa3: {  	[sflag:s23] =	ssyncset.done $0x0  }
0xa4: {  	s25 =	simm.s32 $0x1B8E;
	s24 =	sld [smem:$0x3FFE];
	[sflag:s23] =	ssyncadd.s32 $0xFFFFFFFF  }
0xa5: {  	s26 =	simm.s32 $execute0_lowered;
	[smem:$0x3FD2] =	sst s25  }
0xa6: {  	s4 =	sshll.u32 s26, $0x1;
	_ =	strace $0x80000046;
	[dreg:$0x1] =	wrdreg $0xFFFFFFFF  }
0xa7: {  	s28 =	simm.s32 $_size_execute0_lowered;
	s2 =	sadd.s32 s2, s4;
	[dreg:$0x0] =	wrdreg $0x0  }
0xa8: {  	s4 =	sshll.u32 s28, $0x1;
	[dreg:$0x2] =	wrdreg s2  }
0xa9: {  	[dreg:$0x3] =	wrdreg s4  }
0xaa: {  	[dreg:$0x4] =	wrdreg $0xC0  }
0xab: {  	_ =	task [dreg:s6], $0x5FFFF  }
0xac: {  	[dreg:$0x1] =	wrdreg $0xFFFFFFFF  }
0xad: {  	[dreg:$0x0] =	wrdreg $0x60  }
0xae: {  	[dreg:$0x2] =	wrdreg s24  }
0xaf: {  	[dreg:$0x3] =	wrdreg $0x53000  }
0xb0: {  	[dreg:$0x4] =	wrdreg $0x9  }
0xb1: {  	_ =	task.clear_ibuf [dreg:s6], $0x5FFFF;
	_ =	strace $0x90000046  }
0xb2: {  	s29 =	simm.s32 $0x9;
	_ =	strace $0x80000048  }
0xb3: {  	_ =	swait.ge [sflag:s29], $0x1  }
0xb4: {  	[sflag:s29] =	ssyncadd.s32 $0xFFFFFFFF  }
0xb5: {  	_ =	strace $0x90000048  }
0xb6: {  	_ =	sfence  }
0xb7: {  	s30 =	sld [smem:$0x0];
	_ =	sdelay $0x2  }
0xb8: {  	s31 =	sshll.u32 s1, $0xD;
	s1 =	sshrl.u32 s1, $0x2  }
0xb9: {  	s3 =	sand.u32 $0x4000, s31;
	s1 =	sadd.s32 s1, s30  }
0xba: {  	s0 =	sor.u32 s3, s0;
	s1 =	sshll.u32 s1, $0x11  }
0xbb: {  	s0 =	sor.u32 s1, s0  }
0xbc: {  	s0 =	sadd.s32 $0x8F2B, s0  }
0xbd: {  	[sflag:s0] =	ssyncadd.remote.s32 $0x1  }
0xbe: {  	_ =	sfence.sel $0xFFFF  }
0xbf: {  	[dreg:$0x0] =	wrdreg $0xFFFFFFFF;
	(pc) =	sbr.abs _section_cstart, $3  }
0xc0: {  	[dreg:$0x1] =	wrdreg $0xFFFFFFFF  }
0xc1: {  	_ =	task.clear_ibuf [dreg:s6], $0x2FFFF;
	_ =	strace $0x9FFFFFFF  }
0xc2: {  	(tm) =	ssettm $0x7FFFFFFF  }
0xc3: {  	_ =	shalt  }
tec
execute0_lowered:
.L_overlay_start_1:
0x0: {  	(tag) =	ssettag $0x1  }
0x1: {  	s4 =	rddreg [dreg:$0x0]  }
0x2: {  	s2 =	rddreg [dreg:$0x1];
	s1 =	srdreg.scid  }
0x3: {  	s0 =	rddreg [dreg:$0x2];
	s3 =	simm.s32 $0x0;
	s10 =	simm.s32 $0x7D  }
0x4: {  	s11 =	simm.s32 $0x2800;
	s12 =	simm.s32 $0x80;
	s13 =	simm.s32 $0x100  }
0x5: {  	s14 =	simm.s32 $0x180;
	s15 =	simm.s32 $0x200;
	s16 =	simm.s32 $0x280  }
0x6: {  	s17 =	simm.s32 $0x300;
	s18 =	simm.s32 $0x380;
	s19 =	simm.s32 $0x1  }
0x7: {  	s20 =	simm.s32 $0x2B00;
	s5 =	sand.u32 $0x1, s1;
	s1 =	stileid.u32  }
0x8: {  	s21 =	simm.s32 $0x0;
	[smem:$0x7FF] =	sst s3;
	s6 =	smul.u32 $0x28000, s5  }
0x9: {  	s7 =	smul.u32 $0x2800, s1;
	s8 =	sshll.u32 s5, $0x4;
	_ =	strace $0x80000047  }
0xa: {  	s5 =	ssub.s32 $0x2, s5;
	s30 =	smul.u32 $0xA00, s1;
	s8 =	sor.u32 s1, s8  }
0xb: {  	s9 =	sshrl.u32 s5, $0x1;
	s6 =	sadd.s32 s7, s6;
	s29 =	smul.u32 $0x2800, s8  }
0xc: {  	s9 =	ssub.s32 s5, s9;
	s31 =	sshrl.u32 s30, $0x2;
	s6 =	sshrl.u32 s6, $0x3  }
0xd: {  	s8 =	simm.s32 $0x2;
	s6 =	sadd.s32 s6, s4;
	s7 =	sshrl.u32 s29, $0x3  }
0xe: {  	s5 =	sadd.s32 s31, s2;
	s4 =	sadd.s32 s4, s7;
	s6 =	sadd.s32 $0x16C00, s6  }
0xf: {  	v0 =	vimm.f32 $1.000000000e+00;
	v1 =	vimm.f32 $0.0e+00;
	s7 =	smax.u32 s9, $0x1;
	s9 =	simm.s32 $0x2880;
	s4 =	sadd.s32 $0xCC00, s4  }
.LBB2_1:
0x10: {  	[tilespmem:s3], [sflag:$0x2] =	stream.linear.gather [hbm4b:s4+s3], $0x2800, $0x38;
	[tilespmem:$0x5580] =	vst v63  }
0x11: {  	_ =	swait.ge [sflag:s8], $0x2800  }
0x12: {  	[sflag:s8] =	ssyncset.done $0x0  }
0x13: {  	[sflag:s8] =	ssyncadd.s32 $0xFFFFD800  }
0x14: {  	[tilespmem:$0x2800] =	vst v0  }
0x15: {  	[tilespmem:$0x2810] =	vst v0  }
0x16: {  	[tilespmem:$0x2820] =	vst v0  }
0x17: {  	[tilespmem:$0x2830] =	vst v0  }
0x18: {  	[tilespmem:$0x2840] =	vst v0  }
0x19: {  	[tilespmem:$0x2850] =	vst v0  }
0x1a: {  	[tilespmem:$0x2860] =	vst v0  }
0x1b: {  	[tilespmem:$0x2870] =	vst v0  }
0x1c: {  	[tilespmem:$0x2880] =	vst v1  }
0x1d: {  	[tilespmem:$0x2890] =	vst v1  }
0x1e: {  	[tilespmem:$0x28A0] =	vst v1  }
0x1f: {  	[tilespmem:$0x28B0] =	vst v1  }
0x20: {  	[tilespmem:$0x28C0] =	vst v1  }
0x21: {  	[tilespmem:$0x28D0] =	vst v1  }
0x22: {  	[tilespmem:$0x28E0] =	vst v1  }
0x23: {  	[tilespmem:$0x28F0] =	vst v1  }
0x24: {  	[tilespmem:$0x2900] =	vst v1  }
0x25: {  	[tilespmem:$0x2910] =	vst v1  }
0x26: {  	[tilespmem:$0x2920] =	vst v1  }
0x27: {  	[tilespmem:$0x2930] =	vst v1  }
0x28: {  	[tilespmem:$0x2940] =	vst v1  }
0x29: {  	[tilespmem:$0x2950] =	vst v1  }
0x2a: {  	[tilespmem:$0x2960] =	vst v1  }
0x2b: {  	[tilespmem:$0x2970] =	vst v1  }
0x2c: {  	[tilespmem:$0x2980] =	vst v1  }
0x2d: {  	[tilespmem:$0x2990] =	vst v1  }
0x2e: {  	[tilespmem:$0x29A0] =	vst v1  }
0x2f: {  	[tilespmem:$0x29B0] =	vst v1  }
0x30: {  	[tilespmem:$0x29C0] =	vst v1  }
0x31: {  	[tilespmem:$0x29D0] =	vst v1  }
0x32: {  	[tilespmem:$0x29E0] =	vst v1  }
0x33: {  	[tilespmem:$0x29F0] =	vst v1  }
0x34: {  	[tilespmem:$0x2A00] =	vst v1  }
0x35: {  	[tilespmem:$0x2A10] =	vst v1  }
0x36: {  	[tilespmem:$0x2A20] =	vst v1  }
0x37: {  	[tilespmem:$0x2A30] =	vst v1  }
0x38: {  	[tilespmem:$0x2A40] =	vst v1  }
0x39: {  	[tilespmem:$0x2A50] =	vst v1  }
0x3a: {  	[tilespmem:$0x2A60] =	vst v1  }
0x3b: {  	[tilespmem:$0x2A70] =	vst v1  }
0x3c: {  	[tilespmem:$0x2A80] =	vst v1  }
0x3d: {  	[tilespmem:$0x2A90] =	vst v1  }
0x3e: {  	[tilespmem:$0x2AA0] =	vst v1  }
0x3f: {  	[tilespmem:$0x2AB0] =	vst v1  }
0x40: {  	[tilespmem:$0x2AC0] =	vst v1  }
0x41: {  	[tilespmem:$0x2AD0] =	vst v1  }
0x42: {  	[tilespmem:$0x2AE0] =	vst v1  }
0x43: {  	[tilespmem:$0x2AF0] =	vst v1  }
0x44: {  	[spmem:s5] =	stream.linear.scatter [tilespmem:s9], [sflag:$0x2], $0x280, $0x38;
	[tilespmem:$0x5580] =	vst v63  }
0x45: {  	_ =	swait.ge [sflag:s8], $0x280  }
0x46: {  	[sflag:s8] =	ssyncset.done $0x0  }
0x47: {  	[sflag:s8] =	ssyncadd.s32 $0xFFFFFD80  }
0x48: {  	[bflag:$0x0] =	sbarrier.arrive $0xFFFF  }
0x49: {  	[spmem:s2] =	stream.indirect.scatter.add.f32 [tilespmem:s11], [sflag:$0x1], $0x1, s3, s10, $0xb8;
	[tilespmem:$0x5580] =	vst v63  }
0x4a: {  	_ = 	snop  }
0x4b: {  	[spmem:s2] =	stream.indirect.scatter.add.f32 [tilespmem:s11], [sflag:$0x1], $0x1, s12, s10, $0xb8;
	[tilespmem:$0x5580] =	vst v63  }
0x4c: {  	_ = 	snop  }
0x4d: {  	[spmem:s2] =	stream.indirect.scatter.add.f32 [tilespmem:s11], [sflag:$0x1], $0x1, s13, s10, $0xb8;
	[tilespmem:$0x5580] =	vst v63  }
0x4e: {  	_ = 	snop  }
0x4f: {  	[spmem:s2] =	stream.indirect.scatter.add.f32 [tilespmem:s11], [sflag:$0x1], $0x1, s14, s10, $0xb8;
	[tilespmem:$0x5580] =	vst v63  }
0x50: {  	_ = 	snop  }
0x51: {  	[spmem:s2] =	stream.indirect.scatter.add.f32 [tilespmem:s11], [sflag:$0x1], $0x1, s15, s10, $0xb8;
	[tilespmem:$0x5580] =	vst v63  }
0x52: {  	_ = 	snop  }
0x53: {  	[spmem:s2] =	stream.indirect.scatter.add.f32 [tilespmem:s11], [sflag:$0x1], $0x1, s16, s10, $0xb8;
	[tilespmem:$0x5580] =	vst v63  }
0x54: {  	_ = 	snop  }
0x55: {  	[spmem:s2] =	stream.indirect.scatter.add.f32 [tilespmem:s11], [sflag:$0x1], $0x1, s17, s10, $0xb8;
	[tilespmem:$0x5580] =	vst v63  }
0x56: {  	_ = 	snop  }
0x57: {  	[spmem:s2] =	stream.indirect.scatter.add.f32 [tilespmem:s11], [sflag:$0x1], $0x1, s18, s10, $0xb8;
	[tilespmem:$0x5580] =	vst v63  }
0x58: {  	_ =	swait.ge [sflag:s19], $0x7D  }
0x59: {  	[sflag:s19] =	ssyncset.done $0x0  }
0x5a: {  	s22 =	simm.s32 $0x1200;
	s23 =	simm.s32 $0x400;
	[sflag:s19] =	ssyncadd.s32 $0xFFFFFF83  }
.LBB2_2:
0x5b: {  	[spmem:s2] =	stream.indirect.scatter.add.f32 [tilespmem:s11], [sflag:$0x1], $0x1, s23, s10, $0xb8;
	[tilespmem:$0x5580] =	vst v63  }
0x5c: {  	s23 =	smov.u32 s22;
	p0 =	sne.s32 s22, $0x9E00  }
.Ltmp0:
0x5d: {  	s22 =	sadd.s32 $0x200, s22;
	(pc) =	sbr.rel @p0 .LBB2_2-.Ltmp0, $4  }
0x5e: {  	_ = 	snop  }
0x5f: {  	_ =	swait.ge [sflag:s19], $0x7D  }
0x60: {  	[sflag:s19] =	ssyncset.done $0x0  }
0x61: {  	s23 =	sshra.s32 s23, $0x2;
	[sflag:s19] =	ssyncadd.s32 $0xFFFFFF83  }
0x62: {  	[spmem:s2] =	stream.indirect.scatter.add.f32 [tilespmem:s11], [sflag:$0x1], $0x1, s23, s10, $0xb8;
	[tilespmem:$0x5580] =	vst v63  }
0x63: {  	_ =	swait.ge [sflag:s19], $0x7D  }
0x64: {  	[sflag:s19] =	ssyncset.done $0x0  }
0x65: {  	[sflag:s19] =	ssyncadd.s32 $0xFFFFFF83  }
0x66: {  	_ =	swait.ge [sflag:s19], $0x7D  }
0x67: {  	[sflag:s19] =	ssyncset.done $0x0  }
0x68: {  	[sflag:s19] =	ssyncadd.s32 $0xFFFFFF83  }
0x69: {  	_ =	swait.ge [sflag:s19], $0x7D  }
0x6a: {  	[sflag:s19] =	ssyncset.done $0x0  }
0x6b: {  	[sflag:s19] =	ssyncadd.s32 $0xFFFFFF83  }
0x6c: {  	_ =	swait.ge [sflag:s19], $0x7D  }
0x6d: {  	[sflag:s19] =	ssyncset.done $0x0  }
0x6e: {  	[sflag:s19] =	ssyncadd.s32 $0xFFFFFF83  }
0x6f: {  	_ =	swait.ge [sflag:s19], $0x7D  }
0x70: {  	[sflag:s19] =	ssyncset.done $0x0  }
0x71: {  	[sflag:s19] =	ssyncadd.s32 $0xFFFFFF83  }
0x72: {  	_ =	swait.ge [sflag:s19], $0x7D  }
0x73: {  	[sflag:s19] =	ssyncset.done $0x0  }
0x74: {  	[sflag:s19] =	ssyncadd.s32 $0xFFFFFF83  }
0x75: {  	_ =	swait.ge [sflag:s19], $0x7D  }
0x76: {  	[sflag:s19] =	ssyncset.done $0x0  }
0x77: {  	[sflag:s19] =	ssyncadd.s32 $0xFFFFFF83  }
0x78: {  	_ =	swait.ge [sflag:s19], $0x7D  }
0x79: {  	[sflag:s19] =	ssyncset.done $0x0  }
0x7a: {  	[sflag:s19] =	ssyncadd.s32 $0xFFFFFF83  }
0x7b: {  	[bflag:$0x0] =	sbarrier.arrive $0xFFFF  }
0x7c: {  	[tilespmem:s9], [sflag:$0x2] =	stream.linear.gather [spmem:s5], $0x280, $0x38;
	[tilespmem:$0x5580] =	vst v63  }
0x7d: {  	_ =	swait.ge [sflag:s8], $0x280  }
0x7e: {  	[sflag:s8] =	ssyncset.done $0x0  }
0x7f: {  	s22 =	simm.s32 $0x0;
	[sflag:s8] =	ssyncadd.s32 $0xFFFFFD80  }
0x80: {  	v2 =	vld [tilespmem:s22+$0x2880];
	_ =	sdelay $0x4  }
0x81: {  	v3 =	vbroadcast v2, $0x0  }
0x82: {  	s22 =	simm.s32 $0x2B80;
	v4 =	vbroadcast v2, $0x1  }
0x83: {  	v5 =	vbroadcast v2, $0x2;
	[tilespmem:s22+$0xFFFFFF80] =	vst v3  }
0x84: {  	v56 =	vbroadcast v2, $0x4;
	[tilespmem:s22+$0xFFFFFF90] =	vst v4  }
0x85: {  	v57 =	vbroadcast v2, $0x5;
	[tilespmem:s22+$0xFFFFFFA0] =	vst v5  }
0x86: {  	v58 =	vbroadcast v2, $0x7;
	[tilespmem:s22+$0xFFFFFFC0] =	vst v56  }
0x87: {  	v59 =	vbroadcast v2, $0x8;
	[tilespmem:s22+$0xFFFFFFD0] =	vst v57  }
0x88: {  	v60 =	vbroadcast v2, $0xA;
	[tilespmem:s22+$0xFFFFFFF0] =	vst v58  }
0x89: {  	v3 =	vbroadcast v2, $0x3;
	[tilespmem:s22+$0x0] =	vst v59  }
0x8a: {  	v61 =	vbroadcast v2, $0xB;
	[tilespmem:s22+$0x20] =	vst v60  }
0x8b: {  	[tilespmem:s22+$0xFFFFFFB0] =	vst v3;
	v3 =	vbroadcast v2, $0x6  }
0x8c: {  	v62 =	vbroadcast v2, $0xD;
	[tilespmem:s22+$0x30] =	vst v61  }
0x8d: {  	[tilespmem:s22+$0xFFFFFFE0] =	vst v3;
	v3 =	vbroadcast v2, $0x9  }
0x8e: {  	v63 =	vbroadcast v2, $0xE;
	[tilespmem:s22+$0x50] =	vst v62  }
0x8f: {  	[tilespmem:s22+$0x10] =	vst v3;
	v3 =	vbroadcast v2, $0xC  }
0x90: {  	[tilespmem:s22+$0x60] =	vst v63;
	v2 =	vbroadcast v2, $0xF  }
0x91: {  	[tilespmem:s22+$0x40] =	vst v3  }
0x92: {  	s24 =	simm.s32 $0x10;
	s23 =	simm.s32 $0x80;
	[tilespmem:s22+$0x70] =	vst v2  }
.LBB2_4:
0x93: {  	p0 =	sne.s32 s23, $0x9C0;
	v2 =	vld [tilespmem:s24+$0x2880];
	_ =	sdelay $0x4  }
0x94: {  	v3 =	vbroadcast v2, $0x0;
	v4 =	vbroadcast v2, $0x1  }
0x95: {  	s22 =	sadd.s32 $0x100, s22;
	v5 =	vbroadcast v2, $0x2;
	v6 =	vbroadcast v2, $0x3  }
0x96: {  	v7 =	vbroadcast v2, $0x5;
	[tilespmem:s22+$0xFFFFFF80] =	vst v3;
	v3 =	vbroadcast v2, $0x4  }
0x97: {  	v8 =	vbroadcast v2, $0x7;
	[tilespmem:s22+$0xFFFFFF90] =	vst v4;
	v4 =	vbroadcast v2, $0x6  }
0x98: {  	v9 =	vbroadcast v2, $0x9;
	[tilespmem:s22+$0xFFFFFFA0] =	vst v5;
	v5 =	vbroadcast v2, $0x8  }
0x99: {  	v10 =	vbroadcast v2, $0xB;
	[tilespmem:s22+$0xFFFFFFB0] =	vst v6;
	v6 =	vbroadcast v2, $0xA  }
0x9a: {  	v11 =	vbroadcast v2, $0xD;
	[tilespmem:s22+$0xFFFFFFC0] =	vst v3;
	v3 =	vbroadcast v2, $0xC  }
0x9b: {  	[tilespmem:s22+$0xFFFFFFD0] =	vst v7;
	v7 =	vbroadcast v2, $0xE;
	v2 =	vbroadcast v2, $0xF  }
0x9c: {  	[tilespmem:s22+$0xFFFFFFE0] =	vst v4  }
0x9d: {  	[tilespmem:s22+$0xFFFFFFF0] =	vst v8  }
0x9e: {  	[tilespmem:s22+$0x0] =	vst v5  }
0x9f: {  	[tilespmem:s22+$0x10] =	vst v9  }
0xa0: {  	[tilespmem:s22+$0x20] =	vst v6  }
.Ltmp1:
0xa1: {  	[tilespmem:s22+$0x30] =	vst v10;
	(pc) =	sbr.rel @p0 .LBB2_4-.Ltmp1, $4  }
0xa2: {  	[tilespmem:s22+$0x40] =	vst v3  }
0xa3: {  	[tilespmem:s22+$0x50] =	vst v11  }
0xa4: {  	[tilespmem:s22+$0x60] =	vst v7  }
0xa5: {  	s24 =	sshra.s32 s23, $0x2;
	s23 =	sadd.s32 $0x40, s23;
	[tilespmem:s22+$0x70] =	vst v2  }
0xa6: {  	v2 =	vld [tilespmem:s24+$0x2880];
	_ =	sdelay $0x4  }
0xa7: {  	v3 =	vbroadcast v2, $0x0  }
0xa8: {  	s22 =	sadd.s32 $0x100, s22;
	v4 =	vbroadcast v2, $0x1  }
0xa9: {  	v5 =	vbroadcast v2, $0x2;
	[tilespmem:s22+$0xFFFFFF80] =	vst v3  }
0xaa: {  	v56 =	vbroadcast v2, $0x4;
	[tilespmem:s22+$0xFFFFFF90] =	vst v4  }
0xab: {  	v57 =	vbroadcast v2, $0x5;
	[tilespmem:s22+$0xFFFFFFA0] =	vst v5  }
0xac: {  	v58 =	vbroadcast v2, $0x7;
	[tilespmem:s22+$0xFFFFFFC0] =	vst v56  }
0xad: {  	v59 =	vbroadcast v2, $0x8;
	[tilespmem:s22+$0xFFFFFFD0] =	vst v57  }
0xae: {  	v60 =	vbroadcast v2, $0xA;
	[tilespmem:s22+$0xFFFFFFF0] =	vst v58  }
0xaf: {  	v3 =	vbroadcast v2, $0x3;
	[tilespmem:s22+$0x0] =	vst v59  }
0xb0: {  	v61 =	vbroadcast v2, $0xB;
	[tilespmem:s22+$0x20] =	vst v60  }
0xb1: {  	[tilespmem:s22+$0xFFFFFFB0] =	vst v3;
	v3 =	vbroadcast v2, $0x6  }
0xb2: {  	v62 =	vbroadcast v2, $0xD;
	[tilespmem:s22+$0x30] =	vst v61  }
0xb3: {  	[tilespmem:s22+$0xFFFFFFE0] =	vst v3;
	v3 =	vbroadcast v2, $0x9  }
0xb4: {  	v63 =	vbroadcast v2, $0xE;
	[tilespmem:s22+$0x50] =	vst v62  }
0xb5: {  	[tilespmem:s22+$0x10] =	vst v3;
	v3 =	vbroadcast v2, $0xC  }
0xb6: {  	s21 =	sadd.s32 $0x1, s21;
	[tilespmem:s22+$0x60] =	vst v63;
	v2 =	vbroadcast v2, $0xF  }
0xb7: {  	p0 =	sne.s32 s21, s7;
	[tilespmem:s22+$0x40] =	vst v3  }
.Ltmp2:
0xb8: {  	[tilespmem:s22+$0x70] =	vst v2;
	(pc) =	sbr.rel @p0 .LBB2_1-.Ltmp2, $4  }
0xb9: {  	[hbm4b:s6+s3] =	stream.linear.scatter [tilespmem:s20], [sflag:$0x2], $0x2800, $0x38;
	[tilespmem:$0x5580] =	vst v63  }
0xba: {  	_ =	swait.ge [sflag:s8], $0x2800  }
0xbb: {  	[sflag:s8] =	ssyncset.done $0x0  }
0xbc: {  	[sflag:s8] =	ssyncadd.s32 $0xFFFFD800  }
0xbd: {  	_ =	sfence.sel $0x180000  }
0xbe: {  	[bflag:$0x0] =	sbarrier.arrive $0xFFFF  }
0xbf: {  	p0 =	sne.s32 s1, $0x0;
	_ =	strace $0x90000047  }
0xc0: {  	s0 =	sadd.s32 @!p0 $0x100000, s0;
	[bflag:$0x2] =	sbarrier.arrive $0xFFFF  }
0xc1: {  	[sflag:s0] =	ssyncadd.tile.s32 @!p0 $0x1;
	_ =	shalt  }
.Lfunc_end2:
_tile_overlayer_lowered:
.L_overlay_start_2:
0xc2: {  	(tag) =	ssettag $0x2  }
0xc3: {  	s0 =	rddreg [dreg:$0x0];
	s2 =	stileid.u32  }
0xc4: {  	s1 =	rddreg [dreg:$0x1];
	p0 =	sne.s32 s2, $0x0  }
0xc5: {  	s3 =	rddreg [dreg:$0x2];
	[bflag:$0x3] =	sbarrier.arrive $0xFFFF;
	s2 =	simm.s32 @!p0 $0x1C02  }
0xc6: {  	[timem:s3], [sflag:s2] =	dma.local @!p0 [hbm:s0], s1  }
0xc7: {  	s0 =	simm.s32 @!p0 $0x2  }
0xc8: {  	_ =	swait.ge @!p0 [sflag:s0], s1  }
0xc9: {  	s1 =	ssub.s32 @!p0 $0x0, s1;
	[sflag:s0] =	ssyncset.done @!p0 $0x0  }
0xca: {  	[sflag:s0] =	ssyncadd.s32 @!p0 s1  }
0xcb: {  	[bflag:$0x3] =	sbarrier.arrive $0xFFFF  }
0xcc: {  	_ =	shalt  }

</sc_bundles>
